<compile_context>
chip_gen: v7x
topology: tpu7x:2x2x1
jax: 0.10.2.dev20260603
libtpu: 0.0.44.dev20260713+nightly
codegen_flags: <defaults>
</compile_context>

<pallas_src>
import functools

import jax
import jax.numpy as jnp
from jax import lax
from jax.experimental import pallas as pl
from jax.experimental.pallas import tpu as pltpu
from jax.experimental.pallas import tpu_sc as plsc

VOCAB = 100000
EMBED_DIM = 64
BATCH = 4096
HIST_LEN = 50

NUM_CORES = 2
NUM_SUBCORES = 16
NUM_WORKERS = NUM_CORES * NUM_SUBCORES
BPW = BATCH // NUM_WORKERS
CHUNK = BPW
NSTREAM = HIST_LEN
NBUF = 5
NWAVES = NSTREAM // NBUF
UNROLL = 8
NLANE = 16
NVEC = EMBED_DIM // NLANE


def _body(idx_hbm, table_hbm, out_hbm, idx_v, b0, b1, b2, b3, b4,
          acc_v, s0, s1, s2, s3, s4, sem_idx):
    ring = (b0, b1, b2, b3, b4)
    sems = (s0, s1, s2, s3, s4)
    wid = lax.axis_index("s") * NUM_CORES + lax.axis_index("c")

    pltpu.sync_copy(idx_hbm.at[wid, pl.ds(0, NBUF)],
                    idx_v.at[pl.ds(0, NBUF)])
    rest_cp = pltpu.async_copy(
        idx_hbm.at[wid, pl.ds(NBUF, NSTREAM - NBUF)],
        idx_v.at[pl.ds(NBUF, NSTREAM - NBUF)], sem_idx)

    def reduce_one(s, k):
        pltpu.make_async_copy(
            table_hbm.at[idx_v.at[s]], ring[k], sems[k]).wait()
        buf = ring[k]

        @plsc.parallel_loop(0, CHUNK, unroll=UNROLL)
        def rbody(i):
            for j in range(NVEC):
                acc_v[i, pl.ds(j * NLANE, NLANE)] += (
                    buf[i, pl.ds(j * NLANE, NLANE)])

    for k in range(NBUF):
        pltpu.async_copy(table_hbm.at[idx_v.at[k]], ring[k], sems[k])

    zero = jnp.zeros((NLANE,), jnp.float32)

    @plsc.parallel_loop(0, BPW, unroll=UNROLL)
    def zbody(b):
        for j in range(NVEC):
            acc_v[b, pl.ds(j * NLANE, NLANE)] = zero

    rest_cp.wait()

    def wbody(w, carry):
        for k in range(NBUF):
            s = w * NBUF + k
            reduce_one(s, k)
            pltpu.async_copy(
                table_hbm.at[idx_v.at[s + NBUF]], ring[k], sems[k])
        return carry

    lax.fori_loop(0, NWAVES - 1, wbody, None)

    for k in range(NBUF):
        reduce_one((NWAVES - 1) * NBUF + k, k)

    scale = jnp.float32(1.0 / HIST_LEN)

    @plsc.parallel_loop(0, BPW, unroll=UNROLL)
    def sbody(b):
        for j in range(NVEC):
            acc_v[b, pl.ds(j * NLANE, NLANE)] = (
                acc_v[b, pl.ds(j * NLANE, NLANE)] * scale)

    pltpu.sync_copy(acc_v, out_hbm.at[pl.ds(wid * BPW, BPW)])


_emb = functools.partial(
    pl.kernel,
    out_type=jax.ShapeDtypeStruct((BATCH, EMBED_DIM), jnp.float32),
    mesh=plsc.VectorSubcoreMesh(core_axis_name="c", subcore_axis_name="s"),
    compiler_params=pltpu.CompilerParams(
        use_tc_tiling_on_sc=False, needs_layout_passes=False),
    scratch_types=(
        [pltpu.VMEM((NSTREAM, CHUNK), jnp.int32)]
        + [pltpu.VMEM((CHUNK, EMBED_DIM), jnp.float32)] * NBUF
        + [pltpu.VMEM((BPW, EMBED_DIM), jnp.float32)]
        + [pltpu.SemaphoreType.DMA] * (NBUF + 1)
    ),
)(_body)


def kernel(event_type, table):
    idx = (event_type.astype(jnp.int32)
           .reshape(NUM_WORKERS, BPW, HIST_LEN)
           .transpose(0, 2, 1))
    return _emb(idx, table).reshape(BATCH, 1, EMBED_DIM)

# --- scband reference (transcript-rebuilt; emitter-appended) ---
"""Pipeline reference for scband-event-type-embedding-23493471109452 (READ-ONLY COPY).

The authoritative reference and input builder live on the scoring server;
editing this copy changes nothing except your own understanding.
"""

import jax, jax.numpy as jnp
import numpy as np

VOCAB = 100000
EMBED_DIM = 64
BATCH = 4096
HIST_LEN = 50


def setup_inputs(seed: int = 0) -> dict:
    key = jax.random.key(seed)
    k_idx, k_tab = jax.random.split(key)
    event_type = jax.random.randint(k_idx, (BATCH, HIST_LEN), 0, VOCAB, dtype=jnp.int64 if jax.config.jax_enable_x64 else jnp.int32)
    table = jax.random.normal(k_tab, (VOCAB, EMBED_DIM), dtype=jnp.float32) * 0.02
    return {"event_type": event_type, "table": table}


def reference(event_type, table):
    # embedding lookup: [B, L] -> [B, L, D]
    emb = jnp.take(table, event_type, axis=0)
    # mean over sequence dim, then unsqueeze(1): [B, 1, D]
    out = jnp.mean(emb, axis=1)[:, None, :]
    return out

if __name__ == "__main__":
    import jax
    _d = setup_inputs()
    print(jax.jit(kernel)(*tuple(_d.values())))

</pallas_src>

<mosaic_0001>
#map = affine_map<(d0, d1) -> (0, 0, 0)>
#map1 = affine_map<(d0, d1) -> (0, 0)>
module attributes {stable_mosaic.version = 14 : i64} {
  func.func @_body(%arg0: i32, %arg1: i32, %arg2: memref<32x50x128xi32, #tpu.memory_space<hbm>>, %arg3: memref<100000x64xf32, #tpu.memory_space<hbm>>, %arg4: memref<4096x64xf32, #tpu.memory_space<hbm>>, %arg5: memref<50x128xi32, #tpu.memory_space<vmem>>, %arg6: memref<128x64xf32, #tpu.memory_space<vmem>>, %arg7: memref<128x64xf32, #tpu.memory_space<vmem>>, %arg8: memref<128x64xf32, #tpu.memory_space<vmem>>, %arg9: memref<128x64xf32, #tpu.memory_space<vmem>>, %arg10: memref<128x64xf32, #tpu.memory_space<vmem>>, %arg11: memref<128x64xf32, #tpu.memory_space<vmem>>, %arg12: memref<!tpu.dma_semaphore, #tpu.memory_space<semaphore_mem>>, %arg13: memref<!tpu.dma_semaphore, #tpu.memory_space<semaphore_mem>>, %arg14: memref<!tpu.dma_semaphore, #tpu.memory_space<semaphore_mem>>, %arg15: memref<!tpu.dma_semaphore, #tpu.memory_space<semaphore_mem>>, %arg16: memref<!tpu.dma_semaphore, #tpu.memory_space<semaphore_mem>>, %arg17: memref<!tpu.dma_semaphore, #tpu.memory_space<semaphore_mem>>) attributes {dimension_semantics = [#tpu.dimension_semantics<core_parallel>, #tpu.dimension_semantics<subcore_parallel>], iteration_bounds = array<i64: 2, 16>, scalar_prefetch = 0 : i64, scratch_operands = 13 : i64, tpu.core_type = #tpu.core_type<sc_vector_subcore>, window_params = [{transform_indices = #map}, {transform_indices = #map1}, {transform_indices = #map1}]} {
    %mul3A = arith.constant 2 : i32
    %mul3A_0 = arith.muli %arg1, %mul3A : i32
    %add3A = arith.addi %mul3A_0, %arg0 : i32
    "tpu.region"() ({
      %run_scoped3A = tpu.sem_alloc : memref<!tpu.dma_semaphore, #tpu.memory_space<semaphore_mem>>
      %dma_start3A_125 = arith.constant 0 : i32
      %dma_start3A_126 = arith.constant 0 : i32
      %dma_start3A_127 = tpu.memref_slice %arg5[%dma_start3A_125, %dma_start3A_126] : memref<50x128xi32, #tpu.memory_space<vmem>> -> memref<5x128xi32, #tpu.memory_space<vmem>>
      %dma_start3A_128 = arith.constant 0 : i32
      %dma_start3A_129 = arith.constant 0 : i32
      %dma_start3A_130 = tpu.memref_slice %arg2[%add3A, %dma_start3A_128, %dma_start3A_129] : memref<32x50x128xi32, #tpu.memory_space<hbm>> -> memref<1x5x128xi32, #tpu.memory_space<hbm>>
      %dma_start3A_131 = tpu.memref_squeeze %dma_start3A_130 : memref<1x5x128xi32, #tpu.memory_space<hbm>> -> memref<5x128xi32, #tpu.memory_space<hbm>>
      %dma_start3A_132 = arith.constant 0 : i32
      %dma_start3A_133 = arith.constant 0 : i32
      %dma_start3A_134 = tpu.memref_slice %arg5[%dma_start3A_132, %dma_start3A_133] : memref<50x128xi32, #tpu.memory_space<vmem>> -> memref<5x128xi32, #tpu.memory_space<vmem>>
      %dma_start3A_135 = arith.constant 0 : i32
      %dma_start3A_136 = arith.constant 0 : i32
      %dma_start3A_137 = tpu.memref_slice %arg2[%add3A, %dma_start3A_135, %dma_start3A_136] : memref<32x50x128xi32, #tpu.memory_space<hbm>> -> memref<1x5x128xi32, #tpu.memory_space<hbm>>
      %dma_start3A_138 = tpu.memref_squeeze %dma_start3A_137 : memref<1x5x128xi32, #tpu.memory_space<hbm>> -> memref<5x128xi32, #tpu.memory_space<hbm>>
      tpu.enqueue_dma source(%dma_start3A_138 : memref<5x128xi32, #tpu.memory_space<hbm>>) target(%dma_start3A_134 : memref<5x128xi32, #tpu.memory_space<vmem>>) target_semaphore(%run_scoped3A : memref<!tpu.dma_semaphore, #tpu.memory_space<semaphore_mem>>)
      %dma_wait3A_139 = arith.constant 0 : i32
      %dma_wait3A_140 = arith.constant 0 : i32
      %dma_wait3A_141 = tpu.memref_slice %arg5[%dma_wait3A_139, %dma_wait3A_140] : memref<50x128xi32, #tpu.memory_space<vmem>> -> memref<5x128xi32, #tpu.memory_space<vmem>>
      %dma_wait3A_142 = arith.constant 0 : i32
      %dma_wait3A_143 = arith.constant 0 : i32
      %dma_wait3A_144 = tpu.memref_slice %arg2[%add3A, %dma_wait3A_142, %dma_wait3A_143] : memref<32x50x128xi32, #tpu.memory_space<hbm>> -> memref<1x5x128xi32, #tpu.memory_space<hbm>>
      %dma_wait3A_145 = tpu.memref_squeeze %dma_wait3A_144 : memref<1x5x128xi32, #tpu.memory_space<hbm>> -> memref<5x128xi32, #tpu.memory_space<hbm>>
      %dma_wait3A_146 = arith.constant 0 : i32
      %dma_wait3A_147 = arith.constant 0 : i32
      %dma_wait3A_148 = tpu.memref_slice %arg5[%dma_wait3A_146, %dma_wait3A_147] : memref<50x128xi32, #tpu.memory_space<vmem>> -> memref<5x128xi32, #tpu.memory_space<vmem>>
      %dma_wait3A_149 = arith.constant 0 : i32
      %dma_wait3A_150 = arith.constant 0 : i32
      %dma_wait3A_151 = tpu.memref_slice %arg2[%add3A, %dma_wait3A_149, %dma_wait3A_150] : memref<32x50x128xi32, #tpu.memory_space<hbm>> -> memref<1x5x128xi32, #tpu.memory_space<hbm>>
      %dma_wait3A_152 = tpu.memref_squeeze %dma_wait3A_151 : memref<1x5x128xi32, #tpu.memory_space<hbm>> -> memref<5x128xi32, #tpu.memory_space<hbm>>
      tpu.wait_dma2 semaphore(%run_scoped3A : memref<!tpu.dma_semaphore, #tpu.memory_space<semaphore_mem>>) src(%dma_wait3A_152 : memref<5x128xi32, #tpu.memory_space<hbm>>) dst(%dma_wait3A_148 : memref<5x128xi32, #tpu.memory_space<vmem>>)
      tpu.yield
    }) : () -> ()
    %dma_start3A = arith.constant 5 : i32
    %dma_start3A_1 = arith.constant 0 : i32
    %dma_start3A_2 = tpu.memref_slice %arg5[%dma_start3A, %dma_start3A_1] : memref<50x128xi32, #tpu.memory_space<vmem>> -> memref<45x128xi32, #tpu.memory_space<vmem>>
    %dma_start3A_3 = arith.constant 5 : i32
    %dma_start3A_4 = arith.constant 0 : i32
    %dma_start3A_5 = tpu.memref_slice %arg2[%add3A, %dma_start3A_3, %dma_start3A_4] : memref<32x50x128xi32, #tpu.memory_space<hbm>> -> memref<1x45x128xi32, #tpu.memory_space<hbm>>
    %dma_start3A_6 = tpu.memref_squeeze %dma_start3A_5 : memref<1x45x128xi32, #tpu.memory_space<hbm>> -> memref<45x128xi32, #tpu.memory_space<hbm>>
    %dma_start3A_7 = arith.constant 5 : i32
    %dma_start3A_8 = arith.constant 0 : i32
    %dma_start3A_9 = tpu.memref_slice %arg5[%dma_start3A_7, %dma_start3A_8] : memref<50x128xi32, #tpu.memory_space<vmem>> -> memref<45x128xi32, #tpu.memory_space<vmem>>
    %dma_start3A_10 = arith.constant 5 : i32
    %dma_start3A_11 = arith.constant 0 : i32
    %dma_start3A_12 = tpu.memref_slice %arg2[%add3A, %dma_start3A_10, %dma_start3A_11] : memref<32x50x128xi32, #tpu.memory_space<hbm>> -> memref<1x45x128xi32, #tpu.memory_space<hbm>>
    %dma_start3A_13 = tpu.memref_squeeze %dma_start3A_12 : memref<1x45x128xi32, #tpu.memory_space<hbm>> -> memref<45x128xi32, #tpu.memory_space<hbm>>
    tpu.enqueue_dma source(%dma_start3A_13 : memref<45x128xi32, #tpu.memory_space<hbm>>) target(%dma_start3A_9 : memref<45x128xi32, #tpu.memory_space<vmem>>) target_semaphore(%arg17 : memref<!tpu.dma_semaphore, #tpu.memory_space<semaphore_mem>>)
    %dma_start3A_14 = arith.constant 0 : i32
    %dma_start3A_15 = arith.constant 0 : i32
    %dma_start3A_16 = tpu.memref_slice %arg5[%dma_start3A_14, %dma_start3A_15] : memref<50x128xi32, #tpu.memory_space<vmem>> -> memref<1x128xi32, #tpu.memory_space<vmem>>
    %dma_start3A_17 = tpu.memref_squeeze %dma_start3A_16 : memref<1x128xi32, #tpu.memory_space<vmem>> -> memref<128xi32, #tpu.memory_space<vmem>>
    %dma_start3A_18 = arith.constant 0 : i32
    %dma_start3A_19 = arith.constant 0 : i32
    %dma_start3A_20 = tpu.memref_slice %arg3[%dma_start3A_18, %dma_start3A_19] : memref<100000x64xf32, #tpu.memory_space<hbm>> -> memref<100000x64xf32, #tpu.memory_space<hbm>>
    tpu.enqueue_indirect_dma source(%dma_start3A_20 : memref<100000x64xf32, #tpu.memory_space<hbm>>) target(%arg6 : memref<128x64xf32, #tpu.memory_space<vmem>>) offsets(%dma_start3A_17 : memref<128xi32, #tpu.memory_space<vmem>>) semaphore(%arg12 : memref<!tpu.dma_semaphore, #tpu.memory_space<semaphore_mem>>)
    %dma_start3A_21 = arith.constant 1 : i32
    %dma_start3A_22 = arith.constant 0 : i32
    %dma_start3A_23 = tpu.memref_slice %arg5[%dma_start3A_21, %dma_start3A_22] : memref<50x128xi32, #tpu.memory_space<vmem>> -> memref<1x128xi32, #tpu.memory_space<vmem>>
    %dma_start3A_24 = tpu.memref_squeeze %dma_start3A_23 : memref<1x128xi32, #tpu.memory_space<vmem>> -> memref<128xi32, #tpu.memory_space<vmem>>
    %dma_start3A_25 = arith.constant 0 : i32
    %dma_start3A_26 = arith.constant 0 : i32
    %dma_start3A_27 = tpu.memref_slice %arg3[%dma_start3A_25, %dma_start3A_26] : memref<100000x64xf32, #tpu.memory_space<hbm>> -> memref<100000x64xf32, #tpu.memory_space<hbm>>
    tpu.enqueue_indirect_dma source(%dma_start3A_27 : memref<100000x64xf32, #tpu.memory_space<hbm>>) target(%arg7 : memref<128x64xf32, #tpu.memory_space<vmem>>) offsets(%dma_start3A_24 : memref<128xi32, #tpu.memory_space<vmem>>) semaphore(%arg13 : memref<!tpu.dma_semaphore, #tpu.memory_space<semaphore_mem>>)
    %dma_start3A_28 = arith.constant 2 : i32
    %dma_start3A_29 = arith.constant 0 : i32
    %dma_start3A_30 = tpu.memref_slice %arg5[%dma_start3A_28, %dma_start3A_29] : memref<50x128xi32, #tpu.memory_space<vmem>> -> memref<1x128xi32, #tpu.memory_space<vmem>>
    %dma_start3A_31 = tpu.memref_squeeze %dma_start3A_30 : memref<1x128xi32, #tpu.memory_space<vmem>> -> memref<128xi32, #tpu.memory_space<vmem>>
    %dma_start3A_32 = arith.constant 0 : i32
    %dma_start3A_33 = arith.constant 0 : i32
    %dma_start3A_34 = tpu.memref_slice %arg3[%dma_start3A_32, %dma_start3A_33] : memref<100000x64xf32, #tpu.memory_space<hbm>> -> memref<100000x64xf32, #tpu.memory_space<hbm>>
    tpu.enqueue_indirect_dma source(%dma_start3A_34 : memref<100000x64xf32, #tpu.memory_space<hbm>>) target(%arg8 : memref<128x64xf32, #tpu.memory_space<vmem>>) offsets(%dma_start3A_31 : memref<128xi32, #tpu.memory_space<vmem>>) semaphore(%arg14 : memref<!tpu.dma_semaphore, #tpu.memory_space<semaphore_mem>>)
    %dma_start3A_35 = arith.constant 3 : i32
    %dma_start3A_36 = arith.constant 0 : i32
    %dma_start3A_37 = tpu.memref_slice %arg5[%dma_start3A_35, %dma_start3A_36] : memref<50x128xi32, #tpu.memory_space<vmem>> -> memref<1x128xi32, #tpu.memory_space<vmem>>
    %dma_start3A_38 = tpu.memref_squeeze %dma_start3A_37 : memref<1x128xi32, #tpu.memory_space<vmem>> -> memref<128xi32, #tpu.memory_space<vmem>>
    %dma_start3A_39 = arith.constant 0 : i32
    %dma_start3A_40 = arith.constant 0 : i32
    %dma_start3A_41 = tpu.memref_slice %arg3[%dma_start3A_39, %dma_start3A_40] : memref<100000x64xf32, #tpu.memory_space<hbm>> -> memref<100000x64xf32, #tpu.memory_space<hbm>>
    tpu.enqueue_indirect_dma source(%dma_start3A_41 : memref<100000x64xf32, #tpu.memory_space<hbm>>) target(%arg9 : memref<128x64xf32, #tpu.memory_space<vmem>>) offsets(%dma_start3A_38 : memref<128xi32, #tpu.memory_space<vmem>>) semaphore(%arg15 : memref<!tpu.dma_semaphore, #tpu.memory_space<semaphore_mem>>)
    %dma_start3A_42 = arith.constant 4 : i32
    %dma_start3A_43 = arith.constant 0 : i32
    %dma_start3A_44 = tpu.memref_slice %arg5[%dma_start3A_42, %dma_start3A_43] : memref<50x128xi32, #tpu.memory_space<vmem>> -> memref<1x128xi32, #tpu.memory_space<vmem>>
    %dma_start3A_45 = tpu.memref_squeeze %dma_start3A_44 : memref<1x128xi32, #tpu.memory_space<vmem>> -> memref<128xi32, #tpu.memory_space<vmem>>
    %dma_start3A_46 = arith.constant 0 : i32
    %dma_start3A_47 = arith.constant 0 : i32
    %dma_start3A_48 = tpu.memref_slice %arg3[%dma_start3A_46, %dma_start3A_47] : memref<100000x64xf32, #tpu.memory_space<hbm>> -> memref<100000x64xf32, #tpu.memory_space<hbm>>
    tpu.enqueue_indirect_dma source(%dma_start3A_48 : memref<100000x64xf32, #tpu.memory_space<hbm>>) target(%arg10 : memref<128x64xf32, #tpu.memory_space<vmem>>) offsets(%dma_start3A_45 : memref<128xi32, #tpu.memory_space<vmem>>) semaphore(%arg16 : memref<!tpu.dma_semaphore, #tpu.memory_space<semaphore_mem>>)
    %broadcast_in_dim3A = arith.constant 0.000000e+00 : f32
    %broadcast_in_dim3A_49 = vector.broadcast %broadcast_in_dim3A : f32 to vector<16xf32>
    %parallel_loop3A = arith.constant 0 : i32
    %parallel_loop3A_50 = arith.constant 128 : i32
    %parallel_loop3A_51 = arith.constant 1 : i32
    scf.for %parallel_loop3A_125 = %parallel_loop3A to %parallel_loop3A_50 step %parallel_loop3A_51  : i32 {
      %parallel_loop3A_126 = arith.index_cast %parallel_loop3A_125 : i32 to index
      %parallel_loop3A_127 = arith.constant 0 : index
      %parallel_loop3A_128 = tpu.vector_load %arg11[%parallel_loop3A_126, %parallel_loop3A_127] {strides = array<i32>} : memref<128x64xf32, #tpu.memory_space<vmem>>, vector<16xf32>,
      tpu.vector_store %arg11[%parallel_loop3A_126, %parallel_loop3A_127], %broadcast_in_dim3A_49 {strides = array<i32>} : memref<128x64xf32, #tpu.memory_space<vmem>>, vector<16xf32>,
      %parallel_loop3A_129 = arith.index_cast %parallel_loop3A_125 : i32 to index
      %parallel_loop3A_130 = arith.constant 16 : index
      %parallel_loop3A_131 = tpu.vector_load %arg11[%parallel_loop3A_129, %parallel_loop3A_130] {strides = array<i32>} : memref<128x64xf32, #tpu.memory_space<vmem>>, vector<16xf32>,
      tpu.vector_store %arg11[%parallel_loop3A_129, %parallel_loop3A_130], %broadcast_in_dim3A_49 {strides = array<i32>} : memref<128x64xf32, #tpu.memory_space<vmem>>, vector<16xf32>,
      %parallel_loop3A_132 = arith.index_cast %parallel_loop3A_125 : i32 to index
      %parallel_loop3A_133 = arith.constant 32 : index
      %parallel_loop3A_134 = tpu.vector_load %arg11[%parallel_loop3A_132, %parallel_loop3A_133] {strides = array<i32>} : memref<128x64xf32, #tpu.memory_space<vmem>>, vector<16xf32>,
      tpu.vector_store %arg11[%parallel_loop3A_132, %parallel_loop3A_133], %broadcast_in_dim3A_49 {strides = array<i32>} : memref<128x64xf32, #tpu.memory_space<vmem>>, vector<16xf32>,
      %parallel_loop3A_135 = arith.index_cast %parallel_loop3A_125 : i32 to index
      %parallel_loop3A_136 = arith.constant 48 : index
      %parallel_loop3A_137 = tpu.vector_load %arg11[%parallel_loop3A_135, %parallel_loop3A_136] {strides = array<i32>} : memref<128x64xf32, #tpu.memory_space<vmem>>, vector<16xf32>,
      tpu.vector_store %arg11[%parallel_loop3A_135, %parallel_loop3A_136], %broadcast_in_dim3A_49 {strides = array<i32>} : memref<128x64xf32, #tpu.memory_space<vmem>>, vector<16xf32>,
    } {sc.loop_unroll_factor = 8 : i64, sc.parallel_access}
    %dma_wait3A = arith.constant 5 : i32
    %dma_wait3A_52 = arith.constant 0 : i32
    %dma_wait3A_53 = tpu.memref_slice %arg5[%dma_wait3A, %dma_wait3A_52] : memref<50x128xi32, #tpu.memory_space<vmem>> -> memref<45x128xi32, #tpu.memory_space<vmem>>
    %dma_wait3A_54 = arith.constant 5 : i32
    %dma_wait3A_55 = arith.constant 0 : i32
    %dma_wait3A_56 = tpu.memref_slice %arg2[%add3A, %dma_wait3A_54, %dma_wait3A_55] : memref<32x50x128xi32, #tpu.memory_space<hbm>> -> memref<1x45x128xi32, #tpu.memory_space<hbm>>
    %dma_wait3A_57 = tpu.memref_squeeze %dma_wait3A_56 : memref<1x45x128xi32, #tpu.memory_space<hbm>> -> memref<45x128xi32, #tpu.memory_space<hbm>>
    %dma_wait3A_58 = arith.constant 5 : i32
    %dma_wait3A_59 = arith.constant 0 : i32
    %dma_wait3A_60 = tpu.memref_slice %arg5[%dma_wait3A_58, %dma_wait3A_59] : memref<50x128xi32, #tpu.memory_space<vmem>> -> memref<45x128xi32, #tpu.memory_space<vmem>>
    %dma_wait3A_61 = arith.constant 5 : i32
    %dma_wait3A_62 = arith.constant 0 : i32
    %dma_wait3A_63 = tpu.memref_slice %arg2[%add3A, %dma_wait3A_61, %dma_wait3A_62] : memref<32x50x128xi32, #tpu.memory_space<hbm>> -> memref<1x45x128xi32, #tpu.memory_space<hbm>>
    %dma_wait3A_64 = tpu.memref_squeeze %dma_wait3A_63 : memref<1x45x128xi32, #tpu.memory_space<hbm>> -> memref<45x128xi32, #tpu.memory_space<hbm>>
    tpu.wait_dma2 semaphore(%arg17 : memref<!tpu.dma_semaphore, #tpu.memory_space<semaphore_mem>>) src(%dma_wait3A_64 : memref<45x128xi32, #tpu.memory_space<hbm>>) dst(%dma_wait3A_60 : memref<45x128xi32, #tpu.memory_space<vmem>>)
    %scan3A = arith.constant 0 : i32
    %scan3A_65 = arith.constant 9 : i32
    %scan3A_66 = arith.addi %scan3A, %scan3A_65 : i32
    %scan3A_67 = arith.constant 1 : i32
    scf.for %scan3A_125 = %scan3A to %scan3A_66 step %scan3A_67  : i32 {
      %mul3A_126 = arith.constant 5 : i32
      %mul3A_127 = arith.muli %scan3A_125, %mul3A_126 : i32
      %add3A_128 = arith.constant 0 : i32
      %add3A_129 = arith.addi %mul3A_127, %add3A_128 : i32
      %dma_wait3A_130 = arith.constant 0 : i32
      %dma_wait3A_131 = tpu.memref_slice %arg5[%add3A_129, %dma_wait3A_130] : memref<50x128xi32, #tpu.memory_space<vmem>> -> memref<1x128xi32, #tpu.memory_space<vmem>>
      %dma_wait3A_132 = tpu.memref_squeeze %dma_wait3A_131 : memref<1x128xi32, #tpu.memory_space<vmem>> -> memref<128xi32, #tpu.memory_space<vmem>>
      %dma_wait3A_133 = arith.constant 0 : i32
      %dma_wait3A_134 = arith.constant 0 : i32
      %dma_wait3A_135 = tpu.memref_slice %arg3[%dma_wait3A_133, %dma_wait3A_134] : memref<100000x64xf32, #tpu.memory_space<hbm>> -> memref<100000x64xf32, #tpu.memory_space<hbm>>
      tpu.wait_indirect_dma semaphore(%arg12 : memref<!tpu.dma_semaphore, #tpu.memory_space<semaphore_mem>>) src(%dma_wait3A_135 : memref<100000x64xf32, #tpu.memory_space<hbm>>) dst(%arg6 : memref<128x64xf32, #tpu.memory_space<vmem>>)
      %parallel_loop3A_136 = arith.constant 0 : i32
      %parallel_loop3A_137 = arith.constant 128 : i32
      %parallel_loop3A_138 = arith.constant 1 : i32
      scf.for %parallel_loop3A_231 = %parallel_loop3A_136 to %parallel_loop3A_137 step %parallel_loop3A_138  : i32 {
        %parallel_loop3A_232 = arith.index_cast %parallel_loop3A_231 : i32 to index
        %parallel_loop3A_233 = arith.constant 0 : index
        %parallel_loop3A_234 = tpu.vector_load %arg11[%parallel_loop3A_232, %parallel_loop3A_233] {strides = array<i32>} : memref<128x64xf32, #tpu.memory_space<vmem>>, vector<16xf32>,
        %parallel_loop3A_235 = arith.index_cast %parallel_loop3A_231 : i32 to index
        %parallel_loop3A_236 = arith.constant 0 : index
        %parallel_loop3A_237 = tpu.vector_load %arg6[%parallel_loop3A_235, %parallel_loop3A_236] {strides = array<i32>} : memref<128x64xf32, #tpu.memory_space<vmem>>, vector<16xf32>,
        %parallel_loop3A_238 = arith.addf %parallel_loop3A_234, %parallel_loop3A_237 : vector<16xf32>
        %parallel_loop3A_239 = arith.index_cast %parallel_loop3A_231 : i32 to index
        %parallel_loop3A_240 = arith.constant 0 : index
        %parallel_loop3A_241 = tpu.vector_load %arg11[%parallel_loop3A_239, %parallel_loop3A_240] {strides = array<i32>} : memref<128x64xf32, #tpu.memory_space<vmem>>, vector<16xf32>,
        tpu.vector_store %arg11[%parallel_loop3A_239, %parallel_loop3A_240], %parallel_loop3A_238 {strides = array<i32>} : memref<128x64xf32, #tpu.memory_space<vmem>>, vector<16xf32>,
        %parallel_loop3A_242 = arith.index_cast %parallel_loop3A_231 : i32 to index
        %parallel_loop3A_243 = arith.constant 16 : index
        %parallel_loop3A_244 = tpu.vector_load %arg11[%parallel_loop3A_242, %parallel_loop3A_243] {strides = array<i32>} : memref<128x64xf32, #tpu.memory_space<vmem>>, vector<16xf32>,
        %parallel_loop3A_245 = arith.index_cast %parallel_loop3A_231 : i32 to index
        %parallel_loop3A_246 = arith.constant 16 : index
        %parallel_loop3A_247 = tpu.vector_load %arg6[%parallel_loop3A_245, %parallel_loop3A_246] {strides = array<i32>} : memref<128x64xf32, #tpu.memory_space<vmem>>, vector<16xf32>,
        %parallel_loop3A_248 = arith.addf %parallel_loop3A_244, %parallel_loop3A_247 : vector<16xf32>
        %parallel_loop3A_249 = arith.index_cast %parallel_loop3A_231 : i32 to index
        %parallel_loop3A_250 = arith.constant 16 : index
        %parallel_loop3A_251 = tpu.vector_load %arg11[%parallel_loop3A_249, %parallel_loop3A_250] {strides = array<i32>} : memref<128x64xf32, #tpu.memory_space<vmem>>, vector<16xf32>,
        tpu.vector_store %arg11[%parallel_loop3A_249, %parallel_loop3A_250], %parallel_loop3A_248 {strides = array<i32>} : memref<128x64xf32, #tpu.memory_space<vmem>>, vector<16xf32>,
        %parallel_loop3A_252 = arith.index_cast %parallel_loop3A_231 : i32 to index
        %parallel_loop3A_253 = arith.constant 32 : index
        %parallel_loop3A_254 = tpu.vector_load %arg11[%parallel_loop3A_252, %parallel_loop3A_253] {strides = array<i32>} : memref<128x64xf32, #tpu.memory_space<vmem>>, vector<16xf32>,
        %parallel_loop3A_255 = arith.index_cast %parallel_loop3A_231 : i32 to index
        %parallel_loop3A_256 = arith.constant 32 : index
        %parallel_loop3A_257 = tpu.vector_load %arg6[%parallel_loop3A_255, %parallel_loop3A_256] {strides = array<i32>} : memref<128x64xf32, #tpu.memory_space<vmem>>, vector<16xf32>,
        %parallel_loop3A_258 = arith.addf %parallel_loop3A_254, %parallel_loop3A_257 : vector<16xf32>
        %parallel_loop3A_259 = arith.index_cast %parallel_loop3A_231 : i32 to index
        %parallel_loop3A_260 = arith.constant 32 : index
        %parallel_loop3A_261 = tpu.vector_load %arg11[%parallel_loop3A_259, %parallel_loop3A_260] {strides = array<i32>} : memref<128x64xf32, #tpu.memory_space<vmem>>, vector<16xf32>,
        tpu.vector_store %arg11[%parallel_loop3A_259, %parallel_loop3A_260], %parallel_loop3A_258 {strides = array<i32>} : memref<128x64xf32, #tpu.memory_space<vmem>>, vector<16xf32>,
        %parallel_loop3A_262 = arith.index_cast %parallel_loop3A_231 : i32 to index
        %parallel_loop3A_263 = arith.constant 48 : index
        %parallel_loop3A_264 = tpu.vector_load %arg11[%parallel_loop3A_262, %parallel_loop3A_263] {strides = array<i32>} : memref<128x64xf32, #tpu.memory_space<vmem>>, vector<16xf32>,
        %parallel_loop3A_265 = arith.index_cast %parallel_loop3A_231 : i32 to index
        %parallel_loop3A_266 = arith.constant 48 : index
        %parallel_loop3A_267 = tpu.vector_load %arg6[%parallel_loop3A_265, %parallel_loop3A_266] {strides = array<i32>} : memref<128x64xf32, #tpu.memory_space<vmem>>, vector<16xf32>,
        %parallel_loop3A_268 = arith.addf %parallel_loop3A_264, %parallel_loop3A_267 : vector<16xf32>
        %parallel_loop3A_269 = arith.index_cast %parallel_loop3A_231 : i32 to index
        %parallel_loop3A_270 = arith.constant 48 : index
        %parallel_loop3A_271 = tpu.vector_load %arg11[%parallel_loop3A_269, %parallel_loop3A_270] {strides = array<i32>} : memref<128x64xf32, #tpu.memory_space<vmem>>, vector<16xf32>,
        tpu.vector_store %arg11[%parallel_loop3A_269, %parallel_loop3A_270], %parallel_loop3A_268 {strides = array<i32>} : memref<128x64xf32, #tpu.memory_space<vmem>>, vector<16xf32>,
      } {sc.loop_unroll_factor = 8 : i64, sc.parallel_access}
      %add3A_139 = arith.constant 5 : i32
      %add3A_140 = arith.addi %add3A_129, %add3A_139 : i32
      %dma_start3A_141 = arith.constant 0 : i32
      %dma_start3A_142 = tpu.memref_slice %arg5[%add3A_140, %dma_start3A_141] : memref<50x128xi32, #tpu.memory_space<vmem>> -> memref<1x128xi32, #tpu.memory_space<vmem>>
      %dma_start3A_143 = tpu.memref_squeeze %dma_start3A_142 : memref<1x128xi32, #tpu.memory_space<vmem>> -> memref<128xi32, #tpu.memory_space<vmem>>
      %dma_start3A_144 = arith.constant 0 : i32
      %dma_start3A_145 = arith.constant 0 : i32
      %dma_start3A_146 = tpu.memref_slice %arg3[%dma_start3A_144, %dma_start3A_145] : memref<100000x64xf32, #tpu.memory_space<hbm>> -> memref<100000x64xf32, #tpu.memory_space<hbm>>
      tpu.enqueue_indirect_dma source(%dma_start3A_146 : memref<100000x64xf32, #tpu.memory_space<hbm>>) target(%arg6 : memref<128x64xf32, #tpu.memory_space<vmem>>) offsets(%dma_start3A_143 : memref<128xi32, #tpu.memory_space<vmem>>) semaphore(%arg12 : memref<!tpu.dma_semaphore, #tpu.memory_space<semaphore_mem>>)
      %mul3A_147 = arith.constant 5 : i32
      %mul3A_148 = arith.muli %scan3A_125, %mul3A_147 : i32
      %add3A_149 = arith.constant 1 : i32
      %add3A_150 = arith.addi %mul3A_148, %add3A_149 : i32
      %dma_wait3A_151 = arith.constant 0 : i32
      %dma_wait3A_152 = tpu.memref_slice %arg5[%add3A_150, %dma_wait3A_151] : memref<50x128xi32, #tpu.memory_space<vmem>> -> memref<1x128xi32, #tpu.memory_space<vmem>>
      %dma_wait3A_153 = tpu.memref_squeeze %dma_wait3A_152 : memref<1x128xi32, #tpu.memory_space<vmem>> -> memref<128xi32, #tpu.memory_space<vmem>>
      %dma_wait3A_154 = arith.constant 0 : i32
      %dma_wait3A_155 = arith.constant 0 : i32
      %dma_wait3A_156 = tpu.memref_slice %arg3[%dma_wait3A_154, %dma_wait3A_155] : memref<100000x64xf32, #tpu.memory_space<hbm>> -> memref<100000x64xf32, #tpu.memory_space<hbm>>
      tpu.wait_indirect_dma semaphore(%arg13 : memref<!tpu.dma_semaphore, #tpu.memory_space<semaphore_mem>>) src(%dma_wait3A_156 : memref<100000x64xf32, #tpu.memory_space<hbm>>) dst(%arg7 : memref<128x64xf32, #tpu.memory_space<vmem>>)
      %parallel_loop3A_157 = arith.constant 0 : i32
      %parallel_loop3A_158 = arith.constant 128 : i32
      %parallel_loop3A_159 = arith.constant 1 : i32
      scf.for %parallel_loop3A_231 = %parallel_loop3A_157 to %parallel_loop3A_158 step %parallel_loop3A_159  : i32 {
        %parallel_loop3A_232 = arith.index_cast %parallel_loop3A_231 : i32 to index
        %parallel_loop3A_233 = arith.constant 0 : index
        %parallel_loop3A_234 = tpu.vector_load %arg11[%parallel_loop3A_232, %parallel_loop3A_233] {strides = array<i32>} : memref<128x64xf32, #tpu.memory_space<vmem>>, vector<16xf32>,
        %parallel_loop3A_235 = arith.index_cast %parallel_loop3A_231 : i32 to index
        %parallel_loop3A_236 = arith.constant 0 : index
        %parallel_loop3A_237 = tpu.vector_load %arg7[%parallel_loop3A_235, %parallel_loop3A_236] {strides = array<i32>} : memref<128x64xf32, #tpu.memory_space<vmem>>, vector<16xf32>,
        %parallel_loop3A_238 = arith.addf %parallel_loop3A_234, %parallel_loop3A_237 : vector<16xf32>
        %parallel_loop3A_239 = arith.index_cast %parallel_loop3A_231 : i32 to index
        %parallel_loop3A_240 = arith.constant 0 : index
        %parallel_loop3A_241 = tpu.vector_load %arg11[%parallel_loop3A_239, %parallel_loop3A_240] {strides = array<i32>} : memref<128x64xf32, #tpu.memory_space<vmem>>, vector<16xf32>,
        tpu.vector_store %arg11[%parallel_loop3A_239, %parallel_loop3A_240], %parallel_loop3A_238 {strides = array<i32>} : memref<128x64xf32, #tpu.memory_space<vmem>>, vector<16xf32>,
        %parallel_loop3A_242 = arith.index_cast %parallel_loop3A_231 : i32 to index
        %parallel_loop3A_243 = arith.constant 16 : index
        %parallel_loop3A_244 = tpu.vector_load %arg11[%parallel_loop3A_242, %parallel_loop3A_243] {strides = array<i32>} : memref<128x64xf32, #tpu.memory_space<vmem>>, vector<16xf32>,
        %parallel_loop3A_245 = arith.index_cast %parallel_loop3A_231 : i32 to index
        %parallel_loop3A_246 = arith.constant 16 : index
        %parallel_loop3A_247 = tpu.vector_load %arg7[%parallel_loop3A_245, %parallel_loop3A_246] {strides = array<i32>} : memref<128x64xf32, #tpu.memory_space<vmem>>, vector<16xf32>,
        %parallel_loop3A_248 = arith.addf %parallel_loop3A_244, %parallel_loop3A_247 : vector<16xf32>
        %parallel_loop3A_249 = arith.index_cast %parallel_loop3A_231 : i32 to index
        %parallel_loop3A_250 = arith.constant 16 : index
        %parallel_loop3A_251 = tpu.vector_load %arg11[%parallel_loop3A_249, %parallel_loop3A_250] {strides = array<i32>} : memref<128x64xf32, #tpu.memory_space<vmem>>, vector<16xf32>,
        tpu.vector_store %arg11[%parallel_loop3A_249, %parallel_loop3A_250], %parallel_loop3A_248 {strides = array<i32>} : memref<128x64xf32, #tpu.memory_space<vmem>>, vector<16xf32>,
        %parallel_loop3A_252 = arith.index_cast %parallel_loop3A_231 : i32 to index
        %parallel_loop3A_253 = arith.constant 32 : index
        %parallel_loop3A_254 = tpu.vector_load %arg11[%parallel_loop3A_252, %parallel_loop3A_253] {strides = array<i32>} : memref<128x64xf32, #tpu.memory_space<vmem>>, vector<16xf32>,
        %parallel_loop3A_255 = arith.index_cast %parallel_loop3A_231 : i32 to index
        %parallel_loop3A_256 = arith.constant 32 : index
        %parallel_loop3A_257 = tpu.vector_load %arg7[%parallel_loop3A_255, %parallel_loop3A_256] {strides = array<i32>} : memref<128x64xf32, #tpu.memory_space<vmem>>, vector<16xf32>,
        %parallel_loop3A_258 = arith.addf %parallel_loop3A_254, %parallel_loop3A_257 : vector<16xf32>
        %parallel_loop3A_259 = arith.index_cast %parallel_loop3A_231 : i32 to index
        %parallel_loop3A_260 = arith.constant 32 : index
        %parallel_loop3A_261 = tpu.vector_load %arg11[%parallel_loop3A_259, %parallel_loop3A_260] {strides = array<i32>} : memref<128x64xf32, #tpu.memory_space<vmem>>, vector<16xf32>,
        tpu.vector_store %arg11[%parallel_loop3A_259, %parallel_loop3A_260], %parallel_loop3A_258 {strides = array<i32>} : memref<128x64xf32, #tpu.memory_space<vmem>>, vector<16xf32>,
        %parallel_loop3A_262 = arith.index_cast %parallel_loop3A_231 : i32 to index
        %parallel_loop3A_263 = arith.constant 48 : index
        %parallel_loop3A_264 = tpu.vector_load %arg11[%parallel_loop3A_262, %parallel_loop3A_263] {strides = array<i32>} : memref<128x64xf32, #tpu.memory_space<vmem>>, vector<16xf32>,
        %parallel_loop3A_265 = arith.index_cast %parallel_loop3A_231 : i32 to index
        %parallel_loop3A_266 = arith.constant 48 : index
        %parallel_loop3A_267 = tpu.vector_load %arg7[%parallel_loop3A_265, %parallel_loop3A_266] {strides = array<i32>} : memref<128x64xf32, #tpu.memory_space<vmem>>, vector<16xf32>,
        %parallel_loop3A_268 = arith.addf %parallel_loop3A_264, %parallel_loop3A_267 : vector<16xf32>
        %parallel_loop3A_269 = arith.index_cast %parallel_loop3A_231 : i32 to index
        %parallel_loop3A_270 = arith.constant 48 : index
        %parallel_loop3A_271 = tpu.vector_load %arg11[%parallel_loop3A_269, %parallel_loop3A_270] {strides = array<i32>} : memref<128x64xf32, #tpu.memory_space<vmem>>, vector<16xf32>,
        tpu.vector_store %arg11[%parallel_loop3A_269, %parallel_loop3A_270], %parallel_loop3A_268 {strides = array<i32>} : memref<128x64xf32, #tpu.memory_space<vmem>>, vector<16xf32>,
      } {sc.loop_unroll_factor = 8 : i64, sc.parallel_access}
      %add3A_160 = arith.constant 5 : i32
      %add3A_161 = arith.addi %add3A_150, %add3A_160 : i32
      %dma_start3A_162 = arith.constant 0 : i32
      %dma_start3A_163 = tpu.memref_slice %arg5[%add3A_161, %dma_start3A_162] : memref<50x128xi32, #tpu.memory_space<vmem>> -> memref<1x128xi32, #tpu.memory_space<vmem>>
      %dma_start3A_164 = tpu.memref_squeeze %dma_start3A_163 : memref<1x128xi32, #tpu.memory_space<vmem>> -> memref<128xi32, #tpu.memory_space<vmem>>
      %dma_start3A_165 = arith.constant 0 : i32
      %dma_start3A_166 = arith.constant 0 : i32
      %dma_start3A_167 = tpu.memref_slice %arg3[%dma_start3A_165, %dma_start3A_166] : memref<100000x64xf32, #tpu.memory_space<hbm>> -> memref<100000x64xf32, #tpu.memory_space<hbm>>
      tpu.enqueue_indirect_dma source(%dma_start3A_167 : memref<100000x64xf32, #tpu.memory_space<hbm>>) target(%arg7 : memref<128x64xf32, #tpu.memory_space<vmem>>) offsets(%dma_start3A_164 : memref<128xi32, #tpu.memory_space<vmem>>) semaphore(%arg13 : memref<!tpu.dma_semaphore, #tpu.memory_space<semaphore_mem>>)
      %mul3A_168 = arith.constant 5 : i32
      %mul3A_169 = arith.muli %scan3A_125, %mul3A_168 : i32
      %add3A_170 = arith.constant 2 : i32
      %add3A_171 = arith.addi %mul3A_169, %add3A_170 : i32
      %dma_wait3A_172 = arith.constant 0 : i32
      %dma_wait3A_173 = tpu.memref_slice %arg5[%add3A_171, %dma_wait3A_172] : memref<50x128xi32, #tpu.memory_space<vmem>> -> memref<1x128xi32, #tpu.memory_space<vmem>>
      %dma_wait3A_174 = tpu.memref_squeeze %dma_wait3A_173 : memref<1x128xi32, #tpu.memory_space<vmem>> -> memref<128xi32, #tpu.memory_space<vmem>>
      %dma_wait3A_175 = arith.constant 0 : i32
      %dma_wait3A_176 = arith.constant 0 : i32
      %dma_wait3A_177 = tpu.memref_slice %arg3[%dma_wait3A_175, %dma_wait3A_176] : memref<100000x64xf32, #tpu.memory_space<hbm>> -> memref<100000x64xf32, #tpu.memory_space<hbm>>
      tpu.wait_indirect_dma semaphore(%arg14 : memref<!tpu.dma_semaphore, #tpu.memory_space<semaphore_mem>>) src(%dma_wait3A_177 : memref<100000x64xf32, #tpu.memory_space<hbm>>) dst(%arg8 : memref<128x64xf32, #tpu.memory_space<vmem>>)
      %parallel_loop3A_178 = arith.constant 0 : i32
      %parallel_loop3A_179 = arith.constant 128 : i32
      %parallel_loop3A_180 = arith.constant 1 : i32
      scf.for %parallel_loop3A_231 = %parallel_loop3A_178 to %parallel_loop3A_179 step %parallel_loop3A_180  : i32 {
        %parallel_loop3A_232 = arith.index_cast %parallel_loop3A_231 : i32 to index
        %parallel_loop3A_233 = arith.constant 0 : index
        %parallel_loop3A_234 = tpu.vector_load %arg11[%parallel_loop3A_232, %parallel_loop3A_233] {strides = array<i32>} : memref<128x64xf32, #tpu.memory_space<vmem>>, vector<16xf32>,
        %parallel_loop3A_235 = arith.index_cast %parallel_loop3A_231 : i32 to index
        %parallel_loop3A_236 = arith.constant 0 : index
        %parallel_loop3A_237 = tpu.vector_load %arg8[%parallel_loop3A_235, %parallel_loop3A_236] {strides = array<i32>} : memref<128x64xf32, #tpu.memory_space<vmem>>, vector<16xf32>,
        %parallel_loop3A_238 = arith.addf %parallel_loop3A_234, %parallel_loop3A_237 : vector<16xf32>
        %parallel_loop3A_239 = arith.index_cast %parallel_loop3A_231 : i32 to index
        %parallel_loop3A_240 = arith.constant 0 : index
        %parallel_loop3A_241 = tpu.vector_load %arg11[%parallel_loop3A_239, %parallel_loop3A_240] {strides = array<i32>} : memref<128x64xf32, #tpu.memory_space<vmem>>, vector<16xf32>,
        tpu.vector_store %arg11[%parallel_loop3A_239, %parallel_loop3A_240], %parallel_loop3A_238 {strides = array<i32>} : memref<128x64xf32, #tpu.memory_space<vmem>>, vector<16xf32>,
        %parallel_loop3A_242 = arith.index_cast %parallel_loop3A_231 : i32 to index
        %parallel_loop3A_243 = arith.constant 16 : index
        %parallel_loop3A_244 = tpu.vector_load %arg11[%parallel_loop3A_242, %parallel_loop3A_243] {strides = array<i32>} : memref<128x64xf32, #tpu.memory_space<vmem>>, vector<16xf32>,
        %parallel_loop3A_245 = arith.index_cast %parallel_loop3A_231 : i32 to index
        %parallel_loop3A_246 = arith.constant 16 : index
        %parallel_loop3A_247 = tpu.vector_load %arg8[%parallel_loop3A_245, %parallel_loop3A_246] {strides = array<i32>} : memref<128x64xf32, #tpu.memory_space<vmem>>, vector<16xf32>,
        %parallel_loop3A_248 = arith.addf %parallel_loop3A_244, %parallel_loop3A_247 : vector<16xf32>
        %parallel_loop3A_249 = arith.index_cast %parallel_loop3A_231 : i32 to index
        %parallel_loop3A_250 = arith.constant 16 : index
        %parallel_loop3A_251 = tpu.vector_load %arg11[%parallel_loop3A_249, %parallel_loop3A_250] {strides = array<i32>} : memref<128x64xf32, #tpu.memory_space<vmem>>, vector<16xf32>,
        tpu.vector_store %arg11[%parallel_loop3A_249, %parallel_loop3A_250], %parallel_loop3A_248 {strides = array<i32>} : memref<128x64xf32, #tpu.memory_space<vmem>>, vector<16xf32>,
        %parallel_loop3A_252 = arith.index_cast %parallel_loop3A_231 : i32 to index
        %parallel_loop3A_253 = arith.constant 32 : index
        %parallel_loop3A_254 = tpu.vector_load %arg11[%parallel_loop3A_252, %parallel_loop3A_253] {strides = array<i32>} : memref<128x64xf32, #tpu.memory_space<vmem>>, vector<16xf32>,
        %parallel_loop3A_255 = arith.index_cast %parallel_loop3A_231 : i32 to index
        %parallel_loop3A_256 = arith.constant 32 : index
        %parallel_loop3A_257 = tpu.vector_load %arg8[%parallel_loop3A_255, %parallel_loop3A_256] {strides = array<i32>} : memref<128x64xf32, #tpu.memory_space<vmem>>, vector<16xf32>,
        %parallel_loop3A_258 = arith.addf %parallel_loop3A_254, %parallel_loop3A_257 : vector<16xf32>
        %parallel_loop3A_259 = arith.index_cast %parallel_loop3A_231 : i32 to index
        %parallel_loop3A_260 = arith.constant 32 : index
        %parallel_loop3A_261 = tpu.vector_load %arg11[%parallel_loop3A_259, %parallel_loop3A_260] {strides = array<i32>} : memref<128x64xf32, #tpu.memory_space<vmem>>, vector<16xf32>,
        tpu.vector_store %arg11[%parallel_loop3A_259, %parallel_loop3A_260], %parallel_loop3A_258 {strides = array<i32>} : memref<128x64xf32, #tpu.memory_space<vmem>>, vector<16xf32>,
        %parallel_loop3A_262 = arith.index_cast %parallel_loop3A_231 : i32 to index
        %parallel_loop3A_263 = arith.constant 48 : index
        %parallel_loop3A_264 = tpu.vector_load %arg11[%parallel_loop3A_262, %parallel_loop3A_263] {strides = array<i32>} : memref<128x64xf32, #tpu.memory_space<vmem>>, vector<16xf32>,
        %parallel_loop3A_265 = arith.index_cast %parallel_loop3A_231 : i32 to index
        %parallel_loop3A_266 = arith.constant 48 : index
        %parallel_loop3A_267 = tpu.vector_load %arg8[%parallel_loop3A_265, %parallel_loop3A_266] {strides = array<i32>} : memref<128x64xf32, #tpu.memory_space<vmem>>, vector<16xf32>,
        %parallel_loop3A_268 = arith.addf %parallel_loop3A_264, %parallel_loop3A_267 : vector<16xf32>
        %parallel_loop3A_269 = arith.index_cast %parallel_loop3A_231 : i32 to index
        %parallel_loop3A_270 = arith.constant 48 : index
        %parallel_loop3A_271 = tpu.vector_load %arg11[%parallel_loop3A_269, %parallel_loop3A_270] {strides = array<i32>} : memref<128x64xf32, #tpu.memory_space<vmem>>, vector<16xf32>,
        tpu.vector_store %arg11[%parallel_loop3A_269, %parallel_loop3A_270], %parallel_loop3A_268 {strides = array<i32>} : memref<128x64xf32, #tpu.memory_space<vmem>>, vector<16xf32>,
      } {sc.loop_unroll_factor = 8 : i64, sc.parallel_access}
      %add3A_181 = arith.constant 5 : i32
      %add3A_182 = arith.addi %add3A_171, %add3A_181 : i32
      %dma_start3A_183 = arith.constant 0 : i32
      %dma_start3A_184 = tpu.memref_slice %arg5[%add3A_182, %dma_start3A_183] : memref<50x128xi32, #tpu.memory_space<vmem>> -> memref<1x128xi32, #tpu.memory_space<vmem>>
      %dma_start3A_185 = tpu.memref_squeeze %dma_start3A_184 : memref<1x128xi32, #tpu.memory_space<vmem>> -> memref<128xi32, #tpu.memory_space<vmem>>
      %dma_start3A_186 = arith.constant 0 : i32
      %dma_start3A_187 = arith.constant 0 : i32
      %dma_start3A_188 = tpu.memref_slice %arg3[%dma_start3A_186, %dma_start3A_187] : memref<100000x64xf32, #tpu.memory_space<hbm>> -> memref<100000x64xf32, #tpu.memory_space<hbm>>
      tpu.enqueue_indirect_dma source(%dma_start3A_188 : memref<100000x64xf32, #tpu.memory_space<hbm>>) target(%arg8 : memref<128x64xf32, #tpu.memory_space<vmem>>) offsets(%dma_start3A_185 : memref<128xi32, #tpu.memory_space<vmem>>) semaphore(%arg14 : memref<!tpu.dma_semaphore, #tpu.memory_space<semaphore_mem>>)
      %mul3A_189 = arith.constant 5 : i32
      %mul3A_190 = arith.muli %scan3A_125, %mul3A_189 : i32
      %add3A_191 = arith.constant 3 : i32
      %add3A_192 = arith.addi %mul3A_190, %add3A_191 : i32
      %dma_wait3A_193 = arith.constant 0 : i32
      %dma_wait3A_194 = tpu.memref_slice %arg5[%add3A_192, %dma_wait3A_193] : memref<50x128xi32, #tpu.memory_space<vmem>> -> memref<1x128xi32, #tpu.memory_space<vmem>>
      %dma_wait3A_195 = tpu.memref_squeeze %dma_wait3A_194 : memref<1x128xi32, #tpu.memory_space<vmem>> -> memref<128xi32, #tpu.memory_space<vmem>>
      %dma_wait3A_196 = arith.constant 0 : i32
      %dma_wait3A_197 = arith.constant 0 : i32
      %dma_wait3A_198 = tpu.memref_slice %arg3[%dma_wait3A_196, %dma_wait3A_197] : memref<100000x64xf32, #tpu.memory_space<hbm>> -> memref<100000x64xf32, #tpu.memory_space<hbm>>
      tpu.wait_indirect_dma semaphore(%arg15 : memref<!tpu.dma_semaphore, #tpu.memory_space<semaphore_mem>>) src(%dma_wait3A_198 : memref<100000x64xf32, #tpu.memory_space<hbm>>) dst(%arg9 : memref<128x64xf32, #tpu.memory_space<vmem>>)
      %parallel_loop3A_199 = arith.constant 0 : i32
      %parallel_loop3A_200 = arith.constant 128 : i32
      %parallel_loop3A_201 = arith.constant 1 : i32
      scf.for %parallel_loop3A_231 = %parallel_loop3A_199 to %parallel_loop3A_200 step %parallel_loop3A_201  : i32 {
        %parallel_loop3A_232 = arith.index_cast %parallel_loop3A_231 : i32 to index
        %parallel_loop3A_233 = arith.constant 0 : index
        %parallel_loop3A_234 = tpu.vector_load %arg11[%parallel_loop3A_232, %parallel_loop3A_233] {strides = array<i32>} : memref<128x64xf32, #tpu.memory_space<vmem>>, vector<16xf32>,
        %parallel_loop3A_235 = arith.index_cast %parallel_loop3A_231 : i32 to index
        %parallel_loop3A_236 = arith.constant 0 : index
        %parallel_loop3A_237 = tpu.vector_load %arg9[%parallel_loop3A_235, %parallel_loop3A_236] {strides = array<i32>} : memref<128x64xf32, #tpu.memory_space<vmem>>, vector<16xf32>,
        %parallel_loop3A_238 = arith.addf %parallel_loop3A_234, %parallel_loop3A_237 : vector<16xf32>
        %parallel_loop3A_239 = arith.index_cast %parallel_loop3A_231 : i32 to index
        %parallel_loop3A_240 = arith.constant 0 : index
        %parallel_loop3A_241 = tpu.vector_load %arg11[%parallel_loop3A_239, %parallel_loop3A_240] {strides = array<i32>} : memref<128x64xf32, #tpu.memory_space<vmem>>, vector<16xf32>,
        tpu.vector_store %arg11[%parallel_loop3A_239, %parallel_loop3A_240], %parallel_loop3A_238 {strides = array<i32>} : memref<128x64xf32, #tpu.memory_space<vmem>>, vector<16xf32>,
        %parallel_loop3A_242 = arith.index_cast %parallel_loop3A_231 : i32 to index
        %parallel_loop3A_243 = arith.constant 16 : index
        %parallel_loop3A_244 = tpu.vector_load %arg11[%parallel_loop3A_242, %parallel_loop3A_243] {strides = array<i32>} : memref<128x64xf32, #tpu.memory_space<vmem>>, vector<16xf32>,
        %parallel_loop3A_245 = arith.index_cast %parallel_loop3A_231 : i32 to index
        %parallel_loop3A_246 = arith.constant 16 : index
        %parallel_loop3A_247 = tpu.vector_load %arg9[%parallel_loop3A_245, %parallel_loop3A_246] {strides = array<i32>} : memref<128x64xf32, #tpu.memory_space<vmem>>, vector<16xf32>,
        %parallel_loop3A_248 = arith.addf %parallel_loop3A_244, %parallel_loop3A_247 : vector<16xf32>
        %parallel_loop3A_249 = arith.index_cast %parallel_loop3A_231 : i32 to index
        %parallel_loop3A_250 = arith.constant 16 : index
        %parallel_loop3A_251 = tpu.vector_load %arg11[%parallel_loop3A_249, %parallel_loop3A_250] {strides = array<i32>} : memref<128x64xf32, #tpu.memory_space<vmem>>, vector<16xf32>,
        tpu.vector_store %arg11[%parallel_loop3A_249, %parallel_loop3A_250], %parallel_loop3A_248 {strides = array<i32>} : memref<128x64xf32, #tpu.memory_space<vmem>>, vector<16xf32>,
        %parallel_loop3A_252 = arith.index_cast %parallel_loop3A_231 : i32 to index
        %parallel_loop3A_253 = arith.constant 32 : index
        %parallel_loop3A_254 = tpu.vector_load %arg11[%parallel_loop3A_252, %parallel_loop3A_253] {strides = array<i32>} : memref<128x64xf32, #tpu.memory_space<vmem>>, vector<16xf32>,
        %parallel_loop3A_255 = arith.index_cast %parallel_loop3A_231 : i32 to index
        %parallel_loop3A_256 = arith.constant 32 : index
        %parallel_loop3A_257 = tpu.vector_load %arg9[%parallel_loop3A_255, %parallel_loop3A_256] {strides = array<i32>} : memref<128x64xf32, #tpu.memory_space<vmem>>, vector<16xf32>,
        %parallel_loop3A_258 = arith.addf %parallel_loop3A_254, %parallel_loop3A_257 : vector<16xf32>
        %parallel_loop3A_259 = arith.index_cast %parallel_loop3A_231 : i32 to index
        %parallel_loop3A_260 = arith.constant 32 : index
        %parallel_loop3A_261 = tpu.vector_load %arg11[%parallel_loop3A_259, %parallel_loop3A_260] {strides = array<i32>} : memref<128x64xf32, #tpu.memory_space<vmem>>, vector<16xf32>,
        tpu.vector_store %arg11[%parallel_loop3A_259, %parallel_loop3A_260], %parallel_loop3A_258 {strides = array<i32>} : memref<128x64xf32, #tpu.memory_space<vmem>>, vector<16xf32>,
        %parallel_loop3A_262 = arith.index_cast %parallel_loop3A_231 : i32 to index
        %parallel_loop3A_263 = arith.constant 48 : index
        %parallel_loop3A_264 = tpu.vector_load %arg11[%parallel_loop3A_262, %parallel_loop3A_263] {strides = array<i32>} : memref<128x64xf32, #tpu.memory_space<vmem>>, vector<16xf32>,
        %parallel_loop3A_265 = arith.index_cast %parallel_loop3A_231 : i32 to index
        %parallel_loop3A_266 = arith.constant 48 : index
        %parallel_loop3A_267 = tpu.vector_load %arg9[%parallel_loop3A_265, %parallel_loop3A_266] {strides = array<i32>} : memref<128x64xf32, #tpu.memory_space<vmem>>, vector<16xf32>,
        %parallel_loop3A_268 = arith.addf %parallel_loop3A_264, %parallel_loop3A_267 : vector<16xf32>
        %parallel_loop3A_269 = arith.index_cast %parallel_loop3A_231 : i32 to index
        %parallel_loop3A_270 = arith.constant 48 : index
        %parallel_loop3A_271 = tpu.vector_load %arg11[%parallel_loop3A_269, %parallel_loop3A_270] {strides = array<i32>} : memref<128x64xf32, #tpu.memory_space<vmem>>, vector<16xf32>,
        tpu.vector_store %arg11[%parallel_loop3A_269, %parallel_loop3A_270], %parallel_loop3A_268 {strides = array<i32>} : memref<128x64xf32, #tpu.memory_space<vmem>>, vector<16xf32>,
      } {sc.loop_unroll_factor = 8 : i64, sc.parallel_access}
      %add3A_202 = arith.constant 5 : i32
      %add3A_203 = arith.addi %add3A_192, %add3A_202 : i32
      %dma_start3A_204 = arith.constant 0 : i32
      %dma_start3A_205 = tpu.memref_slice %arg5[%add3A_203, %dma_start3A_204] : memref<50x128xi32, #tpu.memory_space<vmem>> -> memref<1x128xi32, #tpu.memory_space<vmem>>
      %dma_start3A_206 = tpu.memref_squeeze %dma_start3A_205 : memref<1x128xi32, #tpu.memory_space<vmem>> -> memref<128xi32, #tpu.memory_space<vmem>>
      %dma_start3A_207 = arith.constant 0 : i32
      %dma_start3A_208 = arith.constant 0 : i32
      %dma_start3A_209 = tpu.memref_slice %arg3[%dma_start3A_207, %dma_start3A_208] : memref<100000x64xf32, #tpu.memory_space<hbm>> -> memref<100000x64xf32, #tpu.memory_space<hbm>>
      tpu.enqueue_indirect_dma source(%dma_start3A_209 : memref<100000x64xf32, #tpu.memory_space<hbm>>) target(%arg9 : memref<128x64xf32, #tpu.memory_space<vmem>>) offsets(%dma_start3A_206 : memref<128xi32, #tpu.memory_space<vmem>>) semaphore(%arg15 : memref<!tpu.dma_semaphore, #tpu.memory_space<semaphore_mem>>)
      %mul3A_210 = arith.constant 5 : i32
      %mul3A_211 = arith.muli %scan3A_125, %mul3A_210 : i32
      %add3A_212 = arith.constant 4 : i32
      %add3A_213 = arith.addi %mul3A_211, %add3A_212 : i32
      %dma_wait3A_214 = arith.constant 0 : i32
      %dma_wait3A_215 = tpu.memref_slice %arg5[%add3A_213, %dma_wait3A_214] : memref<50x128xi32, #tpu.memory_space<vmem>> -> memref<1x128xi32, #tpu.memory_space<vmem>>
      %dma_wait3A_216 = tpu.memref_squeeze %dma_wait3A_215 : memref<1x128xi32, #tpu.memory_space<vmem>> -> memref<128xi32, #tpu.memory_space<vmem>>
      %dma_wait3A_217 = arith.constant 0 : i32
      %dma_wait3A_218 = arith.constant 0 : i32
      %dma_wait3A_219 = tpu.memref_slice %arg3[%dma_wait3A_217, %dma_wait3A_218] : memref<100000x64xf32, #tpu.memory_space<hbm>> -> memref<100000x64xf32, #tpu.memory_space<hbm>>
      tpu.wait_indirect_dma semaphore(%arg16 : memref<!tpu.dma_semaphore, #tpu.memory_space<semaphore_mem>>) src(%dma_wait3A_219 : memref<100000x64xf32, #tpu.memory_space<hbm>>) dst(%arg10 : memref<128x64xf32, #tpu.memory_space<vmem>>)
      %parallel_loop3A_220 = arith.constant 0 : i32
      %parallel_loop3A_221 = arith.constant 128 : i32
      %parallel_loop3A_222 = arith.constant 1 : i32
      scf.for %parallel_loop3A_231 = %parallel_loop3A_220 to %parallel_loop3A_221 step %parallel_loop3A_222  : i32 {
        %parallel_loop3A_232 = arith.index_cast %parallel_loop3A_231 : i32 to index
        %parallel_loop3A_233 = arith.constant 0 : index
        %parallel_loop3A_234 = tpu.vector_load %arg11[%parallel_loop3A_232, %parallel_loop3A_233] {strides = array<i32>} : memref<128x64xf32, #tpu.memory_space<vmem>>, vector<16xf32>,
        %parallel_loop3A_235 = arith.index_cast %parallel_loop3A_231 : i32 to index
        %parallel_loop3A_236 = arith.constant 0 : index
        %parallel_loop3A_237 = tpu.vector_load %arg10[%parallel_loop3A_235, %parallel_loop3A_236] {strides = array<i32>} : memref<128x64xf32, #tpu.memory_space<vmem>>, vector<16xf32>,
        %parallel_loop3A_238 = arith.addf %parallel_loop3A_234, %parallel_loop3A_237 : vector<16xf32>
        %parallel_loop3A_239 = arith.index_cast %parallel_loop3A_231 : i32 to index
        %parallel_loop3A_240 = arith.constant 0 : index
        %parallel_loop3A_241 = tpu.vector_load %arg11[%parallel_loop3A_239, %parallel_loop3A_240] {strides = array<i32>} : memref<128x64xf32, #tpu.memory_space<vmem>>, vector<16xf32>,
        tpu.vector_store %arg11[%parallel_loop3A_239, %parallel_loop3A_240], %parallel_loop3A_238 {strides = array<i32>} : memref<128x64xf32, #tpu.memory_space<vmem>>, vector<16xf32>,
        %parallel_loop3A_242 = arith.index_cast %parallel_loop3A_231 : i32 to index
        %parallel_loop3A_243 = arith.constant 16 : index
        %parallel_loop3A_244 = tpu.vector_load %arg11[%parallel_loop3A_242, %parallel_loop3A_243] {strides = array<i32>} : memref<128x64xf32, #tpu.memory_space<vmem>>, vector<16xf32>,
        %parallel_loop3A_245 = arith.index_cast %parallel_loop3A_231 : i32 to index
        %parallel_loop3A_246 = arith.constant 16 : index
        %parallel_loop3A_247 = tpu.vector_load %arg10[%parallel_loop3A_245, %parallel_loop3A_246] {strides = array<i32>} : memref<128x64xf32, #tpu.memory_space<vmem>>, vector<16xf32>,
        %parallel_loop3A_248 = arith.addf %parallel_loop3A_244, %parallel_loop3A_247 : vector<16xf32>
        %parallel_loop3A_249 = arith.index_cast %parallel_loop3A_231 : i32 to index
        %parallel_loop3A_250 = arith.constant 16 : index
        %parallel_loop3A_251 = tpu.vector_load %arg11[%parallel_loop3A_249, %parallel_loop3A_250] {strides = array<i32>} : memref<128x64xf32, #tpu.memory_space<vmem>>, vector<16xf32>,
        tpu.vector_store %arg11[%parallel_loop3A_249, %parallel_loop3A_250], %parallel_loop3A_248 {strides = array<i32>} : memref<128x64xf32, #tpu.memory_space<vmem>>, vector<16xf32>,
        %parallel_loop3A_252 = arith.index_cast %parallel_loop3A_231 : i32 to index
        %parallel_loop3A_253 = arith.constant 32 : index
        %parallel_loop3A_254 = tpu.vector_load %arg11[%parallel_loop3A_252, %parallel_loop3A_253] {strides = array<i32>} : memref<128x64xf32, #tpu.memory_space<vmem>>, vector<16xf32>,
        %parallel_loop3A_255 = arith.index_cast %parallel_loop3A_231 : i32 to index
        %parallel_loop3A_256 = arith.constant 32 : index
        %parallel_loop3A_257 = tpu.vector_load %arg10[%parallel_loop3A_255, %parallel_loop3A_256] {strides = array<i32>} : memref<128x64xf32, #tpu.memory_space<vmem>>, vector<16xf32>,
        %parallel_loop3A_258 = arith.addf %parallel_loop3A_254, %parallel_loop3A_257 : vector<16xf32>
        %parallel_loop3A_259 = arith.index_cast %parallel_loop3A_231 : i32 to index
        %parallel_loop3A_260 = arith.constant 32 : index
        %parallel_loop3A_261 = tpu.vector_load %arg11[%parallel_loop3A_259, %parallel_loop3A_260] {strides = array<i32>} : memref<128x64xf32, #tpu.memory_space<vmem>>, vector<16xf32>,
        tpu.vector_store %arg11[%parallel_loop3A_259, %parallel_loop3A_260], %parallel_loop3A_258 {strides = array<i32>} : memref<128x64xf32, #tpu.memory_space<vmem>>, vector<16xf32>,
        %parallel_loop3A_262 = arith.index_cast %parallel_loop3A_231 : i32 to index
        %parallel_loop3A_263 = arith.constant 48 : index
        %parallel_loop3A_264 = tpu.vector_load %arg11[%parallel_loop3A_262, %parallel_loop3A_263] {strides = array<i32>} : memref<128x64xf32, #tpu.memory_space<vmem>>, vector<16xf32>,
        %parallel_loop3A_265 = arith.index_cast %parallel_loop3A_231 : i32 to index
        %parallel_loop3A_266 = arith.constant 48 : index
        %parallel_loop3A_267 = tpu.vector_load %arg10[%parallel_loop3A_265, %parallel_loop3A_266] {strides = array<i32>} : memref<128x64xf32, #tpu.memory_space<vmem>>, vector<16xf32>,
        %parallel_loop3A_268 = arith.addf %parallel_loop3A_264, %parallel_loop3A_267 : vector<16xf32>
        %parallel_loop3A_269 = arith.index_cast %parallel_loop3A_231 : i32 to index
        %parallel_loop3A_270 = arith.constant 48 : index
        %parallel_loop3A_271 = tpu.vector_load %arg11[%parallel_loop3A_269, %parallel_loop3A_270] {strides = array<i32>} : memref<128x64xf32, #tpu.memory_space<vmem>>, vector<16xf32>,
        tpu.vector_store %arg11[%parallel_loop3A_269, %parallel_loop3A_270], %parallel_loop3A_268 {strides = array<i32>} : memref<128x64xf32, #tpu.memory_space<vmem>>, vector<16xf32>,
      } {sc.loop_unroll_factor = 8 : i64, sc.parallel_access}
      %add3A_223 = arith.constant 5 : i32
      %add3A_224 = arith.addi %add3A_213, %add3A_223 : i32
      %dma_start3A_225 = arith.constant 0 : i32
      %dma_start3A_226 = tpu.memref_slice %arg5[%add3A_224, %dma_start3A_225] : memref<50x128xi32, #tpu.memory_space<vmem>> -> memref<1x128xi32, #tpu.memory_space<vmem>>
      %dma_start3A_227 = tpu.memref_squeeze %dma_start3A_226 : memref<1x128xi32, #tpu.memory_space<vmem>> -> memref<128xi32, #tpu.memory_space<vmem>>
      %dma_start3A_228 = arith.constant 0 : i32
      %dma_start3A_229 = arith.constant 0 : i32
      %dma_start3A_230 = tpu.memref_slice %arg3[%dma_start3A_228, %dma_start3A_229] : memref<100000x64xf32, #tpu.memory_space<hbm>> -> memref<100000x64xf32, #tpu.memory_space<hbm>>
      tpu.enqueue_indirect_dma source(%dma_start3A_230 : memref<100000x64xf32, #tpu.memory_space<hbm>>) target(%arg10 : memref<128x64xf32, #tpu.memory_space<vmem>>) offsets(%dma_start3A_227 : memref<128xi32, #tpu.memory_space<vmem>>) semaphore(%arg16 : memref<!tpu.dma_semaphore, #tpu.memory_space<semaphore_mem>>)
    }
    %scan3A_68 = arith.constant 9 : i32
    %dma_wait3A_69 = arith.constant 45 : i32
    %dma_wait3A_70 = arith.constant 0 : i32
    %dma_wait3A_71 = tpu.memref_slice %arg5[%dma_wait3A_69, %dma_wait3A_70] : memref<50x128xi32, #tpu.memory_space<vmem>> -> memref<1x128xi32, #tpu.memory_space<vmem>>
    %dma_wait3A_72 = tpu.memref_squeeze %dma_wait3A_71 : memref<1x128xi32, #tpu.memory_space<vmem>> -> memref<128xi32, #tpu.memory_space<vmem>>
    %dma_wait3A_73 = arith.constant 0 : i32
    %dma_wait3A_74 = arith.constant 0 : i32
    %dma_wait3A_75 = tpu.memref_slice %arg3[%dma_wait3A_73, %dma_wait3A_74] : memref<100000x64xf32, #tpu.memory_space<hbm>> -> memref<100000x64xf32, #tpu.memory_space<hbm>>
    tpu.wait_indirect_dma semaphore(%arg12 : memref<!tpu.dma_semaphore, #tpu.memory_space<semaphore_mem>>) src(%dma_wait3A_75 : memref<100000x64xf32, #tpu.memory_space<hbm>>) dst(%arg6 : memref<128x64xf32, #tpu.memory_space<vmem>>)
    %parallel_loop3A_76 = arith.constant 0 : i32
    %parallel_loop3A_77 = arith.constant 128 : i32
    %parallel_loop3A_78 = arith.constant 1 : i32
    scf.for %parallel_loop3A_125 = %parallel_loop3A_76 to %parallel_loop3A_77 step %parallel_loop3A_78  : i32 {
      %parallel_loop3A_126 = arith.index_cast %parallel_loop3A_125 : i32 to index
      %parallel_loop3A_127 = arith.constant 0 : index
      %parallel_loop3A_128 = tpu.vector_load %arg11[%parallel_loop3A_126, %parallel_loop3A_127] {strides = array<i32>} : memref<128x64xf32, #tpu.memory_space<vmem>>, vector<16xf32>,
      %parallel_loop3A_129 = arith.index_cast %parallel_loop3A_125 : i32 to index
      %parallel_loop3A_130 = arith.constant 0 : index
      %parallel_loop3A_131 = tpu.vector_load %arg6[%parallel_loop3A_129, %parallel_loop3A_130] {strides = array<i32>} : memref<128x64xf32, #tpu.memory_space<vmem>>, vector<16xf32>,
      %parallel_loop3A_132 = arith.addf %parallel_loop3A_128, %parallel_loop3A_131 : vector<16xf32>
      %parallel_loop3A_133 = arith.index_cast %parallel_loop3A_125 : i32 to index
      %parallel_loop3A_134 = arith.constant 0 : index
      %parallel_loop3A_135 = tpu.vector_load %arg11[%parallel_loop3A_133, %parallel_loop3A_134] {strides = array<i32>} : memref<128x64xf32, #tpu.memory_space<vmem>>, vector<16xf32>,
      tpu.vector_store %arg11[%parallel_loop3A_133, %parallel_loop3A_134], %parallel_loop3A_132 {strides = array<i32>} : memref<128x64xf32, #tpu.memory_space<vmem>>, vector<16xf32>,
      %parallel_loop3A_136 = arith.index_cast %parallel_loop3A_125 : i32 to index
      %parallel_loop3A_137 = arith.constant 16 : index
      %parallel_loop3A_138 = tpu.vector_load %arg11[%parallel_loop3A_136, %parallel_loop3A_137] {strides = array<i32>} : memref<128x64xf32, #tpu.memory_space<vmem>>, vector<16xf32>,
      %parallel_loop3A_139 = arith.index_cast %parallel_loop3A_125 : i32 to index
      %parallel_loop3A_140 = arith.constant 16 : index
      %parallel_loop3A_141 = tpu.vector_load %arg6[%parallel_loop3A_139, %parallel_loop3A_140] {strides = array<i32>} : memref<128x64xf32, #tpu.memory_space<vmem>>, vector<16xf32>,
      %parallel_loop3A_142 = arith.addf %parallel_loop3A_138, %parallel_loop3A_141 : vector<16xf32>
      %parallel_loop3A_143 = arith.index_cast %parallel_loop3A_125 : i32 to index
      %parallel_loop3A_144 = arith.constant 16 : index
      %parallel_loop3A_145 = tpu.vector_load %arg11[%parallel_loop3A_143, %parallel_loop3A_144] {strides = array<i32>} : memref<128x64xf32, #tpu.memory_space<vmem>>, vector<16xf32>,
      tpu.vector_store %arg11[%parallel_loop3A_143, %parallel_loop3A_144], %parallel_loop3A_142 {strides = array<i32>} : memref<128x64xf32, #tpu.memory_space<vmem>>, vector<16xf32>,
      %parallel_loop3A_146 = arith.index_cast %parallel_loop3A_125 : i32 to index
      %parallel_loop3A_147 = arith.constant 32 : index
      %parallel_loop3A_148 = tpu.vector_load %arg11[%parallel_loop3A_146, %parallel_loop3A_147] {strides = array<i32>} : memref<128x64xf32, #tpu.memory_space<vmem>>, vector<16xf32>,
      %parallel_loop3A_149 = arith.index_cast %parallel_loop3A_125 : i32 to index
      %parallel_loop3A_150 = arith.constant 32 : index
      %parallel_loop3A_151 = tpu.vector_load %arg6[%parallel_loop3A_149, %parallel_loop3A_150] {strides = array<i32>} : memref<128x64xf32, #tpu.memory_space<vmem>>, vector<16xf32>,
      %parallel_loop3A_152 = arith.addf %parallel_loop3A_148, %parallel_loop3A_151 : vector<16xf32>
      %parallel_loop3A_153 = arith.index_cast %parallel_loop3A_125 : i32 to index
      %parallel_loop3A_154 = arith.constant 32 : index
      %parallel_loop3A_155 = tpu.vector_load %arg11[%parallel_loop3A_153, %parallel_loop3A_154] {strides = array<i32>} : memref<128x64xf32, #tpu.memory_space<vmem>>, vector<16xf32>,
      tpu.vector_store %arg11[%parallel_loop3A_153, %parallel_loop3A_154], %parallel_loop3A_152 {strides = array<i32>} : memref<128x64xf32, #tpu.memory_space<vmem>>, vector<16xf32>,
      %parallel_loop3A_156 = arith.index_cast %parallel_loop3A_125 : i32 to index
      %parallel_loop3A_157 = arith.constant 48 : index
      %parallel_loop3A_158 = tpu.vector_load %arg11[%parallel_loop3A_156, %parallel_loop3A_157] {strides = array<i32>} : memref<128x64xf32, #tpu.memory_space<vmem>>, vector<16xf32>,
      %parallel_loop3A_159 = arith.index_cast %parallel_loop3A_125 : i32 to index
      %parallel_loop3A_160 = arith.constant 48 : index
      %parallel_loop3A_161 = tpu.vector_load %arg6[%parallel_loop3A_159, %parallel_loop3A_160] {strides = array<i32>} : memref<128x64xf32, #tpu.memory_space<vmem>>, vector<16xf32>,
      %parallel_loop3A_162 = arith.addf %parallel_loop3A_158, %parallel_loop3A_161 : vector<16xf32>
      %parallel_loop3A_163 = arith.index_cast %parallel_loop3A_125 : i32 to index
      %parallel_loop3A_164 = arith.constant 48 : index
      %parallel_loop3A_165 = tpu.vector_load %arg11[%parallel_loop3A_163, %parallel_loop3A_164] {strides = array<i32>} : memref<128x64xf32, #tpu.memory_space<vmem>>, vector<16xf32>,
      tpu.vector_store %arg11[%parallel_loop3A_163, %parallel_loop3A_164], %parallel_loop3A_162 {strides = array<i32>} : memref<128x64xf32, #tpu.memory_space<vmem>>, vector<16xf32>,
    } {sc.loop_unroll_factor = 8 : i64, sc.parallel_access}
    %dma_wait3A_79 = arith.constant 46 : i32
    %dma_wait3A_80 = arith.constant 0 : i32
    %dma_wait3A_81 = tpu.memref_slice %arg5[%dma_wait3A_79, %dma_wait3A_80] : memref<50x128xi32, #tpu.memory_space<vmem>> -> memref<1x128xi32, #tpu.memory_space<vmem>>
    %dma_wait3A_82 = tpu.memref_squeeze %dma_wait3A_81 : memref<1x128xi32, #tpu.memory_space<vmem>> -> memref<128xi32, #tpu.memory_space<vmem>>
    %dma_wait3A_83 = arith.constant 0 : i32
    %dma_wait3A_84 = arith.constant 0 : i32
    %dma_wait3A_85 = tpu.memref_slice %arg3[%dma_wait3A_83, %dma_wait3A_84] : memref<100000x64xf32, #tpu.memory_space<hbm>> -> memref<100000x64xf32, #tpu.memory_space<hbm>>
    tpu.wait_indirect_dma semaphore(%arg13 : memref<!tpu.dma_semaphore, #tpu.memory_space<semaphore_mem>>) src(%dma_wait3A_85 : memref<100000x64xf32, #tpu.memory_space<hbm>>) dst(%arg7 : memref<128x64xf32, #tpu.memory_space<vmem>>)
    %parallel_loop3A_86 = arith.constant 0 : i32
    %parallel_loop3A_87 = arith.constant 128 : i32
    %parallel_loop3A_88 = arith.constant 1 : i32
    scf.for %parallel_loop3A_125 = %parallel_loop3A_86 to %parallel_loop3A_87 step %parallel_loop3A_88  : i32 {
      %parallel_loop3A_126 = arith.index_cast %parallel_loop3A_125 : i32 to index
      %parallel_loop3A_127 = arith.constant 0 : index
      %parallel_loop3A_128 = tpu.vector_load %arg11[%parallel_loop3A_126, %parallel_loop3A_127] {strides = array<i32>} : memref<128x64xf32, #tpu.memory_space<vmem>>, vector<16xf32>,
      %parallel_loop3A_129 = arith.index_cast %parallel_loop3A_125 : i32 to index
      %parallel_loop3A_130 = arith.constant 0 : index
      %parallel_loop3A_131 = tpu.vector_load %arg7[%parallel_loop3A_129, %parallel_loop3A_130] {strides = array<i32>} : memref<128x64xf32, #tpu.memory_space<vmem>>, vector<16xf32>,
      %parallel_loop3A_132 = arith.addf %parallel_loop3A_128, %parallel_loop3A_131 : vector<16xf32>
      %parallel_loop3A_133 = arith.index_cast %parallel_loop3A_125 : i32 to index
      %parallel_loop3A_134 = arith.constant 0 : index
      %parallel_loop3A_135 = tpu.vector_load %arg11[%parallel_loop3A_133, %parallel_loop3A_134] {strides = array<i32>} : memref<128x64xf32, #tpu.memory_space<vmem>>, vector<16xf32>,
      tpu.vector_store %arg11[%parallel_loop3A_133, %parallel_loop3A_134], %parallel_loop3A_132 {strides = array<i32>} : memref<128x64xf32, #tpu.memory_space<vmem>>, vector<16xf32>,
      %parallel_loop3A_136 = arith.index_cast %parallel_loop3A_125 : i32 to index
      %parallel_loop3A_137 = arith.constant 16 : index
      %parallel_loop3A_138 = tpu.vector_load %arg11[%parallel_loop3A_136, %parallel_loop3A_137] {strides = array<i32>} : memref<128x64xf32, #tpu.memory_space<vmem>>, vector<16xf32>,
      %parallel_loop3A_139 = arith.index_cast %parallel_loop3A_125 : i32 to index
      %parallel_loop3A_140 = arith.constant 16 : index
      %parallel_loop3A_141 = tpu.vector_load %arg7[%parallel_loop3A_139, %parallel_loop3A_140] {strides = array<i32>} : memref<128x64xf32, #tpu.memory_space<vmem>>, vector<16xf32>,
      %parallel_loop3A_142 = arith.addf %parallel_loop3A_138, %parallel_loop3A_141 : vector<16xf32>
      %parallel_loop3A_143 = arith.index_cast %parallel_loop3A_125 : i32 to index
      %parallel_loop3A_144 = arith.constant 16 : index
      %parallel_loop3A_145 = tpu.vector_load %arg11[%parallel_loop3A_143, %parallel_loop3A_144] {strides = array<i32>} : memref<128x64xf32, #tpu.memory_space<vmem>>, vector<16xf32>,
      tpu.vector_store %arg11[%parallel_loop3A_143, %parallel_loop3A_144], %parallel_loop3A_142 {strides = array<i32>} : memref<128x64xf32, #tpu.memory_space<vmem>>, vector<16xf32>,
      %parallel_loop3A_146 = arith.index_cast %parallel_loop3A_125 : i32 to index
      %parallel_loop3A_147 = arith.constant 32 : index
      %parallel_loop3A_148 = tpu.vector_load %arg11[%parallel_loop3A_146, %parallel_loop3A_147] {strides = array<i32>} : memref<128x64xf32, #tpu.memory_space<vmem>>, vector<16xf32>,
      %parallel_loop3A_149 = arith.index_cast %parallel_loop3A_125 : i32 to index
      %parallel_loop3A_150 = arith.constant 32 : index
      %parallel_loop3A_151 = tpu.vector_load %arg7[%parallel_loop3A_149, %parallel_loop3A_150] {strides = array<i32>} : memref<128x64xf32, #tpu.memory_space<vmem>>, vector<16xf32>,
      %parallel_loop3A_152 = arith.addf %parallel_loop3A_148, %parallel_loop3A_151 : vector<16xf32>
      %parallel_loop3A_153 = arith.index_cast %parallel_loop3A_125 : i32 to index
      %parallel_loop3A_154 = arith.constant 32 : index
      %parallel_loop3A_155 = tpu.vector_load %arg11[%parallel_loop3A_153, %parallel_loop3A_154] {strides = array<i32>} : memref<128x64xf32, #tpu.memory_space<vmem>>, vector<16xf32>,
      tpu.vector_store %arg11[%parallel_loop3A_153, %parallel_loop3A_154], %parallel_loop3A_152 {strides = array<i32>} : memref<128x64xf32, #tpu.memory_space<vmem>>, vector<16xf32>,
      %parallel_loop3A_156 = arith.index_cast %parallel_loop3A_125 : i32 to index
      %parallel_loop3A_157 = arith.constant 48 : index
      %parallel_loop3A_158 = tpu.vector_load %arg11[%parallel_loop3A_156, %parallel_loop3A_157] {strides = array<i32>} : memref<128x64xf32, #tpu.memory_space<vmem>>, vector<16xf32>,
      %parallel_loop3A_159 = arith.index_cast %parallel_loop3A_125 : i32 to index
      %parallel_loop3A_160 = arith.constant 48 : index
      %parallel_loop3A_161 = tpu.vector_load %arg7[%parallel_loop3A_159, %parallel_loop3A_160] {strides = array<i32>} : memref<128x64xf32, #tpu.memory_space<vmem>>, vector<16xf32>,
      %parallel_loop3A_162 = arith.addf %parallel_loop3A_158, %parallel_loop3A_161 : vector<16xf32>
      %parallel_loop3A_163 = arith.index_cast %parallel_loop3A_125 : i32 to index
      %parallel_loop3A_164 = arith.constant 48 : index
      %parallel_loop3A_165 = tpu.vector_load %arg11[%parallel_loop3A_163, %parallel_loop3A_164] {strides = array<i32>} : memref<128x64xf32, #tpu.memory_space<vmem>>, vector<16xf32>,
      tpu.vector_store %arg11[%parallel_loop3A_163, %parallel_loop3A_164], %parallel_loop3A_162 {strides = array<i32>} : memref<128x64xf32, #tpu.memory_space<vmem>>, vector<16xf32>,
    } {sc.loop_unroll_factor = 8 : i64, sc.parallel_access}
    %dma_wait3A_89 = arith.constant 47 : i32
    %dma_wait3A_90 = arith.constant 0 : i32
    %dma_wait3A_91 = tpu.memref_slice %arg5[%dma_wait3A_89, %dma_wait3A_90] : memref<50x128xi32, #tpu.memory_space<vmem>> -> memref<1x128xi32, #tpu.memory_space<vmem>>
    %dma_wait3A_92 = tpu.memref_squeeze %dma_wait3A_91 : memref<1x128xi32, #tpu.memory_space<vmem>> -> memref<128xi32, #tpu.memory_space<vmem>>
    %dma_wait3A_93 = arith.constant 0 : i32
    %dma_wait3A_94 = arith.constant 0 : i32
    %dma_wait3A_95 = tpu.memref_slice %arg3[%dma_wait3A_93, %dma_wait3A_94] : memref<100000x64xf32, #tpu.memory_space<hbm>> -> memref<100000x64xf32, #tpu.memory_space<hbm>>
    tpu.wait_indirect_dma semaphore(%arg14 : memref<!tpu.dma_semaphore, #tpu.memory_space<semaphore_mem>>) src(%dma_wait3A_95 : memref<100000x64xf32, #tpu.memory_space<hbm>>) dst(%arg8 : memref<128x64xf32, #tpu.memory_space<vmem>>)
    %parallel_loop3A_96 = arith.constant 0 : i32
    %parallel_loop3A_97 = arith.constant 128 : i32
    %parallel_loop3A_98 = arith.constant 1 : i32
    scf.for %parallel_loop3A_125 = %parallel_loop3A_96 to %parallel_loop3A_97 step %parallel_loop3A_98  : i32 {
      %parallel_loop3A_126 = arith.index_cast %parallel_loop3A_125 : i32 to index
      %parallel_loop3A_127 = arith.constant 0 : index
      %parallel_loop3A_128 = tpu.vector_load %arg11[%parallel_loop3A_126, %parallel_loop3A_127] {strides = array<i32>} : memref<128x64xf32, #tpu.memory_space<vmem>>, vector<16xf32>,
      %parallel_loop3A_129 = arith.index_cast %parallel_loop3A_125 : i32 to index
      %parallel_loop3A_130 = arith.constant 0 : index
      %parallel_loop3A_131 = tpu.vector_load %arg8[%parallel_loop3A_129, %parallel_loop3A_130] {strides = array<i32>} : memref<128x64xf32, #tpu.memory_space<vmem>>, vector<16xf32>,
      %parallel_loop3A_132 = arith.addf %parallel_loop3A_128, %parallel_loop3A_131 : vector<16xf32>
      %parallel_loop3A_133 = arith.index_cast %parallel_loop3A_125 : i32 to index
      %parallel_loop3A_134 = arith.constant 0 : index
      %parallel_loop3A_135 = tpu.vector_load %arg11[%parallel_loop3A_133, %parallel_loop3A_134] {strides = array<i32>} : memref<128x64xf32, #tpu.memory_space<vmem>>, vector<16xf32>,
      tpu.vector_store %arg11[%parallel_loop3A_133, %parallel_loop3A_134], %parallel_loop3A_132 {strides = array<i32>} : memref<128x64xf32, #tpu.memory_space<vmem>>, vector<16xf32>,
      %parallel_loop3A_136 = arith.index_cast %parallel_loop3A_125 : i32 to index
      %parallel_loop3A_137 = arith.constant 16 : index
      %parallel_loop3A_138 = tpu.vector_load %arg11[%parallel_loop3A_136, %parallel_loop3A_137] {strides = array<i32>} : memref<128x64xf32, #tpu.memory_space<vmem>>, vector<16xf32>,
      %parallel_loop3A_139 = arith.index_cast %parallel_loop3A_125 : i32 to index
      %parallel_loop3A_140 = arith.constant 16 : index
      %parallel_loop3A_141 = tpu.vector_load %arg8[%parallel_loop3A_139, %parallel_loop3A_140] {strides = array<i32>} : memref<128x64xf32, #tpu.memory_space<vmem>>, vector<16xf32>,
      %parallel_loop3A_142 = arith.addf %parallel_loop3A_138, %parallel_loop3A_141 : vector<16xf32>
      %parallel_loop3A_143 = arith.index_cast %parallel_loop3A_125 : i32 to index
      %parallel_loop3A_144 = arith.constant 16 : index
      %parallel_loop3A_145 = tpu.vector_load %arg11[%parallel_loop3A_143, %parallel_loop3A_144] {strides = array<i32>} : memref<128x64xf32, #tpu.memory_space<vmem>>, vector<16xf32>,
      tpu.vector_store %arg11[%parallel_loop3A_143, %parallel_loop3A_144], %parallel_loop3A_142 {strides = array<i32>} : memref<128x64xf32, #tpu.memory_space<vmem>>, vector<16xf32>,
      %parallel_loop3A_146 = arith.index_cast %parallel_loop3A_125 : i32 to index
      %parallel_loop3A_147 = arith.constant 32 : index
      %parallel_loop3A_148 = tpu.vector_load %arg11[%parallel_loop3A_146, %parallel_loop3A_147] {strides = array<i32>} : memref<128x64xf32, #tpu.memory_space<vmem>>, vector<16xf32>,
      %parallel_loop3A_149 = arith.index_cast %parallel_loop3A_125 : i32 to index
      %parallel_loop3A_150 = arith.constant 32 : index
      %parallel_loop3A_151 = tpu.vector_load %arg8[%parallel_loop3A_149, %parallel_loop3A_150] {strides = array<i32>} : memref<128x64xf32, #tpu.memory_space<vmem>>, vector<16xf32>,
      %parallel_loop3A_152 = arith.addf %parallel_loop3A_148, %parallel_loop3A_151 : vector<16xf32>
      %parallel_loop3A_153 = arith.index_cast %parallel_loop3A_125 : i32 to index
      %parallel_loop3A_154 = arith.constant 32 : index
      %parallel_loop3A_155 = tpu.vector_load %arg11[%parallel_loop3A_153, %parallel_loop3A_154] {strides = array<i32>} : memref<128x64xf32, #tpu.memory_space<vmem>>, vector<16xf32>,
      tpu.vector_store %arg11[%parallel_loop3A_153, %parallel_loop3A_154], %parallel_loop3A_152 {strides = array<i32>} : memref<128x64xf32, #tpu.memory_space<vmem>>, vector<16xf32>,
      %parallel_loop3A_156 = arith.index_cast %parallel_loop3A_125 : i32 to index
      %parallel_loop3A_157 = arith.constant 48 : index
      %parallel_loop3A_158 = tpu.vector_load %arg11[%parallel_loop3A_156, %parallel_loop3A_157] {strides = array<i32>} : memref<128x64xf32, #tpu.memory_space<vmem>>, vector<16xf32>,
      %parallel_loop3A_159 = arith.index_cast %parallel_loop3A_125 : i32 to index
      %parallel_loop3A_160 = arith.constant 48 : index
      %parallel_loop3A_161 = tpu.vector_load %arg8[%parallel_loop3A_159, %parallel_loop3A_160] {strides = array<i32>} : memref<128x64xf32, #tpu.memory_space<vmem>>, vector<16xf32>,
      %parallel_loop3A_162 = arith.addf %parallel_loop3A_158, %parallel_loop3A_161 : vector<16xf32>
      %parallel_loop3A_163 = arith.index_cast %parallel_loop3A_125 : i32 to index
      %parallel_loop3A_164 = arith.constant 48 : index
      %parallel_loop3A_165 = tpu.vector_load %arg11[%parallel_loop3A_163, %parallel_loop3A_164] {strides = array<i32>} : memref<128x64xf32, #tpu.memory_space<vmem>>, vector<16xf32>,
      tpu.vector_store %arg11[%parallel_loop3A_163, %parallel_loop3A_164], %parallel_loop3A_162 {strides = array<i32>} : memref<128x64xf32, #tpu.memory_space<vmem>>, vector<16xf32>,
    } {sc.loop_unroll_factor = 8 : i64, sc.parallel_access}
    %dma_wait3A_99 = arith.constant 48 : i32
    %dma_wait3A_100 = arith.constant 0 : i32
    %dma_wait3A_101 = tpu.memref_slice %arg5[%dma_wait3A_99, %dma_wait3A_100] : memref<50x128xi32, #tpu.memory_space<vmem>> -> memref<1x128xi32, #tpu.memory_space<vmem>>
    %dma_wait3A_102 = tpu.memref_squeeze %dma_wait3A_101 : memref<1x128xi32, #tpu.memory_space<vmem>> -> memref<128xi32, #tpu.memory_space<vmem>>
    %dma_wait3A_103 = arith.constant 0 : i32
    %dma_wait3A_104 = arith.constant 0 : i32
    %dma_wait3A_105 = tpu.memref_slice %arg3[%dma_wait3A_103, %dma_wait3A_104] : memref<100000x64xf32, #tpu.memory_space<hbm>> -> memref<100000x64xf32, #tpu.memory_space<hbm>>
    tpu.wait_indirect_dma semaphore(%arg15 : memref<!tpu.dma_semaphore, #tpu.memory_space<semaphore_mem>>) src(%dma_wait3A_105 : memref<100000x64xf32, #tpu.memory_space<hbm>>) dst(%arg9 : memref<128x64xf32, #tpu.memory_space<vmem>>)
    %parallel_loop3A_106 = arith.constant 0 : i32
    %parallel_loop3A_107 = arith.constant 128 : i32
    %parallel_loop3A_108 = arith.constant 1 : i32
    scf.for %parallel_loop3A_125 = %parallel_loop3A_106 to %parallel_loop3A_107 step %parallel_loop3A_108  : i32 {
      %parallel_loop3A_126 = arith.index_cast %parallel_loop3A_125 : i32 to index
      %parallel_loop3A_127 = arith.constant 0 : index
      %parallel_loop3A_128 = tpu.vector_load %arg11[%parallel_loop3A_126, %parallel_loop3A_127] {strides = array<i32>} : memref<128x64xf32, #tpu.memory_space<vmem>>, vector<16xf32>,
      %parallel_loop3A_129 = arith.index_cast %parallel_loop3A_125 : i32 to index
      %parallel_loop3A_130 = arith.constant 0 : index
      %parallel_loop3A_131 = tpu.vector_load %arg9[%parallel_loop3A_129, %parallel_loop3A_130] {strides = array<i32>} : memref<128x64xf32, #tpu.memory_space<vmem>>, vector<16xf32>,
      %parallel_loop3A_132 = arith.addf %parallel_loop3A_128, %parallel_loop3A_131 : vector<16xf32>
      %parallel_loop3A_133 = arith.index_cast %parallel_loop3A_125 : i32 to index
      %parallel_loop3A_134 = arith.constant 0 : index
      %parallel_loop3A_135 = tpu.vector_load %arg11[%parallel_loop3A_133, %parallel_loop3A_134] {strides = array<i32>} : memref<128x64xf32, #tpu.memory_space<vmem>>, vector<16xf32>,
      tpu.vector_store %arg11[%parallel_loop3A_133, %parallel_loop3A_134], %parallel_loop3A_132 {strides = array<i32>} : memref<128x64xf32, #tpu.memory_space<vmem>>, vector<16xf32>,
      %parallel_loop3A_136 = arith.index_cast %parallel_loop3A_125 : i32 to index
      %parallel_loop3A_137 = arith.constant 16 : index
      %parallel_loop3A_138 = tpu.vector_load %arg11[%parallel_loop3A_136, %parallel_loop3A_137] {strides = array<i32>} : memref<128x64xf32, #tpu.memory_space<vmem>>, vector<16xf32>,
      %parallel_loop3A_139 = arith.index_cast %parallel_loop3A_125 : i32 to index
      %parallel_loop3A_140 = arith.constant 16 : index
      %parallel_loop3A_141 = tpu.vector_load %arg9[%parallel_loop3A_139, %parallel_loop3A_140] {strides = array<i32>} : memref<128x64xf32, #tpu.memory_space<vmem>>, vector<16xf32>,
      %parallel_loop3A_142 = arith.addf %parallel_loop3A_138, %parallel_loop3A_141 : vector<16xf32>
      %parallel_loop3A_143 = arith.index_cast %parallel_loop3A_125 : i32 to index
      %parallel_loop3A_144 = arith.constant 16 : index
      %parallel_loop3A_145 = tpu.vector_load %arg11[%parallel_loop3A_143, %parallel_loop3A_144] {strides = array<i32>} : memref<128x64xf32, #tpu.memory_space<vmem>>, vector<16xf32>,
      tpu.vector_store %arg11[%parallel_loop3A_143, %parallel_loop3A_144], %parallel_loop3A_142 {strides = array<i32>} : memref<128x64xf32, #tpu.memory_space<vmem>>, vector<16xf32>,
      %parallel_loop3A_146 = arith.index_cast %parallel_loop3A_125 : i32 to index
      %parallel_loop3A_147 = arith.constant 32 : index
      %parallel_loop3A_148 = tpu.vector_load %arg11[%parallel_loop3A_146, %parallel_loop3A_147] {strides = array<i32>} : memref<128x64xf32, #tpu.memory_space<vmem>>, vector<16xf32>,
      %parallel_loop3A_149 = arith.index_cast %parallel_loop3A_125 : i32 to index
      %parallel_loop3A_150 = arith.constant 32 : index
      %parallel_loop3A_151 = tpu.vector_load %arg9[%parallel_loop3A_149, %parallel_loop3A_150] {strides = array<i32>} : memref<128x64xf32, #tpu.memory_space<vmem>>, vector<16xf32>,
      %parallel_loop3A_152 = arith.addf %parallel_loop3A_148, %parallel_loop3A_151 : vector<16xf32>
      %parallel_loop3A_153 = arith.index_cast %parallel_loop3A_125 : i32 to index
      %parallel_loop3A_154 = arith.constant 32 : index
      %parallel_loop3A_155 = tpu.vector_load %arg11[%parallel_loop3A_153, %parallel_loop3A_154] {strides = array<i32>} : memref<128x64xf32, #tpu.memory_space<vmem>>, vector<16xf32>,
      tpu.vector_store %arg11[%parallel_loop3A_153, %parallel_loop3A_154], %parallel_loop3A_152 {strides = array<i32>} : memref<128x64xf32, #tpu.memory_space<vmem>>, vector<16xf32>,
      %parallel_loop3A_156 = arith.index_cast %parallel_loop3A_125 : i32 to index
      %parallel_loop3A_157 = arith.constant 48 : index
      %parallel_loop3A_158 = tpu.vector_load %arg11[%parallel_loop3A_156, %parallel_loop3A_157] {strides = array<i32>} : memref<128x64xf32, #tpu.memory_space<vmem>>, vector<16xf32>,
      %parallel_loop3A_159 = arith.index_cast %parallel_loop3A_125 : i32 to index
      %parallel_loop3A_160 = arith.constant 48 : index
      %parallel_loop3A_161 = tpu.vector_load %arg9[%parallel_loop3A_159, %parallel_loop3A_160] {strides = array<i32>} : memref<128x64xf32, #tpu.memory_space<vmem>>, vector<16xf32>,
      %parallel_loop3A_162 = arith.addf %parallel_loop3A_158, %parallel_loop3A_161 : vector<16xf32>
      %parallel_loop3A_163 = arith.index_cast %parallel_loop3A_125 : i32 to index
      %parallel_loop3A_164 = arith.constant 48 : index
      %parallel_loop3A_165 = tpu.vector_load %arg11[%parallel_loop3A_163, %parallel_loop3A_164] {strides = array<i32>} : memref<128x64xf32, #tpu.memory_space<vmem>>, vector<16xf32>,
      tpu.vector_store %arg11[%parallel_loop3A_163, %parallel_loop3A_164], %parallel_loop3A_162 {strides = array<i32>} : memref<128x64xf32, #tpu.memory_space<vmem>>, vector<16xf32>,
    } {sc.loop_unroll_factor = 8 : i64, sc.parallel_access}
    %dma_wait3A_109 = arith.constant 49 : i32
    %dma_wait3A_110 = arith.constant 0 : i32
    %dma_wait3A_111 = tpu.memref_slice %arg5[%dma_wait3A_109, %dma_wait3A_110] : memref<50x128xi32, #tpu.memory_space<vmem>> -> memref<1x128xi32, #tpu.memory_space<vmem>>
    %dma_wait3A_112 = tpu.memref_squeeze %dma_wait3A_111 : memref<1x128xi32, #tpu.memory_space<vmem>> -> memref<128xi32, #tpu.memory_space<vmem>>
    %dma_wait3A_113 = arith.constant 0 : i32
    %dma_wait3A_114 = arith.constant 0 : i32
    %dma_wait3A_115 = tpu.memref_slice %arg3[%dma_wait3A_113, %dma_wait3A_114] : memref<100000x64xf32, #tpu.memory_space<hbm>> -> memref<100000x64xf32, #tpu.memory_space<hbm>>
    tpu.wait_indirect_dma semaphore(%arg16 : memref<!tpu.dma_semaphore, #tpu.memory_space<semaphore_mem>>) src(%dma_wait3A_115 : memref<100000x64xf32, #tpu.memory_space<hbm>>) dst(%arg10 : memref<128x64xf32, #tpu.memory_space<vmem>>)
    %parallel_loop3A_116 = arith.constant 0 : i32
    %parallel_loop3A_117 = arith.constant 128 : i32
    %parallel_loop3A_118 = arith.constant 1 : i32
    scf.for %parallel_loop3A_125 = %parallel_loop3A_116 to %parallel_loop3A_117 step %parallel_loop3A_118  : i32 {
      %parallel_loop3A_126 = arith.index_cast %parallel_loop3A_125 : i32 to index
      %parallel_loop3A_127 = arith.constant 0 : index
      %parallel_loop3A_128 = tpu.vector_load %arg11[%parallel_loop3A_126, %parallel_loop3A_127] {strides = array<i32>} : memref<128x64xf32, #tpu.memory_space<vmem>>, vector<16xf32>,
      %parallel_loop3A_129 = arith.index_cast %parallel_loop3A_125 : i32 to index
      %parallel_loop3A_130 = arith.constant 0 : index
      %parallel_loop3A_131 = tpu.vector_load %arg10[%parallel_loop3A_129, %parallel_loop3A_130] {strides = array<i32>} : memref<128x64xf32, #tpu.memory_space<vmem>>, vector<16xf32>,
      %parallel_loop3A_132 = arith.addf %parallel_loop3A_128, %parallel_loop3A_131 : vector<16xf32>
      %parallel_loop3A_133 = arith.index_cast %parallel_loop3A_125 : i32 to index
      %parallel_loop3A_134 = arith.constant 0 : index
      %parallel_loop3A_135 = tpu.vector_load %arg11[%parallel_loop3A_133, %parallel_loop3A_134] {strides = array<i32>} : memref<128x64xf32, #tpu.memory_space<vmem>>, vector<16xf32>,
      tpu.vector_store %arg11[%parallel_loop3A_133, %parallel_loop3A_134], %parallel_loop3A_132 {strides = array<i32>} : memref<128x64xf32, #tpu.memory_space<vmem>>, vector<16xf32>,
      %parallel_loop3A_136 = arith.index_cast %parallel_loop3A_125 : i32 to index
      %parallel_loop3A_137 = arith.constant 16 : index
      %parallel_loop3A_138 = tpu.vector_load %arg11[%parallel_loop3A_136, %parallel_loop3A_137] {strides = array<i32>} : memref<128x64xf32, #tpu.memory_space<vmem>>, vector<16xf32>,
      %parallel_loop3A_139 = arith.index_cast %parallel_loop3A_125 : i32 to index
      %parallel_loop3A_140 = arith.constant 16 : index
      %parallel_loop3A_141 = tpu.vector_load %arg10[%parallel_loop3A_139, %parallel_loop3A_140] {strides = array<i32>} : memref<128x64xf32, #tpu.memory_space<vmem>>, vector<16xf32>,
      %parallel_loop3A_142 = arith.addf %parallel_loop3A_138, %parallel_loop3A_141 : vector<16xf32>
      %parallel_loop3A_143 = arith.index_cast %parallel_loop3A_125 : i32 to index
      %parallel_loop3A_144 = arith.constant 16 : index
      %parallel_loop3A_145 = tpu.vector_load %arg11[%parallel_loop3A_143, %parallel_loop3A_144] {strides = array<i32>} : memref<128x64xf32, #tpu.memory_space<vmem>>, vector<16xf32>,
      tpu.vector_store %arg11[%parallel_loop3A_143, %parallel_loop3A_144], %parallel_loop3A_142 {strides = array<i32>} : memref<128x64xf32, #tpu.memory_space<vmem>>, vector<16xf32>,
      %parallel_loop3A_146 = arith.index_cast %parallel_loop3A_125 : i32 to index
      %parallel_loop3A_147 = arith.constant 32 : index
      %parallel_loop3A_148 = tpu.vector_load %arg11[%parallel_loop3A_146, %parallel_loop3A_147] {strides = array<i32>} : memref<128x64xf32, #tpu.memory_space<vmem>>, vector<16xf32>,
      %parallel_loop3A_149 = arith.index_cast %parallel_loop3A_125 : i32 to index
      %parallel_loop3A_150 = arith.constant 32 : index
      %parallel_loop3A_151 = tpu.vector_load %arg10[%parallel_loop3A_149, %parallel_loop3A_150] {strides = array<i32>} : memref<128x64xf32, #tpu.memory_space<vmem>>, vector<16xf32>,
      %parallel_loop3A_152 = arith.addf %parallel_loop3A_148, %parallel_loop3A_151 : vector<16xf32>
      %parallel_loop3A_153 = arith.index_cast %parallel_loop3A_125 : i32 to index
      %parallel_loop3A_154 = arith.constant 32 : index
      %parallel_loop3A_155 = tpu.vector_load %arg11[%parallel_loop3A_153, %parallel_loop3A_154] {strides = array<i32>} : memref<128x64xf32, #tpu.memory_space<vmem>>, vector<16xf32>,
      tpu.vector_store %arg11[%parallel_loop3A_153, %parallel_loop3A_154], %parallel_loop3A_152 {strides = array<i32>} : memref<128x64xf32, #tpu.memory_space<vmem>>, vector<16xf32>,
      %parallel_loop3A_156 = arith.index_cast %parallel_loop3A_125 : i32 to index
      %parallel_loop3A_157 = arith.constant 48 : index
      %parallel_loop3A_158 = tpu.vector_load %arg11[%parallel_loop3A_156, %parallel_loop3A_157] {strides = array<i32>} : memref<128x64xf32, #tpu.memory_space<vmem>>, vector<16xf32>,
      %parallel_loop3A_159 = arith.index_cast %parallel_loop3A_125 : i32 to index
      %parallel_loop3A_160 = arith.constant 48 : index
      %parallel_loop3A_161 = tpu.vector_load %arg10[%parallel_loop3A_159, %parallel_loop3A_160] {strides = array<i32>} : memref<128x64xf32, #tpu.memory_space<vmem>>, vector<16xf32>,
      %parallel_loop3A_162 = arith.addf %parallel_loop3A_158, %parallel_loop3A_161 : vector<16xf32>
      %parallel_loop3A_163 = arith.index_cast %parallel_loop3A_125 : i32 to index
      %parallel_loop3A_164 = arith.constant 48 : index
      %parallel_loop3A_165 = tpu.vector_load %arg11[%parallel_loop3A_163, %parallel_loop3A_164] {strides = array<i32>} : memref<128x64xf32, #tpu.memory_space<vmem>>, vector<16xf32>,
      tpu.vector_store %arg11[%parallel_loop3A_163, %parallel_loop3A_164], %parallel_loop3A_162 {strides = array<i32>} : memref<128x64xf32, #tpu.memory_space<vmem>>, vector<16xf32>,
    } {sc.loop_unroll_factor = 8 : i64, sc.parallel_access}
    %parallel_loop3A_119 = arith.constant 0 : i32
    %parallel_loop3A_120 = arith.constant 128 : i32
    %parallel_loop3A_121 = arith.constant 1 : i32
    %parallel_loop3A_122 = arith.constant 2.000000e-02 : f32
    scf.for %parallel_loop3A_125 = %parallel_loop3A_119 to %parallel_loop3A_120 step %parallel_loop3A_121  : i32 {
      %parallel_loop3A_126 = arith.index_cast %parallel_loop3A_125 : i32 to index
      %parallel_loop3A_127 = arith.constant 0 : index
      %parallel_loop3A_128 = tpu.vector_load %arg11[%parallel_loop3A_126, %parallel_loop3A_127] {strides = array<i32>} : memref<128x64xf32, #tpu.memory_space<vmem>>, vector<16xf32>,
      %parallel_loop3A_129 = vector.broadcast %parallel_loop3A_122 : f32 to vector<16xf32>
      %parallel_loop3A_130 = arith.mulf %parallel_loop3A_128, %parallel_loop3A_129 : vector<16xf32>
      %parallel_loop3A_131 = arith.index_cast %parallel_loop3A_125 : i32 to index
      %parallel_loop3A_132 = arith.constant 0 : index
      %parallel_loop3A_133 = tpu.vector_load %arg11[%parallel_loop3A_131, %parallel_loop3A_132] {strides = array<i32>} : memref<128x64xf32, #tpu.memory_space<vmem>>, vector<16xf32>,
      tpu.vector_store %arg11[%parallel_loop3A_131, %parallel_loop3A_132], %parallel_loop3A_130 {strides = array<i32>} : memref<128x64xf32, #tpu.memory_space<vmem>>, vector<16xf32>,
      %parallel_loop3A_134 = arith.index_cast %parallel_loop3A_125 : i32 to index
      %parallel_loop3A_135 = arith.constant 16 : index
      %parallel_loop3A_136 = tpu.vector_load %arg11[%parallel_loop3A_134, %parallel_loop3A_135] {strides = array<i32>} : memref<128x64xf32, #tpu.memory_space<vmem>>, vector<16xf32>,
      %parallel_loop3A_137 = vector.broadcast %parallel_loop3A_122 : f32 to vector<16xf32>
      %parallel_loop3A_138 = arith.mulf %parallel_loop3A_136, %parallel_loop3A_137 : vector<16xf32>
      %parallel_loop3A_139 = arith.index_cast %parallel_loop3A_125 : i32 to index
      %parallel_loop3A_140 = arith.constant 16 : index
      %parallel_loop3A_141 = tpu.vector_load %arg11[%parallel_loop3A_139, %parallel_loop3A_140] {strides = array<i32>} : memref<128x64xf32, #tpu.memory_space<vmem>>, vector<16xf32>,
      tpu.vector_store %arg11[%parallel_loop3A_139, %parallel_loop3A_140], %parallel_loop3A_138 {strides = array<i32>} : memref<128x64xf32, #tpu.memory_space<vmem>>, vector<16xf32>,
      %parallel_loop3A_142 = arith.index_cast %parallel_loop3A_125 : i32 to index
      %parallel_loop3A_143 = arith.constant 32 : index
      %parallel_loop3A_144 = tpu.vector_load %arg11[%parallel_loop3A_142, %parallel_loop3A_143] {strides = array<i32>} : memref<128x64xf32, #tpu.memory_space<vmem>>, vector<16xf32>,
      %parallel_loop3A_145 = vector.broadcast %parallel_loop3A_122 : f32 to vector<16xf32>
      %parallel_loop3A_146 = arith.mulf %parallel_loop3A_144, %parallel_loop3A_145 : vector<16xf32>
      %parallel_loop3A_147 = arith.index_cast %parallel_loop3A_125 : i32 to index
      %parallel_loop3A_148 = arith.constant 32 : index
      %parallel_loop3A_149 = tpu.vector_load %arg11[%parallel_loop3A_147, %parallel_loop3A_148] {strides = array<i32>} : memref<128x64xf32, #tpu.memory_space<vmem>>, vector<16xf32>,
      tpu.vector_store %arg11[%parallel_loop3A_147, %parallel_loop3A_148], %parallel_loop3A_146 {strides = array<i32>} : memref<128x64xf32, #tpu.memory_space<vmem>>, vector<16xf32>,
      %parallel_loop3A_150 = arith.index_cast %parallel_loop3A_125 : i32 to index
      %parallel_loop3A_151 = arith.constant 48 : index
      %parallel_loop3A_152 = tpu.vector_load %arg11[%parallel_loop3A_150, %parallel_loop3A_151] {strides = array<i32>} : memref<128x64xf32, #tpu.memory_space<vmem>>, vector<16xf32>,
      %parallel_loop3A_153 = vector.broadcast %parallel_loop3A_122 : f32 to vector<16xf32>
      %parallel_loop3A_154 = arith.mulf %parallel_loop3A_152, %parallel_loop3A_153 : vector<16xf32>
      %parallel_loop3A_155 = arith.index_cast %parallel_loop3A_125 : i32 to index
      %parallel_loop3A_156 = arith.constant 48 : index
      %parallel_loop3A_157 = tpu.vector_load %arg11[%parallel_loop3A_155, %parallel_loop3A_156] {strides = array<i32>} : memref<128x64xf32, #tpu.memory_space<vmem>>, vector<16xf32>,
      tpu.vector_store %arg11[%parallel_loop3A_155, %parallel_loop3A_156], %parallel_loop3A_154 {strides = array<i32>} : memref<128x64xf32, #tpu.memory_space<vmem>>, vector<16xf32>,
    } {sc.loop_unroll_factor = 8 : i64, sc.parallel_access}
    %mul3A_123 = arith.constant 128 : i32
    %mul3A_124 = arith.muli %add3A, %mul3A_123 : i32
    "tpu.region"() ({
      %run_scoped3A = tpu.sem_alloc : memref<!tpu.dma_semaphore, #tpu.memory_space<semaphore_mem>>
      %dma_start3A_125 = arith.constant 0 : i32
      %dma_start3A_126 = tpu.memref_slice %arg4[%mul3A_124, %dma_start3A_125] : memref<4096x64xf32, #tpu.memory_space<hbm>> -> memref<128x64xf32, #tpu.memory_space<hbm>>
      %dma_start3A_127 = arith.constant 0 : i32
      %dma_start3A_128 = tpu.memref_slice %arg4[%mul3A_124, %dma_start3A_127] : memref<4096x64xf32, #tpu.memory_space<hbm>> -> memref<128x64xf32, #tpu.memory_space<hbm>>
      tpu.enqueue_dma source(%arg11 : memref<128x64xf32, #tpu.memory_space<vmem>>) target(%dma_start3A_128 : memref<128x64xf32, #tpu.memory_space<hbm>>) target_semaphore(%run_scoped3A : memref<!tpu.dma_semaphore, #tpu.memory_space<semaphore_mem>>)
      %dma_wait3A_129 = arith.constant 0 : i32
      %dma_wait3A_130 = tpu.memref_slice %arg4[%mul3A_124, %dma_wait3A_129] : memref<4096x64xf32, #tpu.memory_space<hbm>> -> memref<128x64xf32, #tpu.memory_space<hbm>>
      %dma_wait3A_131 = arith.constant 0 : i32
      %dma_wait3A_132 = tpu.memref_slice %arg4[%mul3A_124, %dma_wait3A_131] : memref<4096x64xf32, #tpu.memory_space<hbm>> -> memref<128x64xf32, #tpu.memory_space<hbm>>
      tpu.wait_dma2 semaphore(%run_scoped3A : memref<!tpu.dma_semaphore, #tpu.memory_space<semaphore_mem>>) src(%arg11 : memref<128x64xf32, #tpu.memory_space<vmem>>) dst(%dma_wait3A_132 : memref<128x64xf32, #tpu.memory_space<hbm>>)
      tpu.yield
    }) : () -> ()
    return
  }
}

</mosaic_0001>

<sc_bundles>
// kernel: kernel.3.cloned.1.call-start
scs
__scs_entry_jumppad:
0x0: {  	(pc) =	sbr.rel $0x88, $3  }
0x1: {  	(tag) =	ssettag $0x0;
	lr =	simm.s32 $0x1  }
0x2: {  	[smem:$0x3F9F] =	sst lr;
	_ =	strace $0xD0000000  }
0x3: {  	_ = 	snop  }
0x4: {  	_ = 	snop  }
0x5: {  	_ = 	snop  }
0x6: {  	_ = 	snop  }
0x7: {  	_ = 	snop  }
__scs_overlays_trampoline_lowered:
0x8: {  	[smem:$0x3FAE] =	sst s0  }
0x9: {  	[smem:$0x3FAF] =	sst s1  }
0xa: {  	[smem:$0x3FB0] =	sst s2  }
0xb: {  	[smem:$0x3FB1] =	sst s3  }
0xc: {  	[smem:$0x3FB2] =	sst s4  }
0xd: {  	[smem:$0x3FB3] =	sst s5  }
0xe: {  	[smem:$0x3FB4] =	sst s6  }
0xf: {  	[smem:$0x3FB5] =	sst s7  }
0x10: {  	[smem:$0x3FB6] =	sst s8  }
0x11: {  	[smem:$0x3FB7] =	sst s9;
	s0 =	simm.s32 @!p0 $0x0  }
0x12: {  	s1 =	sld [smem:$0x3F9D];
	s0 =	simm.s32 @p0 $0x1  }
0x13: {  	[smem:$0x3FB8] =	sst s0;
	s0 =	simm.s32 @!p1 $0x0  }
0x14: {  	s2 =	sld [smem:$0x3F9C];
	s0 =	simm.s32 @p1 $0x1  }
0x15: {  	[smem:$0x3FB9] =	sst s0;
	s0 =	simm.s32 @!p2 $0x0  }
0x16: {  	s3 =	sld [smem:$0x3FDB];
	s0 =	simm.s32 @p2 $0x1  }
0x17: {  	s4 =	simm.s32 $0x1BF5;
	[smem:$0x3FBB] =	sst s0  }
0x18: {  	s0 =	sld [smem:$0x3F9E];
	_ =	swait.ge [sflag:s4], $0x0  }
0x19: {  	s7 =	sld [smem:$0x3F9F]  }
0x1a: {  	s8 =	sadd.s32 $0xFFFFE003, lr  }
0x1b: {  	s9 =	sadd.s32 $0xFFFFFEF7, lr;
	s5 =	simm.s32 $0xFFFFFFFF;
	p2 =	slt.u32 s8, $0xFFFFF086  }
0x1c: {  	p1 =	slt.u32 s9, $0xF7A;
	s5 =	simm.s32 @!p2 $0x0  }
0x1d: {  	s5 =	simm.s32 @p1 $0x1;
	p0 =	seq.s32 s7, s2  }
0x1e: {  	s7 =	smul.u32 @!p0 $0xF7A, s2;
	p2 =	seq.s32 @!p0 s5, $0x0  }
0x1f: {  	s9 =	smul.u32 $0xF7A, s1;
	s8 =	simm.s32 @!p0 $0x1BF5;
	p2 =	por !p2, p0  }
0x20: {  	[sflag:s8] =	ssyncset.s32 @!p0 $0xFFFFF086;
	s6 =	sadd.s32 @!p0 s3, s7;
	s7 =	simm.s32 @!p0 $0x108  }
0x21: {  	s3 =	sadd.s32 s3, s9;
	s6 =	sadd.s32 @!p0 $0x88, s6;
	s7 =	simm.s32 @p2 $0x1082  }
0x22: {  	[simem:s7], [sflag:s8] =	dma.local @!p0 [hbm:s6], $0xF7A  }
0x23: {  	s9 =	sor.u32 $0xD0000000, s2;
	s6 =	simm.s32 $0x108;
	_ =	swait.ge @!p0 [sflag:s8], $0x0  }
0x24: {  	s3 =	sadd.s32 $0x88, s3;
	s6 =	simm.s32 @!p1 $0x1082;
	[sflag:s4] =	ssyncset.s32 $0xFFFFF086  }
0x25: {  	[simem:s6], [sflag:s4] =	dma.local [hbm:s3], $0xF7A  }
0x26: {  	[smem:$0x3F9F] =	sst s1;
	(tag) =	ssettag s2;
	_ =	strace s9  }
0x27: {  	s1 =	sld [smem:$0x3FAF]  }
0x28: {  	s2 =	sld [smem:$0x3FB0]  }
0x29: {  	s4 =	sld [smem:$0x3FB2]  }
0x2a: {  	p0 =	seq.s32 s5, $0x0;
	s5 =	sld [smem:$0x3FB3]  }
0x2b: {  	s6 =	sld [smem:$0x3FB4]  }
0x2c: {  	s7 =	sld [smem:$0x3FB5]  }
0x2d: {  	s3 =	simm.s32 $0x108;
	s8 =	sld [smem:$0x3FB6]  }
0x2e: {  	s3 =	simm.s32 @!p0 $0x1082;
	s9 =	sld [smem:$0x3FB7]  }
0x2f: {  	lr =	sadd.s32 s0, s3;
	s0 =	sld [smem:$0x3FAE]  }
0x30: {  	s3 =	sld [smem:$0x3FB1]  }
0x31: {  	[smem:$0x3FBA] =	sst s10  }
0x32: {  	s10 =	sld [smem:$0x3FB8];
	_ =	sdelay $0x3  }
0x33: {  	p0 =	seq.s32 s10, $0x1;
	s10 =	sld [smem:$0x3FBA];
	_ =	sdelay $0x3  }
0x34: {  	[smem:$0x3FBA] =	sst s10  }
0x35: {  	s10 =	sld [smem:$0x3FB9];
	_ =	sdelay $0x3  }
0x36: {  	p1 =	seq.s32 s10, $0x1;
	s10 =	sld [smem:$0x3FBA];
	_ =	sdelay $0x3  }
0x37: {  	[smem:$0x3FBA] =	sst s10  }
0x38: {  	s10 =	sld [smem:$0x3FBB]  }
0x39: {  	_ = 	snop;
	(pc) =	sbr.ind lr, $3  }
0x3a: {  	_ = 	snop  }
0x3b: {  	_ = 	snop  }
0x3c: {  	p2 =	seq.s32 s10, $0x1;
	s10 =	sld [smem:$0x3FBA]  }
0x3d: {  	_ =	shalt  }
0x3e: {  	_ =	shalt  }
0x3f: {  	_ =	shalt  }
0x40: {  	_ =	shalt  }
0x41: {  	_ =	shalt  }
0x42: {  	_ =	shalt  }
0x43: {  	_ =	shalt  }
0x44: {  	_ =	shalt  }
0x45: {  	_ =	shalt  }
0x46: {  	_ =	shalt  }
0x47: {  	_ =	shalt  }
0x48: {  	_ =	shalt  }
0x49: {  	_ =	shalt  }
0x4a: {  	_ =	shalt  }
0x4b: {  	_ =	shalt  }
0x4c: {  	_ =	shalt  }
0x4d: {  	_ =	shalt  }
0x4e: {  	_ =	shalt  }
0x4f: {  	_ =	shalt  }
0x50: {  	_ =	shalt  }
0x51: {  	_ =	shalt  }
0x52: {  	_ =	shalt  }
0x53: {  	_ =	shalt  }
0x54: {  	_ =	shalt  }
0x55: {  	_ =	shalt  }
0x56: {  	_ =	shalt  }
0x57: {  	_ =	shalt  }
0x58: {  	_ =	shalt  }
0x59: {  	_ =	shalt  }
0x5a: {  	_ =	shalt  }
0x5b: {  	_ =	shalt  }
0x5c: {  	_ =	shalt  }
0x5d: {  	_ =	shalt  }
0x5e: {  	_ =	shalt  }
0x5f: {  	_ =	shalt  }
0x60: {  	_ =	shalt  }
0x61: {  	_ =	shalt  }
0x62: {  	_ =	shalt  }
0x63: {  	_ =	shalt  }
0x64: {  	_ =	shalt  }
0x65: {  	_ =	shalt  }
0x66: {  	_ =	shalt  }
0x67: {  	_ =	shalt  }
0x68: {  	_ =	shalt  }
0x69: {  	_ =	shalt  }
0x6a: {  	_ =	shalt  }
0x6b: {  	_ =	shalt  }
0x6c: {  	_ =	shalt  }
0x6d: {  	_ =	shalt  }
0x6e: {  	_ =	shalt  }
0x6f: {  	_ =	shalt  }
0x70: {  	_ =	shalt  }
0x71: {  	_ =	shalt  }
0x72: {  	_ =	shalt  }
0x73: {  	_ =	shalt  }
0x74: {  	_ =	shalt  }
0x75: {  	_ =	shalt  }
0x76: {  	_ =	shalt  }
0x77: {  	_ =	shalt  }
0x78: {  	_ =	shalt  }
0x79: {  	_ =	shalt  }
0x7a: {  	_ =	shalt  }
0x7b: {  	_ =	shalt  }
0x7c: {  	_ =	shalt  }
0x7d: {  	_ =	shalt  }
0x7e: {  	_ =	shalt  }
0x7f: {  	_ =	shalt  }
0x80: {  	_ =	shalt  }
0x81: {  	_ =	shalt  }
0x82: {  	_ =	shalt  }
0x83: {  	_ =	shalt  }
0x84: {  	_ =	shalt  }
0x85: {  	_ =	shalt  }
0x86: {  	_ =	shalt  }
0x87: {  	_ =	shalt  }
.Lfunc_end0:
.L_simem_size_0:
called_computation_lowered:
.L_overlay_start_0:
0x88: {  	s2 =	sld [smem:$0x3FD9]  }
0x89: {  	s3 =	sld [smem:$0x3FFE];
	_ =	sdelay $0x1  }
0x8a: {  	s1 =	srdreg.scid  }
0x8b: {  	s0 =	sand.u32 $0x1, s1  }
0x8c: {  	s17 =	sshll.u32 s0, $0xA;
	s2 =	sadd.s32 s3, s2  }
0x8d: {  	s2 =	sadd.s32 s2, s17  }
0x8e: {  	[smem:$0x3FC6] =	sst s2  }
0x8f: {  	_ = 	snop  }
0x90: {  	s2 =	sld [smem:$0x3FD0];
	(tm) =	ssettm $0x1  }
0x91: {  	s18 =	sld [smem:$0x3FFB];
	_ =	sdelay $0x3  }
0x92: {  	_ =	strace s18  }
0x93: {  	s3 =	sld [smem:$0x3FFC];
	_ =	sdelay $0x3  }
0x94: {  	_ =	strace s3  }
0x95: {  	s3 =	sld [smem:$0x3FFD];
	_ =	sdelay $0x3  }
0x96: {  	_ =	strace s3  }
0x97: {  	_ =	strace $0x8FFFFFFF  }
0x98: {  	s19 =	sld [smem:$0x3FDB];
	_ =	sdelay $0x1  }
0x99: {  	s4 =	simm.s32 $_scs_section_size  }
0x9a: {  	s5 =	simm.s32 $_size__tile_overlayer_lowered;
	s6 =	simm.s32 $_tile_overlayer_lowered  }
0x9b: {  	s22 =	simm.s32 $0x1BFF;
	s21 =	sshll.u32 s6, $0x1;
	s3 =	sadd.s32 s4, s19  }
0x9c: {  	s7 =	simm.s32 $0x0;
	s20 =	sshll.u32 s5, $0x1;
	s5 =	sadd.s32 s21, s3  }
0x9d: {  	[timem:s7], [sflag:s22] =	dma.local [hbm:s5], s20  }
0x9e: {  	_ =	swait.ge [sflag:s22], s20  }
0x9f: {  	s4 =	ssub.s32 $0x0, s20;
	[sflag:s22] =	ssyncset.done $0x0  }
0xa0: {  	[sflag:s22] =	ssyncadd.s32 s4;
	_ =	sdelay $0x1  }
0xa1: {  	s23 =	simm.s32 $0x1B8B  }
0xa2: {  	_ =	swait.ge [sflag:s23], $0x1  }
0xa3: {  	[sflag:s23] =	ssyncset.done $0x0  }
0xa4: {  	s25 =	simm.s32 $0x1B8E;
	s24 =	sld [smem:$0x3FFE];
	[sflag:s23] =	ssyncadd.s32 $0xFFFFFFFF  }
0xa5: {  	s26 =	simm.s32 $execute0_lowered;
	[smem:$0x3FD2] =	sst s25  }
0xa6: {  	s5 =	sshll.u32 s26, $0x1;
	_ =	strace $0x80000046;
	[dreg:$0x1] =	wrdreg $0xFFFFFFFF  }
0xa7: {  	s28 =	simm.s32 $_size_execute0_lowered;
	s3 =	sadd.s32 s3, s5;
	[dreg:$0x0] =	wrdreg $0x0  }
0xa8: {  	s5 =	sshll.u32 s28, $0x1;
	[dreg:$0x2] =	wrdreg s3  }
0xa9: {  	[dreg:$0x3] =	wrdreg s5  }
0xaa: {  	[dreg:$0x4] =	wrdreg $0xC0  }
0xab: {  	_ =	task [dreg:s7], $0x5FFFF  }
0xac: {  	[dreg:$0x1] =	wrdreg $0xFFFFFFFF  }
0xad: {  	[dreg:$0x0] =	wrdreg $0x60  }
0xae: {  	[dreg:$0x2] =	wrdreg s24  }
0xaf: {  	[dreg:$0x3] =	wrdreg s2  }
0xb0: {  	[dreg:$0x4] =	wrdreg $0x9  }
0xb1: {  	_ =	task.clear_ibuf [dreg:s7], $0x5FFFF;
	_ =	strace $0x90000046  }
0xb2: {  	s29 =	simm.s32 $0x9;
	_ =	strace $0x80000048  }
0xb3: {  	_ =	swait.ge [sflag:s29], $0x1  }
0xb4: {  	[sflag:s29] =	ssyncadd.s32 $0xFFFFFFFF  }
0xb5: {  	_ =	strace $0x90000048  }
0xb6: {  	_ =	sfence  }
0xb7: {  	s30 =	sld [smem:$0x0];
	_ =	sdelay $0x2  }
0xb8: {  	s31 =	sshll.u32 s1, $0xD;
	s1 =	sshrl.u32 s1, $0x2  }
0xb9: {  	s3 =	sand.u32 $0x4000, s31;
	s1 =	sadd.s32 s1, s30  }
0xba: {  	s0 =	sor.u32 s3, s0;
	s1 =	sshll.u32 s1, $0x11  }
0xbb: {  	s0 =	sor.u32 s1, s0  }
0xbc: {  	s0 =	sadd.s32 $0x8F2B, s0  }
0xbd: {  	[sflag:s0] =	ssyncadd.remote.s32 $0x1  }
0xbe: {  	_ =	sfence.sel $0xFFFF  }
0xbf: {  	[dreg:$0x0] =	wrdreg $0xFFFFFFFF;
	(pc) =	sbr.abs _section_cstart, $3  }
0xc0: {  	[dreg:$0x1] =	wrdreg $0xFFFFFFFF  }
0xc1: {  	_ =	task.clear_ibuf [dreg:s7], $0x2FFFF;
	_ =	strace $0x9FFFFFFF  }
0xc2: {  	(tm) =	ssettm $0x7FFFFFFF  }
0xc3: {  	_ =	shalt  }
tec
execute0_lowered:
.L_overlay_start_1:
0x0: {  	(tag) =	ssettag $0x1  }
0x1: {  	s0 =	srdreg.scid;
	s1 =	rddreg [dreg:$0x0]  }
0x2: {  	s2 =	stileid.u32;
	s6 =	rddreg [dreg:$0x1];
	s8 =	simm.s32 $0x7  }
0x3: {  	s9 =	simm.s32 $0x280;
	s10 =	simm.s32 $0x80;
	s11 =	simm.s32 $0x1900  }
0x4: {  	s12 =	simm.s32 $0x3900;
	s13 =	simm.s32 $0x100;
	s14 =	simm.s32 $0x5900  }
0x5: {  	s15 =	simm.s32 $0x180;
	s16 =	simm.s32 $0x7900;
	s17 =	simm.s32 $0x200  }
0x6: {  	s18 =	simm.s32 $0x9900;
	s19 =	simm.s32 $0x6;
	s20 =	simm.s32 $0x1  }
0x7: {  	s21 =	simm.s32 $0x2;
	s22 =	simm.s32 $0x3;
	s23 =	simm.s32 $0x4  }
0x8: {  	s24 =	simm.s32 $0x5;
	s0 =	sand.u32 $0x1, s0;
	s2 =	sshll.u32 s2, $0x1  }
0x9: {  	s25 =	simm.s32 $0xB900;
	s26 =	simm.s32 $0x0;
	s7 =	sor.u32 s0, s2  }
0xa: {  	s2 =	simm.s32 $0x0;
	s0 =	ssub.s32 $0x2, s0;
	s3 =	smul.u32 $0x1900, s7  }
0xb: {  	[smem:$0x7FF] =	sst s2;
	s4 =	sshrl.u32 s0, $0x1;
	s31 =	sshll.u32 s7, $0xA  }
0xc: {  	_ =	strace $0x80000047;
	s0 =	ssub.s32 s0, s4;
	s3 =	sshrl.u32 s3, $0x3  }
0xd: {  	s6 =	sadd.s32 s6, s31;
	s7 =	smax.u32 s0, $0x1;
	s5 =	sadd.s32 s3, s1  }
0xe: {  	v0 =	vimm.f32 $0.0e+00;
	s3 =	sadd.s32 $0x187000, s1;
	s4 =	sadd.s32 $0x600, s5;
	s5 =	sadd.s32 $0x650, s5  }
.LBB2_1:
0xf: {  	[tilespmem:s2], [sflag:$0x7] =	stream.linear.gather [hbm4b:s4+s2], $0x280, $0x38;
	[tilespmem:$0xD900] =	vst v63  }
0x10: {  	_ =	swait.ge [sflag:s8], $0x280  }
0x11: {  	[sflag:s8] =	ssyncset.done $0x0  }
0x12: {  	[sflag:s8] =	ssyncadd.s32 $0xFFFFFD80  }
0x13: {  	[tilespmem:s9], [sflag:$0x6] =	stream.linear.gather [hbm4b:s5+s2], $0x1680, $0x38;
	[tilespmem:$0xD900] =	vst v63  }
0x14: {  	_ = 	snop  }
0x15: {  	[tilespmem:s11], [sflag:$0x1] =	stream.indirect.gather [hbm4b:s3+s10], $0x40, s2, s10, $0xb8;
	[tilespmem:$0xD900] =	vst v63  }
0x16: {  	_ = 	snop  }
0x17: {  	[tilespmem:s12], [sflag:$0x2] =	stream.indirect.gather [hbm4b:s3+s10], $0x40, s10, s10, $0xb8;
	[tilespmem:$0xD900] =	vst v63  }
0x18: {  	_ = 	snop  }
0x19: {  	[tilespmem:s14], [sflag:$0x3] =	stream.indirect.gather [hbm4b:s3+s10], $0x40, s13, s10, $0xb8;
	[tilespmem:$0xD900] =	vst v63  }
0x1a: {  	_ = 	snop  }
0x1b: {  	[tilespmem:s16], [sflag:$0x4] =	stream.indirect.gather [hbm4b:s3+s10], $0x40, s15, s10, $0xb8;
	[tilespmem:$0xD900] =	vst v63  }
0x1c: {  	s0 =	simm.s32 $0xBA00  }
0x1d: {  	[tilespmem:s18], [sflag:$0x5] =	stream.indirect.gather [hbm4b:s3+s10], $0x40, s17, s10, $0xb8;
	[tilespmem:$0xD900] =	vst v63  }
0x1e: {  	[tilespmem:s0+$0xFFFFFF00] =	vst v0  }
0x1f: {  	[tilespmem:s0+$0xF0] =	vst v0  }
0x20: {  	[tilespmem:s0+$0xE0] =	vst v0  }
0x21: {  	[tilespmem:s0+$0xD0] =	vst v0  }
0x22: {  	[tilespmem:s0+$0xC0] =	vst v0  }
0x23: {  	[tilespmem:s0+$0xB0] =	vst v0  }
0x24: {  	[tilespmem:s0+$0xA0] =	vst v0  }
0x25: {  	[tilespmem:s0+$0x90] =	vst v0  }
0x26: {  	[tilespmem:s0+$0x80] =	vst v0  }
0x27: {  	[tilespmem:s0+$0x70] =	vst v0  }
0x28: {  	[tilespmem:s0+$0x60] =	vst v0  }
0x29: {  	[tilespmem:s0+$0x50] =	vst v0  }
0x2a: {  	[tilespmem:s0+$0x40] =	vst v0  }
0x2b: {  	[tilespmem:s0+$0x30] =	vst v0  }
0x2c: {  	[tilespmem:s0+$0x20] =	vst v0  }
0x2d: {  	[tilespmem:s0+$0x10] =	vst v0  }
0x2e: {  	[tilespmem:s0+$0x0] =	vst v0  }
0x2f: {  	[tilespmem:s0+$0xFFFFFFF0] =	vst v0  }
0x30: {  	[tilespmem:s0+$0xFFFFFFE0] =	vst v0  }
0x31: {  	[tilespmem:s0+$0xFFFFFFD0] =	vst v0  }
0x32: {  	[tilespmem:s0+$0xFFFFFFC0] =	vst v0  }
0x33: {  	[tilespmem:s0+$0xFFFFFFB0] =	vst v0  }
0x34: {  	[tilespmem:s0+$0xFFFFFFA0] =	vst v0  }
0x35: {  	[tilespmem:s0+$0xFFFFFF90] =	vst v0  }
0x36: {  	[tilespmem:s0+$0xFFFFFF80] =	vst v0  }
0x37: {  	[tilespmem:s0+$0xFFFFFF70] =	vst v0  }
0x38: {  	[tilespmem:s0+$0xFFFFFF60] =	vst v0  }
0x39: {  	[tilespmem:s0+$0xFFFFFF50] =	vst v0  }
0x3a: {  	[tilespmem:s0+$0xFFFFFF40] =	vst v0  }
0x3b: {  	[tilespmem:s0+$0xFFFFFF30] =	vst v0  }
0x3c: {  	s1 =	simm.s32 $0x0;
	[tilespmem:s0+$0xFFFFFF20] =	vst v0  }
.LBB2_2:
0x3d: {  	s1 =	sadd.s32 $0x8, s1;
	[tilespmem:s0+$0xFFFFFF10] =	vst v0;
	s0 =	sadd.s32 $0x200, s0  }
0x3e: {  	[tilespmem:s0+$0xFFFFFF00] =	vst v0;
	p0 =	slt.u32 s1, $0x78  }
0x3f: {  	[tilespmem:s0+$0xF0] =	vst v0  }
0x40: {  	[tilespmem:s0+$0xE0] =	vst v0  }
0x41: {  	[tilespmem:s0+$0xD0] =	vst v0  }
0x42: {  	[tilespmem:s0+$0xC0] =	vst v0  }
0x43: {  	[tilespmem:s0+$0xB0] =	vst v0  }
0x44: {  	[tilespmem:s0+$0xA0] =	vst v0  }
0x45: {  	[tilespmem:s0+$0x90] =	vst v0  }
0x46: {  	[tilespmem:s0+$0x80] =	vst v0  }
0x47: {  	[tilespmem:s0+$0x70] =	vst v0  }
0x48: {  	[tilespmem:s0+$0x60] =	vst v0  }
0x49: {  	[tilespmem:s0+$0x50] =	vst v0  }
0x4a: {  	[tilespmem:s0+$0x40] =	vst v0  }
0x4b: {  	[tilespmem:s0+$0x30] =	vst v0  }
0x4c: {  	[tilespmem:s0+$0x20] =	vst v0  }
0x4d: {  	[tilespmem:s0+$0x10] =	vst v0  }
0x4e: {  	[tilespmem:s0+$0x0] =	vst v0  }
0x4f: {  	[tilespmem:s0+$0xFFFFFFF0] =	vst v0  }
0x50: {  	[tilespmem:s0+$0xFFFFFFE0] =	vst v0  }
0x51: {  	[tilespmem:s0+$0xFFFFFFD0] =	vst v0  }
0x52: {  	[tilespmem:s0+$0xFFFFFFC0] =	vst v0  }
0x53: {  	[tilespmem:s0+$0xFFFFFFB0] =	vst v0  }
0x54: {  	[tilespmem:s0+$0xFFFFFFA0] =	vst v0  }
0x55: {  	[tilespmem:s0+$0xFFFFFF90] =	vst v0  }
0x56: {  	[tilespmem:s0+$0xFFFFFF80] =	vst v0  }
0x57: {  	[tilespmem:s0+$0xFFFFFF70] =	vst v0  }
.Ltmp0:
0x58: {  	[tilespmem:s0+$0xFFFFFF60] =	vst v0;
	(pc) =	sbr.rel @p0 .LBB2_2-.Ltmp0, $4  }
0x59: {  	[tilespmem:s0+$0xFFFFFF50] =	vst v0  }
0x5a: {  	[tilespmem:s0+$0xFFFFFF40] =	vst v0  }
0x5b: {  	[tilespmem:s0+$0xFFFFFF30] =	vst v0  }
0x5c: {  	[tilespmem:s0+$0xFFFFFF20] =	vst v0  }
0x5d: {  	[tilespmem:s0+$0xFFFFFF10] =	vst v0  }
0x5e: {  	_ =	swait.ge [sflag:s19], $0x1680  }
0x5f: {  	[sflag:s19] =	ssyncset.done $0x0  }
0x60: {  	s28 =	simm.s32 $0x0;
	[sflag:s19] =	ssyncadd.s32 $0xFFFFE980  }
.LBB2_4:
0x61: {  	_ =	swait.ge [sflag:s20], $0x2000  }
0x62: {  	[sflag:s20] =	ssyncset.done $0x0  }
0x63: {  	s30 =	simm.s32 $0xBA00;
	[sflag:s20] =	ssyncadd.s32 $0xFFFFE000  }
0x64: {  	s29 =	simm.s32 $0x1A00;
	v1 =	vld [tilespmem:s30+$0xC0]  }
0x65: {  	v2 =	vld [tilespmem:s29+$0xC0]  }
0x66: {  	v3 =	vld [tilespmem:s29+$0xFFFFFF00]  }
0x67: {  	v4 =	vld [tilespmem:s30+$0xFFFFFF40]  }
0x68: {  	v5 =	vld [tilespmem:s30+$0xFFFFFF80]  }
0x69: {  	v7 =	vld [tilespmem:s29+$0xFFFFFF80]  }
0x6a: {  	v8 =	vld [tilespmem:s30+$0xFFFFFFC0]  }
0x6b: {  	v9 =	vld [tilespmem:s29+$0xFFFFFFC0]  }
0x6c: {  	v10 =	vld [tilespmem:s30+$0x0]  }
0x6d: {  	v11 =	vld [tilespmem:s29+$0x0]  }
0x6e: {  	v12 =	vld [tilespmem:s29+$0x40]  }
0x6f: {  	v57 =	vld [tilespmem:s30+$0xFFFFFF90]  }
0x70: {  	v58 =	vld [tilespmem:s30+$0xFFFFFFD0]  }
0x71: {  	v14 =	vld [tilespmem:s30+$0x10]  }
0x72: {  	v60 =	vld [tilespmem:s30+$0xFFFFFFE0];
	v1 =	vadd.f32 v2, v1  }
0x73: {  	v2 =	vld [tilespmem:s29+$0xFFFFFF40]  }
0x74: {  	[tilespmem:s30+$0xC0] =	vst v1;
	v1 =	vld [tilespmem:s30+$0xD0]  }
0x75: {  	v6 =	vld [tilespmem:s29+$0xD0]  }
0x76: {  	v61 =	vld [tilespmem:s30+$0x20]  }
0x77: {  	v62 =	vld [tilespmem:s30+$0x60];
	v5 =	vadd.f32 v7, v5  }
0x78: {  	v63 =	vld [tilespmem:s30+$0xFFFFFF30];
	v2 =	vadd.f32 v2, v4  }
0x79: {  	v7 =	vld [tilespmem:s29+$0x80];
	[tilespmem:s30+$0xFFFFFF80] =	vst v5  }
0x7a: {  	v5 =	vadd.f32 v11, v10;
	v11 =	vld [tilespmem:s30+$0xFFFFFF50];
	[tilespmem:s30+$0xFFFFFF40] =	vst v2;
	v1 =	vadd.f32 v6, v1  }
0x7b: {  	v2 =	vadd.f32 v9, v8;
	v9 =	vld [tilespmem:s29+$0xFFFFFF50]  }
0x7c: {  	[tilespmem:s30+$0xD0] =	vst v1;
	v1 =	vld [tilespmem:s30+$0xE0]  }
0x7d: {  	v13 =	vld [tilespmem:s29+$0xE0]  }
0x7e: {  	v4 =	vld [tilespmem:s30+$0x80]  }
0x7f: {  	[tilespmem:s30+$0x0] =	vst v5;
	v8 =	vld [tilespmem:s30+$0xFFFFFF00]  }
0x80: {  	v10 =	vld [tilespmem:s29+$0x10]  }
0x81: {  	v6 =	vld [tilespmem:s30+$0x40];
	v9 =	vadd.f32 v9, v11  }
0x82: {  	[tilespmem:s30+$0xFFFFFFC0] =	vst v2;
	v2 =	vld [tilespmem:s29+$0xFFFFFF90];
	v1 =	vadd.f32 v13, v1  }
0x83: {  	v5 =	vld [tilespmem:s29+$0xFFFFFFD0];
	[tilespmem:s30+$0xFFFFFF50] =	vst v9  }
0x84: {  	v11 =	vld [tilespmem:s30+$0x90];
	[tilespmem:s30+$0xE0] =	vst v1;
	v1 =	vadd.f32 v3, v8  }
0x85: {  	v9 =	vld [tilespmem:s29+$0xFFFFFF60];
	v3 =	vadd.f32 v7, v4  }
0x86: {  	v6 =	vadd.f32 v12, v6;
	v8 =	vld [tilespmem:s30+$0xF0];
	[tilespmem:s30+$0xFFFFFF00] =	vst v1  }
0x87: {  	v2 =	vadd.f32 v2, v57;
	[tilespmem:s30+$0x80] =	vst v3;
	v3 =	vld [tilespmem:s30+$0xFFFFFF10]  }
0x88: {  	[tilespmem:s30+$0x40] =	vst v6;
	v4 =	vld [tilespmem:s29+$0xFFFFFF10]  }
0x89: {  	[tilespmem:s30+$0xFFFFFF90] =	vst v2;
	v2 =	vadd.f32 v10, v14;
	v6 =	vld [tilespmem:s29+$0xF0]  }
0x8a: {  	v5 =	vadd.f32 v5, v58;
	v10 =	vld [tilespmem:s29+$0xFFFFFFA0]  }
0x8b: {  	[tilespmem:s30+$0x10] =	vst v2;
	v7 =	vld [tilespmem:s29+$0x90]  }
0x8c: {  	[tilespmem:s30+$0xFFFFFFD0] =	vst v5;
	v5 =	vld [tilespmem:s29+$0x20]  }
0x8d: {  	v1 =	vld [tilespmem:s29+$0x50];
	v3 =	vadd.f32 v4, v3  }
0x8e: {  	v6 =	vadd.f32 v6, v8;
	v8 =	vld [tilespmem:s30+$0x30]  }
0x8f: {  	[tilespmem:s30+$0xFFFFFF10] =	vst v3;
	v3 =	vld [tilespmem:s30+$0xFFFFFF20]  }
0x90: {  	v2 =	vadd.f32 v7, v11;
	v59 =	vld [tilespmem:s29+$0xFFFFFF20]  }
0x91: {  	v4 =	vld [tilespmem:s30+$0x50]  }
0x92: {  	[tilespmem:s30+$0x90] =	vst v2;
	v2 =	vld [tilespmem:s30+$0xFFFFFF60]  }
0x93: {  	v11 =	vld [tilespmem:s30+$0xFFFFFFA0]  }
0x94: {  	[tilespmem:s30+$0xF0] =	vst v6;
	v6 =	vld [tilespmem:s30+$0x70]  }
0x95: {  	v7 =	vld [tilespmem:s29+$0xA0];
	v3 =	vadd.f32 v59, v3  }
0x96: {  	v1 =	vadd.f32 v1, v4;
	v4 =	vld [tilespmem:s29+$0xFFFFFFE0]  }
0x97: {  	v2 =	vadd.f32 v9, v2;
	[tilespmem:s30+$0xFFFFFF20] =	vst v3;
	v3 =	vld [tilespmem:s30+$0xA0]  }
0x98: {  	[tilespmem:s30+$0x50] =	vst v1;
	v9 =	vadd.f32 v10, v11;
	v10 =	vld [tilespmem:s30+$0xFFFFFFB0]  }
0x99: {  	v1 =	vld [tilespmem:s29+$0x60];
	[tilespmem:s30+$0xFFFFFF60] =	vst v2  }
0x9a: {  	[tilespmem:s30+$0xFFFFFFA0] =	vst v9;
	v9 =	vld [tilespmem:s30+$0xFFFFFFF0]  }
0x9b: {  	v2 =	vadd.f32 v4, v60;
	v15 =	vld [tilespmem:s29+$0xFFFFFF70]  }
0x9c: {  	v11 =	vld [tilespmem:s29+$0xFFFFFF30];
	v7 =	vadd.f32 v7, v3  }
0x9d: {  	v4 =	vadd.f32 v5, v61;
	v5 =	vld [tilespmem:s29+$0xFFFFFFB0];
	[tilespmem:s30+$0xFFFFFFE0] =	vst v2  }
0x9e: {  	v1 =	vadd.f32 v1, v62;
	[tilespmem:s30+$0xA0] =	vst v7;
	v7 =	vld [tilespmem:s30+$0xFFFFFF70]  }
0x9f: {  	[tilespmem:s30+$0x20] =	vst v4;
	v2 =	vld [tilespmem:s29+$0xFFFFFFF0]  }
0xa0: {  	v3 =	vld [tilespmem:s29+$0x30];
	[tilespmem:s30+$0x60] =	vst v1  }
0xa1: {  	v4 =	vld [tilespmem:s29+$0x70];
	v11 =	vadd.f32 v11, v63  }
0xa2: {  	v1 =	vld [tilespmem:s29+$0xB0]  }
0xa3: {  	s31 =	simm.s32 $0x0;
	s1 =	simm.s32 $0xBC00;
	[tilespmem:s30+$0xFFFFFF30] =	vst v11;
	v11 =	vadd.f32 v15, v7;
	v7 =	vld [tilespmem:s30+$0xB0]  }
.LBB2_5:
0xa4: {  	v12 =	vld [tilespmem:s1+$0xC0];
	v5 =	vadd.f32 v5, v10;
	s29 =	sadd.s32 $0x200, s29  }
0xa5: {  	s31 =	sadd.s32 $0x8, s31;
	v10 =	vld [tilespmem:s29+$0xC0];
	[tilespmem:s30+$0xFFFFFF70] =	vst v11;
	v2 =	vadd.f32 v2, v9  }
0xa6: {  	p0 =	slt.u32 s31, $0x78;
	v9 =	vld [tilespmem:s29+$0xFFFFFF00];
	[tilespmem:s30+$0xFFFFFFB0] =	vst v5;
	v3 =	vadd.f32 v3, v8  }
0xa7: {  	v5 =	vld [tilespmem:s1+$0xFFFFFF40];
	[tilespmem:s30+$0xFFFFFFF0] =	vst v2;
	v2 =	vadd.f32 v4, v6  }
0xa8: {  	v4 =	vld [tilespmem:s29+$0xFFFFFF40];
	[tilespmem:s30+$0x30] =	vst v3;
	v1 =	vadd.f32 v1, v7  }
0xa9: {  	v3 =	vld [tilespmem:s1+$0xFFFFFF80];
	[tilespmem:s30+$0x70] =	vst v2  }
0xaa: {  	v2 =	vld [tilespmem:s29+$0xFFFFFF80];
	v6 =	vadd.f32 v10, v12;
	[tilespmem:s30+$0xB0] =	vst v1;
	s30 =	smov.u32 s1  }
0xab: {  	v1 =	vld [tilespmem:s1+$0xFFFFFFC0]  }
0xac: {  	[tilespmem:s1+$0xC0] =	vst v6;
	v6 =	vld [tilespmem:s1+$0xD0]  }
0xad: {  	v4 =	vadd.f32 v4, v5;
	v5 =	vld [tilespmem:s29+$0xD0]  }
0xae: {  	v7 =	vld [tilespmem:s29+$0xFFFFFFC0]  }
0xaf: {  	[tilespmem:s1+$0xFFFFFF40] =	vst v4;
	v2 =	vadd.f32 v2, v3;
	v3 =	vld [tilespmem:s1+$0x0]  }
0xb0: {  	v4 =	vld [tilespmem:s29+$0x0]  }
0xb1: {  	[tilespmem:s1+$0xFFFFFF80] =	vst v2;
	v2 =	vld [tilespmem:s1+$0x40]  }
0xb2: {  	v8 =	vld [tilespmem:s29+$0x40];
	v5 =	vadd.f32 v5, v6  }
0xb3: {  	v1 =	vadd.f32 v7, v1;
	v6 =	vld [tilespmem:s1+$0x80]  }
0xb4: {  	[tilespmem:s1+$0xD0] =	vst v5;
	v5 =	vld [tilespmem:s1+$0xE0]  }
0xb5: {  	[tilespmem:s1+$0xFFFFFFC0] =	vst v1;
	v1 =	vadd.f32 v4, v3;
	v3 =	vld [tilespmem:s29+$0xE0]  }
0xb6: {  	v4 =	vld [tilespmem:s29+$0x80]  }
0xb7: {  	v7 =	vld [tilespmem:s1+$0xFFFFFF00];
	[tilespmem:s1+$0x0] =	vst v1;
	v1 =	vadd.f32 v8, v2  }
0xb8: {  	v2 =	vld [tilespmem:s29+$0xFFFFFF50]  }
0xb9: {  	v8 =	vld [tilespmem:s29+$0xFFFFFF90];
	[tilespmem:s1+$0x40] =	vst v1  }
0xba: {  	v1 =	vld [tilespmem:s29+$0xFFFFFFD0];
	v3 =	vadd.f32 v3, v5  }
0xbb: {  	v5 =	vld [tilespmem:s29+$0x10];
	v4 =	vadd.f32 v4, v6  }
0xbc: {  	v6 =	vadd.f32 v9, v7;
	[tilespmem:s1+$0xE0] =	vst v3;
	v3 =	vld [tilespmem:s1+$0xF0]  }
0xbd: {  	[tilespmem:s1+$0x80] =	vst v4;
	v4 =	vld [tilespmem:s29+$0xF0]  }
0xbe: {  	[tilespmem:s1+$0xFFFFFF00] =	vst v6;
	v6 =	vld [tilespmem:s29+$0x50]  }
0xbf: {  	v7 =	vld [tilespmem:s29+$0xFFFFFF10]  }
0xc0: {  	v9 =	vld [tilespmem:s29+$0x90]  }
0xc1: {  	v10 =	vld [tilespmem:s1+$0xFFFFFF10]  }
0xc2: {  	v11 =	vld [tilespmem:s1+$0xFFFFFF50];
	v3 =	vadd.f32 v4, v3  }
0xc3: {  	v4 =	vld [tilespmem:s1+$0xFFFFFF90]  }
0xc4: {  	v12 =	vld [tilespmem:s1+$0xFFFFFFD0];
	[tilespmem:s1+$0xF0] =	vst v3  }
0xc5: {  	v3 =	vld [tilespmem:s1+$0x10]  }
0xc6: {  	v7 =	vadd.f32 v7, v10;
	v10 =	vld [tilespmem:s1+$0x50]  }
0xc7: {  	v2 =	vadd.f32 v2, v11;
	v11 =	vld [tilespmem:s1+$0x90]  }
0xc8: {  	[tilespmem:s1+$0xFFFFFF10] =	vst v7;
	v7 =	vld [tilespmem:s1+$0xFFFFFF20];
	v4 =	vadd.f32 v8, v4  }
0xc9: {  	v8 =	vld [tilespmem:s29+$0xFFFFFF20];
	[tilespmem:s1+$0xFFFFFF50] =	vst v2;
	v1 =	vadd.f32 v1, v12  }
0xca: {  	v2 =	vld [tilespmem:s29+$0xFFFFFF60];
	[tilespmem:s1+$0xFFFFFF90] =	vst v4;
	v3 =	vadd.f32 v5, v3  }
0xcb: {  	v4 =	vld [tilespmem:s29+$0xFFFFFFA0];
	[tilespmem:s1+$0xFFFFFFD0] =	vst v1;
	v1 =	vadd.f32 v6, v10  }
0xcc: {  	v5 =	vld [tilespmem:s29+$0xFFFFFFE0];
	[tilespmem:s1+$0x10] =	vst v3;
	v3 =	vadd.f32 v9, v11  }
0xcd: {  	v6 =	vld [tilespmem:s29+$0x20];
	[tilespmem:s1+$0x50] =	vst v1  }
0xce: {  	v1 =	vadd.f32 v8, v7;
	v7 =	vld [tilespmem:s29+$0x60];
	[tilespmem:s1+$0x90] =	vst v3  }
0xcf: {  	v3 =	vld [tilespmem:s29+$0xA0]  }
0xd0: {  	[tilespmem:s1+$0xFFFFFF20] =	vst v1;
	v1 =	vld [tilespmem:s1+$0xFFFFFF60]  }
0xd1: {  	v8 =	vld [tilespmem:s1+$0xFFFFFFA0]  }
0xd2: {  	v9 =	vld [tilespmem:s1+$0xFFFFFFE0]  }
0xd3: {  	v10 =	vld [tilespmem:s1+$0x20]  }
0xd4: {  	v11 =	vld [tilespmem:s1+$0x60]  }
0xd5: {  	v1 =	vadd.f32 v2, v1;
	v12 =	vld [tilespmem:s1+$0xA0]  }
0xd6: {  	v13 =	vld [tilespmem:s29+$0xFFFFFF30];
	v2 =	vadd.f32 v4, v8  }
0xd7: {  	v4 =	vld [tilespmem:s1+$0xFFFFFF30];
	[tilespmem:s1+$0xFFFFFF60] =	vst v1;
	v1 =	vadd.f32 v5, v9  }
0xd8: {  	v14 =	vld [tilespmem:s29+$0xFFFFFF70];
	[tilespmem:s1+$0xFFFFFFA0] =	vst v2;
	v6 =	vadd.f32 v6, v10  }
0xd9: {  	v5 =	vld [tilespmem:s29+$0xFFFFFFB0];
	[tilespmem:s1+$0xFFFFFFE0] =	vst v1;
	v1 =	vadd.f32 v7, v11  }
0xda: {  	v2 =	vld [tilespmem:s29+$0xFFFFFFF0];
	[tilespmem:s1+$0x20] =	vst v6;
	v6 =	vadd.f32 v3, v12  }
0xdb: {  	v3 =	vld [tilespmem:s29+$0x30];
	[tilespmem:s1+$0x60] =	vst v1  }
0xdc: {  	v7 =	vadd.f32 v13, v4;
	v4 =	vld [tilespmem:s29+$0x70];
	[tilespmem:s1+$0xA0] =	vst v6  }
0xdd: {  	v1 =	vld [tilespmem:s29+$0xB0]  }
0xde: {  	[tilespmem:s1+$0xFFFFFF30] =	vst v7;
	v7 =	vld [tilespmem:s1+$0xFFFFFF70]  }
.Ltmp1:
0xdf: {  	v10 =	vld [tilespmem:s1+$0xFFFFFFB0];
	(pc) =	sbr.rel @p0 .LBB2_5-.Ltmp1, $4  }
0xe0: {  	v9 =	vld [tilespmem:s1+$0xFFFFFFF0]  }
0xe1: {  	v8 =	vld [tilespmem:s1+$0x30]  }
0xe2: {  	v6 =	vld [tilespmem:s1+$0x70]  }
0xe3: {  	s1 =	sadd.s32 $0x200, s1;
	v11 =	vadd.f32 v14, v7;
	v7 =	vld [tilespmem:s30+$0xB0]  }
0xe4: {  	v5 =	vadd.f32 v5, v10  }
0xe5: {  	[tilespmem:s30+$0xFFFFFF70] =	vst v11;
	v2 =	vadd.f32 v2, v9  }
0xe6: {  	[tilespmem:s30+$0xFFFFFFB0] =	vst v5;
	v3 =	vadd.f32 v3, v8  }
0xe7: {  	s0 =	smul.u32 $0xA00, s28;
	[tilespmem:s30+$0xFFFFFFF0] =	vst v2;
	v2 =	vadd.f32 v4, v6  }
0xe8: {  	[tilespmem:s30+$0x30] =	vst v3;
	v1 =	vadd.f32 v1, v7  }
0xe9: {  	s29 =	sshra.s32 s0, $0x2;
	[tilespmem:s30+$0x70] =	vst v2  }
0xea: {  	s0 =	sadd.s32 $0x280, s29;
	[tilespmem:s30+$0xB0] =	vst v1  }
0xeb: {  	[tilespmem:s11], [sflag:$0x1] =	stream.indirect.gather [hbm4b:s3+s10], $0x40, s0, s10, $0xb8;
	[tilespmem:$0xD900] =	vst v63  }
0xec: {  	_ =	swait.ge [sflag:s21], $0x2000  }
0xed: {  	[sflag:s21] =	ssyncset.done $0x0  }
0xee: {  	s30 =	simm.s32 $0xBA00;
	[sflag:s21] =	ssyncadd.s32 $0xFFFFE000  }
0xef: {  	s31 =	simm.s32 $0x3A00;
	v1 =	vld [tilespmem:s30+$0xC0]  }
0xf0: {  	v2 =	vld [tilespmem:s31+$0xC0]  }
0xf1: {  	v3 =	vld [tilespmem:s31+$0xFFFFFF00]  }
0xf2: {  	v4 =	vld [tilespmem:s30+$0xFFFFFF40]  }
0xf3: {  	v5 =	vld [tilespmem:s30+$0xFFFFFF80]  }
0xf4: {  	v7 =	vld [tilespmem:s31+$0xFFFFFF80]  }
0xf5: {  	v8 =	vld [tilespmem:s30+$0xFFFFFFC0]  }
0xf6: {  	v9 =	vld [tilespmem:s31+$0xFFFFFFC0]  }
0xf7: {  	v10 =	vld [tilespmem:s30+$0x0]  }
0xf8: {  	v11 =	vld [tilespmem:s31+$0x0]  }
0xf9: {  	v12 =	vld [tilespmem:s31+$0x40]  }
0xfa: {  	v57 =	vld [tilespmem:s30+$0xFFFFFF90]  }
0xfb: {  	v58 =	vld [tilespmem:s30+$0xFFFFFFD0]  }
0xfc: {  	v14 =	vld [tilespmem:s30+$0x10]  }
0xfd: {  	v60 =	vld [tilespmem:s30+$0xFFFFFFE0];
	v1 =	vadd.f32 v2, v1  }
0xfe: {  	v2 =	vld [tilespmem:s31+$0xFFFFFF40]  }
0xff: {  	[tilespmem:s30+$0xC0] =	vst v1;
	v1 =	vld [tilespmem:s30+$0xD0]  }
0x100: {  	v6 =	vld [tilespmem:s31+$0xD0]  }
0x101: {  	v61 =	vld [tilespmem:s30+$0x20]  }
0x102: {  	v62 =	vld [tilespmem:s30+$0x60];
	v5 =	vadd.f32 v7, v5  }
0x103: {  	v63 =	vld [tilespmem:s30+$0xFFFFFF30];
	v2 =	vadd.f32 v2, v4  }
0x104: {  	v7 =	vld [tilespmem:s31+$0x80];
	[tilespmem:s30+$0xFFFFFF80] =	vst v5  }
0x105: {  	v5 =	vadd.f32 v11, v10;
	v11 =	vld [tilespmem:s30+$0xFFFFFF50];
	[tilespmem:s30+$0xFFFFFF40] =	vst v2;
	v1 =	vadd.f32 v6, v1  }
0x106: {  	v2 =	vadd.f32 v9, v8;
	v9 =	vld [tilespmem:s31+$0xFFFFFF50]  }
0x107: {  	[tilespmem:s30+$0xD0] =	vst v1;
	v1 =	vld [tilespmem:s30+$0xE0]  }
0x108: {  	v13 =	vld [tilespmem:s31+$0xE0]  }
0x109: {  	v4 =	vld [tilespmem:s30+$0x80]  }
0x10a: {  	[tilespmem:s30+$0x0] =	vst v5;
	v8 =	vld [tilespmem:s30+$0xFFFFFF00]  }
0x10b: {  	v10 =	vld [tilespmem:s31+$0x10]  }
0x10c: {  	v6 =	vld [tilespmem:s30+$0x40];
	v9 =	vadd.f32 v9, v11  }
0x10d: {  	[tilespmem:s30+$0xFFFFFFC0] =	vst v2;
	v2 =	vld [tilespmem:s31+$0xFFFFFF90];
	v1 =	vadd.f32 v13, v1  }
0x10e: {  	v5 =	vld [tilespmem:s31+$0xFFFFFFD0];
	[tilespmem:s30+$0xFFFFFF50] =	vst v9  }
0x10f: {  	v11 =	vld [tilespmem:s30+$0x90];
	[tilespmem:s30+$0xE0] =	vst v1;
	v1 =	vadd.f32 v3, v8  }
0x110: {  	v9 =	vld [tilespmem:s31+$0xFFFFFF60];
	v3 =	vadd.f32 v7, v4  }
0x111: {  	v6 =	vadd.f32 v12, v6;
	v8 =	vld [tilespmem:s30+$0xF0];
	[tilespmem:s30+$0xFFFFFF00] =	vst v1  }
0x112: {  	v2 =	vadd.f32 v2, v57;
	[tilespmem:s30+$0x80] =	vst v3;
	v3 =	vld [tilespmem:s30+$0xFFFFFF10]  }
0x113: {  	[tilespmem:s30+$0x40] =	vst v6;
	v4 =	vld [tilespmem:s31+$0xFFFFFF10]  }
0x114: {  	[tilespmem:s30+$0xFFFFFF90] =	vst v2;
	v2 =	vadd.f32 v10, v14;
	v6 =	vld [tilespmem:s31+$0xF0]  }
0x115: {  	v5 =	vadd.f32 v5, v58;
	v10 =	vld [tilespmem:s31+$0xFFFFFFA0]  }
0x116: {  	[tilespmem:s30+$0x10] =	vst v2;
	v7 =	vld [tilespmem:s31+$0x90]  }
0x117: {  	[tilespmem:s30+$0xFFFFFFD0] =	vst v5;
	v5 =	vld [tilespmem:s31+$0x20]  }
0x118: {  	v1 =	vld [tilespmem:s31+$0x50];
	v3 =	vadd.f32 v4, v3  }
0x119: {  	v6 =	vadd.f32 v6, v8;
	v8 =	vld [tilespmem:s30+$0x30]  }
0x11a: {  	[tilespmem:s30+$0xFFFFFF10] =	vst v3;
	v3 =	vld [tilespmem:s30+$0xFFFFFF20]  }
0x11b: {  	v2 =	vadd.f32 v7, v11;
	v59 =	vld [tilespmem:s31+$0xFFFFFF20]  }
0x11c: {  	v4 =	vld [tilespmem:s30+$0x50]  }
0x11d: {  	[tilespmem:s30+$0x90] =	vst v2;
	v2 =	vld [tilespmem:s30+$0xFFFFFF60]  }
0x11e: {  	v11 =	vld [tilespmem:s30+$0xFFFFFFA0]  }
0x11f: {  	[tilespmem:s30+$0xF0] =	vst v6;
	v6 =	vld [tilespmem:s30+$0x70]  }
0x120: {  	v7 =	vld [tilespmem:s31+$0xA0];
	v3 =	vadd.f32 v59, v3  }
0x121: {  	v1 =	vadd.f32 v1, v4;
	v4 =	vld [tilespmem:s31+$0xFFFFFFE0]  }
0x122: {  	v2 =	vadd.f32 v9, v2;
	[tilespmem:s30+$0xFFFFFF20] =	vst v3;
	v3 =	vld [tilespmem:s30+$0xA0]  }
0x123: {  	[tilespmem:s30+$0x50] =	vst v1;
	v9 =	vadd.f32 v10, v11;
	v10 =	vld [tilespmem:s30+$0xFFFFFFB0]  }
0x124: {  	v1 =	vld [tilespmem:s31+$0x60];
	[tilespmem:s30+$0xFFFFFF60] =	vst v2  }
0x125: {  	[tilespmem:s30+$0xFFFFFFA0] =	vst v9;
	v9 =	vld [tilespmem:s30+$0xFFFFFFF0]  }
0x126: {  	v2 =	vadd.f32 v4, v60;
	v15 =	vld [tilespmem:s31+$0xFFFFFF70]  }
0x127: {  	v11 =	vld [tilespmem:s31+$0xFFFFFF30];
	v7 =	vadd.f32 v7, v3  }
0x128: {  	v4 =	vadd.f32 v5, v61;
	v5 =	vld [tilespmem:s31+$0xFFFFFFB0];
	[tilespmem:s30+$0xFFFFFFE0] =	vst v2  }
0x129: {  	v1 =	vadd.f32 v1, v62;
	[tilespmem:s30+$0xA0] =	vst v7;
	v7 =	vld [tilespmem:s30+$0xFFFFFF70]  }
0x12a: {  	[tilespmem:s30+$0x20] =	vst v4;
	v2 =	vld [tilespmem:s31+$0xFFFFFFF0]  }
0x12b: {  	v3 =	vld [tilespmem:s31+$0x30];
	[tilespmem:s30+$0x60] =	vst v1  }
0x12c: {  	v4 =	vld [tilespmem:s31+$0x70];
	v11 =	vadd.f32 v11, v63  }
0x12d: {  	v1 =	vld [tilespmem:s31+$0xB0]  }
0x12e: {  	s1 =	simm.s32 $0x0;
	s0 =	simm.s32 $0xBC00;
	[tilespmem:s30+$0xFFFFFF30] =	vst v11;
	v11 =	vadd.f32 v15, v7;
	v7 =	vld [tilespmem:s30+$0xB0]  }
.LBB2_7:
0x12f: {  	v12 =	vld [tilespmem:s0+$0xC0];
	v5 =	vadd.f32 v5, v10;
	s31 =	sadd.s32 $0x200, s31  }
0x130: {  	s1 =	sadd.s32 $0x8, s1;
	v10 =	vld [tilespmem:s31+$0xC0];
	[tilespmem:s30+$0xFFFFFF70] =	vst v11;
	v2 =	vadd.f32 v2, v9  }
0x131: {  	p0 =	slt.u32 s1, $0x78;
	v9 =	vld [tilespmem:s31+$0xFFFFFF00];
	[tilespmem:s30+$0xFFFFFFB0] =	vst v5;
	v3 =	vadd.f32 v3, v8  }
0x132: {  	v5 =	vld [tilespmem:s0+$0xFFFFFF40];
	[tilespmem:s30+$0xFFFFFFF0] =	vst v2;
	v2 =	vadd.f32 v4, v6  }
0x133: {  	v4 =	vld [tilespmem:s31+$0xFFFFFF40];
	[tilespmem:s30+$0x30] =	vst v3;
	v1 =	vadd.f32 v1, v7  }
0x134: {  	v3 =	vld [tilespmem:s0+$0xFFFFFF80];
	[tilespmem:s30+$0x70] =	vst v2  }
0x135: {  	v2 =	vld [tilespmem:s31+$0xFFFFFF80];
	v6 =	vadd.f32 v10, v12;
	[tilespmem:s30+$0xB0] =	vst v1;
	s30 =	smov.u32 s0  }
0x136: {  	v1 =	vld [tilespmem:s0+$0xFFFFFFC0]  }
0x137: {  	[tilespmem:s0+$0xC0] =	vst v6;
	v6 =	vld [tilespmem:s0+$0xD0]  }
0x138: {  	v4 =	vadd.f32 v4, v5;
	v5 =	vld [tilespmem:s31+$0xD0]  }
0x139: {  	v7 =	vld [tilespmem:s31+$0xFFFFFFC0]  }
0x13a: {  	[tilespmem:s0+$0xFFFFFF40] =	vst v4;
	v2 =	vadd.f32 v2, v3;
	v3 =	vld [tilespmem:s0+$0x0]  }
0x13b: {  	v4 =	vld [tilespmem:s31+$0x0]  }
0x13c: {  	[tilespmem:s0+$0xFFFFFF80] =	vst v2;
	v2 =	vld [tilespmem:s0+$0x40]  }
0x13d: {  	v8 =	vld [tilespmem:s31+$0x40];
	v5 =	vadd.f32 v5, v6  }
0x13e: {  	v1 =	vadd.f32 v7, v1;
	v6 =	vld [tilespmem:s0+$0x80]  }
0x13f: {  	[tilespmem:s0+$0xD0] =	vst v5;
	v5 =	vld [tilespmem:s0+$0xE0]  }
0x140: {  	[tilespmem:s0+$0xFFFFFFC0] =	vst v1;
	v1 =	vadd.f32 v4, v3;
	v3 =	vld [tilespmem:s31+$0xE0]  }
0x141: {  	v4 =	vld [tilespmem:s31+$0x80]  }
0x142: {  	v7 =	vld [tilespmem:s0+$0xFFFFFF00];
	[tilespmem:s0+$0x0] =	vst v1;
	v1 =	vadd.f32 v8, v2  }
0x143: {  	v2 =	vld [tilespmem:s31+$0xFFFFFF50]  }
0x144: {  	v8 =	vld [tilespmem:s31+$0xFFFFFF90];
	[tilespmem:s0+$0x40] =	vst v1  }
0x145: {  	v1 =	vld [tilespmem:s31+$0xFFFFFFD0];
	v3 =	vadd.f32 v3, v5  }
0x146: {  	v5 =	vld [tilespmem:s31+$0x10];
	v4 =	vadd.f32 v4, v6  }
0x147: {  	v6 =	vadd.f32 v9, v7;
	[tilespmem:s0+$0xE0] =	vst v3;
	v3 =	vld [tilespmem:s0+$0xF0]  }
0x148: {  	[tilespmem:s0+$0x80] =	vst v4;
	v4 =	vld [tilespmem:s31+$0xF0]  }
0x149: {  	[tilespmem:s0+$0xFFFFFF00] =	vst v6;
	v6 =	vld [tilespmem:s31+$0x50]  }
0x14a: {  	v7 =	vld [tilespmem:s31+$0xFFFFFF10]  }
0x14b: {  	v9 =	vld [tilespmem:s31+$0x90]  }
0x14c: {  	v10 =	vld [tilespmem:s0+$0xFFFFFF10]  }
0x14d: {  	v11 =	vld [tilespmem:s0+$0xFFFFFF50];
	v3 =	vadd.f32 v4, v3  }
0x14e: {  	v4 =	vld [tilespmem:s0+$0xFFFFFF90]  }
0x14f: {  	v12 =	vld [tilespmem:s0+$0xFFFFFFD0];
	[tilespmem:s0+$0xF0] =	vst v3  }
0x150: {  	v3 =	vld [tilespmem:s0+$0x10]  }
0x151: {  	v7 =	vadd.f32 v7, v10;
	v10 =	vld [tilespmem:s0+$0x50]  }
0x152: {  	v2 =	vadd.f32 v2, v11;
	v11 =	vld [tilespmem:s0+$0x90]  }
0x153: {  	[tilespmem:s0+$0xFFFFFF10] =	vst v7;
	v7 =	vld [tilespmem:s0+$0xFFFFFF20];
	v4 =	vadd.f32 v8, v4  }
0x154: {  	v8 =	vld [tilespmem:s31+$0xFFFFFF20];
	[tilespmem:s0+$0xFFFFFF50] =	vst v2;
	v1 =	vadd.f32 v1, v12  }
0x155: {  	v2 =	vld [tilespmem:s31+$0xFFFFFF60];
	[tilespmem:s0+$0xFFFFFF90] =	vst v4;
	v3 =	vadd.f32 v5, v3  }
0x156: {  	v4 =	vld [tilespmem:s31+$0xFFFFFFA0];
	[tilespmem:s0+$0xFFFFFFD0] =	vst v1;
	v1 =	vadd.f32 v6, v10  }
0x157: {  	v5 =	vld [tilespmem:s31+$0xFFFFFFE0];
	[tilespmem:s0+$0x10] =	vst v3;
	v3 =	vadd.f32 v9, v11  }
0x158: {  	v6 =	vld [tilespmem:s31+$0x20];
	[tilespmem:s0+$0x50] =	vst v1  }
0x159: {  	v1 =	vadd.f32 v8, v7;
	v7 =	vld [tilespmem:s31+$0x60];
	[tilespmem:s0+$0x90] =	vst v3  }
0x15a: {  	v3 =	vld [tilespmem:s31+$0xA0]  }
0x15b: {  	[tilespmem:s0+$0xFFFFFF20] =	vst v1;
	v1 =	vld [tilespmem:s0+$0xFFFFFF60]  }
0x15c: {  	v8 =	vld [tilespmem:s0+$0xFFFFFFA0]  }
0x15d: {  	v9 =	vld [tilespmem:s0+$0xFFFFFFE0]  }
0x15e: {  	v10 =	vld [tilespmem:s0+$0x20]  }
0x15f: {  	v11 =	vld [tilespmem:s0+$0x60]  }
0x160: {  	v1 =	vadd.f32 v2, v1;
	v12 =	vld [tilespmem:s0+$0xA0]  }
0x161: {  	v13 =	vld [tilespmem:s31+$0xFFFFFF30];
	v2 =	vadd.f32 v4, v8  }
0x162: {  	v4 =	vld [tilespmem:s0+$0xFFFFFF30];
	[tilespmem:s0+$0xFFFFFF60] =	vst v1;
	v1 =	vadd.f32 v5, v9  }
0x163: {  	v14 =	vld [tilespmem:s31+$0xFFFFFF70];
	[tilespmem:s0+$0xFFFFFFA0] =	vst v2;
	v6 =	vadd.f32 v6, v10  }
0x164: {  	v5 =	vld [tilespmem:s31+$0xFFFFFFB0];
	[tilespmem:s0+$0xFFFFFFE0] =	vst v1;
	v1 =	vadd.f32 v7, v11  }
0x165: {  	v2 =	vld [tilespmem:s31+$0xFFFFFFF0];
	[tilespmem:s0+$0x20] =	vst v6;
	v6 =	vadd.f32 v3, v12  }
0x166: {  	v3 =	vld [tilespmem:s31+$0x30];
	[tilespmem:s0+$0x60] =	vst v1  }
0x167: {  	v7 =	vadd.f32 v13, v4;
	v4 =	vld [tilespmem:s31+$0x70];
	[tilespmem:s0+$0xA0] =	vst v6  }
0x168: {  	v1 =	vld [tilespmem:s31+$0xB0]  }
0x169: {  	[tilespmem:s0+$0xFFFFFF30] =	vst v7;
	v7 =	vld [tilespmem:s0+$0xFFFFFF70]  }
.Ltmp2:
0x16a: {  	v10 =	vld [tilespmem:s0+$0xFFFFFFB0];
	(pc) =	sbr.rel @p0 .LBB2_7-.Ltmp2, $4  }
0x16b: {  	v9 =	vld [tilespmem:s0+$0xFFFFFFF0]  }
0x16c: {  	v8 =	vld [tilespmem:s0+$0x30]  }
0x16d: {  	v6 =	vld [tilespmem:s0+$0x70]  }
0x16e: {  	s0 =	sadd.s32 $0x200, s0;
	v11 =	vadd.f32 v14, v7;
	v7 =	vld [tilespmem:s30+$0xB0]  }
0x16f: {  	v5 =	vadd.f32 v5, v10  }
0x170: {  	[tilespmem:s30+$0xFFFFFF70] =	vst v11;
	v2 =	vadd.f32 v2, v9  }
0x171: {  	[tilespmem:s30+$0xFFFFFFB0] =	vst v5;
	v3 =	vadd.f32 v3, v8  }
0x172: {  	[tilespmem:s30+$0xFFFFFFF0] =	vst v2;
	v2 =	vadd.f32 v4, v6  }
0x173: {  	[tilespmem:s30+$0x30] =	vst v3;
	v1 =	vadd.f32 v1, v7  }
0x174: {  	[tilespmem:s30+$0x70] =	vst v2  }
0x175: {  	s0 =	sadd.s32 $0x300, s29;
	[tilespmem:s30+$0xB0] =	vst v1  }
0x176: {  	[tilespmem:s12], [sflag:$0x2] =	stream.indirect.gather [hbm4b:s3+s10], $0x40, s0, s10, $0xb8;
	[tilespmem:$0xD900] =	vst v63  }
0x177: {  	_ =	swait.ge [sflag:s22], $0x2000  }
0x178: {  	[sflag:s22] =	ssyncset.done $0x0  }
0x179: {  	s30 =	simm.s32 $0xBA00;
	[sflag:s22] =	ssyncadd.s32 $0xFFFFE000  }
0x17a: {  	s31 =	simm.s32 $0x5A00;
	v1 =	vld [tilespmem:s30+$0xC0]  }
0x17b: {  	v2 =	vld [tilespmem:s31+$0xC0]  }
0x17c: {  	v3 =	vld [tilespmem:s31+$0xFFFFFF00]  }
0x17d: {  	v4 =	vld [tilespmem:s30+$0xFFFFFF40]  }
0x17e: {  	v5 =	vld [tilespmem:s30+$0xFFFFFF80]  }
0x17f: {  	v7 =	vld [tilespmem:s31+$0xFFFFFF80]  }
0x180: {  	v8 =	vld [tilespmem:s30+$0xFFFFFFC0]  }
0x181: {  	v9 =	vld [tilespmem:s31+$0xFFFFFFC0]  }
0x182: {  	v10 =	vld [tilespmem:s30+$0x0]  }
0x183: {  	v11 =	vld [tilespmem:s31+$0x0]  }
0x184: {  	v12 =	vld [tilespmem:s31+$0x40]  }
0x185: {  	v57 =	vld [tilespmem:s30+$0xFFFFFF90]  }
0x186: {  	v58 =	vld [tilespmem:s30+$0xFFFFFFD0]  }
0x187: {  	v14 =	vld [tilespmem:s30+$0x10]  }
0x188: {  	v60 =	vld [tilespmem:s30+$0xFFFFFFE0];
	v1 =	vadd.f32 v2, v1  }
0x189: {  	v2 =	vld [tilespmem:s31+$0xFFFFFF40]  }
0x18a: {  	[tilespmem:s30+$0xC0] =	vst v1;
	v1 =	vld [tilespmem:s30+$0xD0]  }
0x18b: {  	v6 =	vld [tilespmem:s31+$0xD0]  }
0x18c: {  	v61 =	vld [tilespmem:s30+$0x20]  }
0x18d: {  	v62 =	vld [tilespmem:s30+$0x60];
	v5 =	vadd.f32 v7, v5  }
0x18e: {  	v63 =	vld [tilespmem:s30+$0xFFFFFF30];
	v2 =	vadd.f32 v2, v4  }
0x18f: {  	v7 =	vld [tilespmem:s31+$0x80];
	[tilespmem:s30+$0xFFFFFF80] =	vst v5  }
0x190: {  	v5 =	vadd.f32 v11, v10;
	v11 =	vld [tilespmem:s30+$0xFFFFFF50];
	[tilespmem:s30+$0xFFFFFF40] =	vst v2;
	v1 =	vadd.f32 v6, v1  }
0x191: {  	v2 =	vadd.f32 v9, v8;
	v9 =	vld [tilespmem:s31+$0xFFFFFF50]  }
0x192: {  	[tilespmem:s30+$0xD0] =	vst v1;
	v1 =	vld [tilespmem:s30+$0xE0]  }
0x193: {  	v13 =	vld [tilespmem:s31+$0xE0]  }
0x194: {  	v4 =	vld [tilespmem:s30+$0x80]  }
0x195: {  	[tilespmem:s30+$0x0] =	vst v5;
	v8 =	vld [tilespmem:s30+$0xFFFFFF00]  }
0x196: {  	v10 =	vld [tilespmem:s31+$0x10]  }
0x197: {  	v6 =	vld [tilespmem:s30+$0x40];
	v9 =	vadd.f32 v9, v11  }
0x198: {  	[tilespmem:s30+$0xFFFFFFC0] =	vst v2;
	v2 =	vld [tilespmem:s31+$0xFFFFFF90];
	v1 =	vadd.f32 v13, v1  }
0x199: {  	v5 =	vld [tilespmem:s31+$0xFFFFFFD0];
	[tilespmem:s30+$0xFFFFFF50] =	vst v9  }
0x19a: {  	v11 =	vld [tilespmem:s30+$0x90];
	[tilespmem:s30+$0xE0] =	vst v1;
	v1 =	vadd.f32 v3, v8  }
0x19b: {  	v9 =	vld [tilespmem:s31+$0xFFFFFF60];
	v3 =	vadd.f32 v7, v4  }
0x19c: {  	v6 =	vadd.f32 v12, v6;
	v8 =	vld [tilespmem:s30+$0xF0];
	[tilespmem:s30+$0xFFFFFF00] =	vst v1  }
0x19d: {  	v2 =	vadd.f32 v2, v57;
	[tilespmem:s30+$0x80] =	vst v3;
	v3 =	vld [tilespmem:s30+$0xFFFFFF10]  }
0x19e: {  	[tilespmem:s30+$0x40] =	vst v6;
	v4 =	vld [tilespmem:s31+$0xFFFFFF10]  }
0x19f: {  	[tilespmem:s30+$0xFFFFFF90] =	vst v2;
	v2 =	vadd.f32 v10, v14;
	v6 =	vld [tilespmem:s31+$0xF0]  }
0x1a0: {  	v5 =	vadd.f32 v5, v58;
	v10 =	vld [tilespmem:s31+$0xFFFFFFA0]  }
0x1a1: {  	[tilespmem:s30+$0x10] =	vst v2;
	v7 =	vld [tilespmem:s31+$0x90]  }
0x1a2: {  	[tilespmem:s30+$0xFFFFFFD0] =	vst v5;
	v5 =	vld [tilespmem:s31+$0x20]  }
0x1a3: {  	v1 =	vld [tilespmem:s31+$0x50];
	v3 =	vadd.f32 v4, v3  }
0x1a4: {  	v6 =	vadd.f32 v6, v8;
	v8 =	vld [tilespmem:s30+$0x30]  }
0x1a5: {  	[tilespmem:s30+$0xFFFFFF10] =	vst v3;
	v3 =	vld [tilespmem:s30+$0xFFFFFF20]  }
0x1a6: {  	v2 =	vadd.f32 v7, v11;
	v59 =	vld [tilespmem:s31+$0xFFFFFF20]  }
0x1a7: {  	v4 =	vld [tilespmem:s30+$0x50]  }
0x1a8: {  	[tilespmem:s30+$0x90] =	vst v2;
	v2 =	vld [tilespmem:s30+$0xFFFFFF60]  }
0x1a9: {  	v11 =	vld [tilespmem:s30+$0xFFFFFFA0]  }
0x1aa: {  	[tilespmem:s30+$0xF0] =	vst v6;
	v6 =	vld [tilespmem:s30+$0x70]  }
0x1ab: {  	v7 =	vld [tilespmem:s31+$0xA0];
	v3 =	vadd.f32 v59, v3  }
0x1ac: {  	v1 =	vadd.f32 v1, v4;
	v4 =	vld [tilespmem:s31+$0xFFFFFFE0]  }
0x1ad: {  	v2 =	vadd.f32 v9, v2;
	[tilespmem:s30+$0xFFFFFF20] =	vst v3;
	v3 =	vld [tilespmem:s30+$0xA0]  }
0x1ae: {  	[tilespmem:s30+$0x50] =	vst v1;
	v9 =	vadd.f32 v10, v11;
	v10 =	vld [tilespmem:s30+$0xFFFFFFB0]  }
0x1af: {  	v1 =	vld [tilespmem:s31+$0x60];
	[tilespmem:s30+$0xFFFFFF60] =	vst v2  }
0x1b0: {  	[tilespmem:s30+$0xFFFFFFA0] =	vst v9;
	v9 =	vld [tilespmem:s30+$0xFFFFFFF0]  }
0x1b1: {  	v2 =	vadd.f32 v4, v60;
	v15 =	vld [tilespmem:s31+$0xFFFFFF70]  }
0x1b2: {  	v11 =	vld [tilespmem:s31+$0xFFFFFF30];
	v7 =	vadd.f32 v7, v3  }
0x1b3: {  	v4 =	vadd.f32 v5, v61;
	v5 =	vld [tilespmem:s31+$0xFFFFFFB0];
	[tilespmem:s30+$0xFFFFFFE0] =	vst v2  }
0x1b4: {  	v1 =	vadd.f32 v1, v62;
	[tilespmem:s30+$0xA0] =	vst v7;
	v7 =	vld [tilespmem:s30+$0xFFFFFF70]  }
0x1b5: {  	[tilespmem:s30+$0x20] =	vst v4;
	v2 =	vld [tilespmem:s31+$0xFFFFFFF0]  }
0x1b6: {  	v3 =	vld [tilespmem:s31+$0x30];
	[tilespmem:s30+$0x60] =	vst v1  }
0x1b7: {  	v4 =	vld [tilespmem:s31+$0x70];
	v11 =	vadd.f32 v11, v63  }
0x1b8: {  	v1 =	vld [tilespmem:s31+$0xB0]  }
0x1b9: {  	s1 =	simm.s32 $0x0;
	s0 =	simm.s32 $0xBC00;
	[tilespmem:s30+$0xFFFFFF30] =	vst v11;
	v11 =	vadd.f32 v15, v7;
	v7 =	vld [tilespmem:s30+$0xB0]  }
.LBB2_9:
0x1ba: {  	v12 =	vld [tilespmem:s0+$0xC0];
	v5 =	vadd.f32 v5, v10;
	s31 =	sadd.s32 $0x200, s31  }
0x1bb: {  	s1 =	sadd.s32 $0x8, s1;
	v10 =	vld [tilespmem:s31+$0xC0];
	[tilespmem:s30+$0xFFFFFF70] =	vst v11;
	v2 =	vadd.f32 v2, v9  }
0x1bc: {  	p0 =	slt.u32 s1, $0x78;
	v9 =	vld [tilespmem:s31+$0xFFFFFF00];
	[tilespmem:s30+$0xFFFFFFB0] =	vst v5;
	v3 =	vadd.f32 v3, v8  }
0x1bd: {  	v5 =	vld [tilespmem:s0+$0xFFFFFF40];
	[tilespmem:s30+$0xFFFFFFF0] =	vst v2;
	v2 =	vadd.f32 v4, v6  }
0x1be: {  	v4 =	vld [tilespmem:s31+$0xFFFFFF40];
	[tilespmem:s30+$0x30] =	vst v3;
	v1 =	vadd.f32 v1, v7  }
0x1bf: {  	v3 =	vld [tilespmem:s0+$0xFFFFFF80];
	[tilespmem:s30+$0x70] =	vst v2  }
0x1c0: {  	v2 =	vld [tilespmem:s31+$0xFFFFFF80];
	v6 =	vadd.f32 v10, v12;
	[tilespmem:s30+$0xB0] =	vst v1;
	s30 =	smov.u32 s0  }
0x1c1: {  	v1 =	vld [tilespmem:s0+$0xFFFFFFC0]  }
0x1c2: {  	[tilespmem:s0+$0xC0] =	vst v6;
	v6 =	vld [tilespmem:s0+$0xD0]  }
0x1c3: {  	v4 =	vadd.f32 v4, v5;
	v5 =	vld [tilespmem:s31+$0xD0]  }
0x1c4: {  	v7 =	vld [tilespmem:s31+$0xFFFFFFC0]  }
0x1c5: {  	[tilespmem:s0+$0xFFFFFF40] =	vst v4;
	v2 =	vadd.f32 v2, v3;
	v3 =	vld [tilespmem:s0+$0x0]  }
0x1c6: {  	v4 =	vld [tilespmem:s31+$0x0]  }
0x1c7: {  	[tilespmem:s0+$0xFFFFFF80] =	vst v2;
	v2 =	vld [tilespmem:s0+$0x40]  }
0x1c8: {  	v8 =	vld [tilespmem:s31+$0x40];
	v5 =	vadd.f32 v5, v6  }
0x1c9: {  	v1 =	vadd.f32 v7, v1;
	v6 =	vld [tilespmem:s0+$0x80]  }
0x1ca: {  	[tilespmem:s0+$0xD0] =	vst v5;
	v5 =	vld [tilespmem:s0+$0xE0]  }
0x1cb: {  	[tilespmem:s0+$0xFFFFFFC0] =	vst v1;
	v1 =	vadd.f32 v4, v3;
	v3 =	vld [tilespmem:s31+$0xE0]  }
0x1cc: {  	v4 =	vld [tilespmem:s31+$0x80]  }
0x1cd: {  	v7 =	vld [tilespmem:s0+$0xFFFFFF00];
	[tilespmem:s0+$0x0] =	vst v1;
	v1 =	vadd.f32 v8, v2  }
0x1ce: {  	v2 =	vld [tilespmem:s31+$0xFFFFFF50]  }
0x1cf: {  	v8 =	vld [tilespmem:s31+$0xFFFFFF90];
	[tilespmem:s0+$0x40] =	vst v1  }
0x1d0: {  	v1 =	vld [tilespmem:s31+$0xFFFFFFD0];
	v3 =	vadd.f32 v3, v5  }
0x1d1: {  	v5 =	vld [tilespmem:s31+$0x10];
	v4 =	vadd.f32 v4, v6  }
0x1d2: {  	v6 =	vadd.f32 v9, v7;
	[tilespmem:s0+$0xE0] =	vst v3;
	v3 =	vld [tilespmem:s0+$0xF0]  }
0x1d3: {  	[tilespmem:s0+$0x80] =	vst v4;
	v4 =	vld [tilespmem:s31+$0xF0]  }
0x1d4: {  	[tilespmem:s0+$0xFFFFFF00] =	vst v6;
	v6 =	vld [tilespmem:s31+$0x50]  }
0x1d5: {  	v7 =	vld [tilespmem:s31+$0xFFFFFF10]  }
0x1d6: {  	v9 =	vld [tilespmem:s31+$0x90]  }
0x1d7: {  	v10 =	vld [tilespmem:s0+$0xFFFFFF10]  }
0x1d8: {  	v11 =	vld [tilespmem:s0+$0xFFFFFF50];
	v3 =	vadd.f32 v4, v3  }
0x1d9: {  	v4 =	vld [tilespmem:s0+$0xFFFFFF90]  }
0x1da: {  	v12 =	vld [tilespmem:s0+$0xFFFFFFD0];
	[tilespmem:s0+$0xF0] =	vst v3  }
0x1db: {  	v3 =	vld [tilespmem:s0+$0x10]  }
0x1dc: {  	v7 =	vadd.f32 v7, v10;
	v10 =	vld [tilespmem:s0+$0x50]  }
0x1dd: {  	v2 =	vadd.f32 v2, v11;
	v11 =	vld [tilespmem:s0+$0x90]  }
0x1de: {  	[tilespmem:s0+$0xFFFFFF10] =	vst v7;
	v7 =	vld [tilespmem:s0+$0xFFFFFF20];
	v4 =	vadd.f32 v8, v4  }
0x1df: {  	v8 =	vld [tilespmem:s31+$0xFFFFFF20];
	[tilespmem:s0+$0xFFFFFF50] =	vst v2;
	v1 =	vadd.f32 v1, v12  }
0x1e0: {  	v2 =	vld [tilespmem:s31+$0xFFFFFF60];
	[tilespmem:s0+$0xFFFFFF90] =	vst v4;
	v3 =	vadd.f32 v5, v3  }
0x1e1: {  	v4 =	vld [tilespmem:s31+$0xFFFFFFA0];
	[tilespmem:s0+$0xFFFFFFD0] =	vst v1;
	v1 =	vadd.f32 v6, v10  }
0x1e2: {  	v5 =	vld [tilespmem:s31+$0xFFFFFFE0];
	[tilespmem:s0+$0x10] =	vst v3;
	v3 =	vadd.f32 v9, v11  }
0x1e3: {  	v6 =	vld [tilespmem:s31+$0x20];
	[tilespmem:s0+$0x50] =	vst v1  }
0x1e4: {  	v1 =	vadd.f32 v8, v7;
	v7 =	vld [tilespmem:s31+$0x60];
	[tilespmem:s0+$0x90] =	vst v3  }
0x1e5: {  	v3 =	vld [tilespmem:s31+$0xA0]  }
0x1e6: {  	[tilespmem:s0+$0xFFFFFF20] =	vst v1;
	v1 =	vld [tilespmem:s0+$0xFFFFFF60]  }
0x1e7: {  	v8 =	vld [tilespmem:s0+$0xFFFFFFA0]  }
0x1e8: {  	v9 =	vld [tilespmem:s0+$0xFFFFFFE0]  }
0x1e9: {  	v10 =	vld [tilespmem:s0+$0x20]  }
0x1ea: {  	v11 =	vld [tilespmem:s0+$0x60]  }
0x1eb: {  	v1 =	vadd.f32 v2, v1;
	v12 =	vld [tilespmem:s0+$0xA0]  }
0x1ec: {  	v13 =	vld [tilespmem:s31+$0xFFFFFF30];
	v2 =	vadd.f32 v4, v8  }
0x1ed: {  	v4 =	vld [tilespmem:s0+$0xFFFFFF30];
	[tilespmem:s0+$0xFFFFFF60] =	vst v1;
	v1 =	vadd.f32 v5, v9  }
0x1ee: {  	v14 =	vld [tilespmem:s31+$0xFFFFFF70];
	[tilespmem:s0+$0xFFFFFFA0] =	vst v2;
	v6 =	vadd.f32 v6, v10  }
0x1ef: {  	v5 =	vld [tilespmem:s31+$0xFFFFFFB0];
	[tilespmem:s0+$0xFFFFFFE0] =	vst v1;
	v1 =	vadd.f32 v7, v11  }
0x1f0: {  	v2 =	vld [tilespmem:s31+$0xFFFFFFF0];
	[tilespmem:s0+$0x20] =	vst v6;
	v6 =	vadd.f32 v3, v12  }
0x1f1: {  	v3 =	vld [tilespmem:s31+$0x30];
	[tilespmem:s0+$0x60] =	vst v1  }
0x1f2: {  	v7 =	vadd.f32 v13, v4;
	v4 =	vld [tilespmem:s31+$0x70];
	[tilespmem:s0+$0xA0] =	vst v6  }
0x1f3: {  	v1 =	vld [tilespmem:s31+$0xB0]  }
0x1f4: {  	[tilespmem:s0+$0xFFFFFF30] =	vst v7;
	v7 =	vld [tilespmem:s0+$0xFFFFFF70]  }
.Ltmp3:
0x1f5: {  	v10 =	vld [tilespmem:s0+$0xFFFFFFB0];
	(pc) =	sbr.rel @p0 .LBB2_9-.Ltmp3, $4  }
0x1f6: {  	v9 =	vld [tilespmem:s0+$0xFFFFFFF0]  }
0x1f7: {  	v8 =	vld [tilespmem:s0+$0x30]  }
0x1f8: {  	v6 =	vld [tilespmem:s0+$0x70]  }
0x1f9: {  	s0 =	sadd.s32 $0x200, s0;
	v11 =	vadd.f32 v14, v7;
	v7 =	vld [tilespmem:s30+$0xB0]  }
0x1fa: {  	v5 =	vadd.f32 v5, v10  }
0x1fb: {  	[tilespmem:s30+$0xFFFFFF70] =	vst v11;
	v2 =	vadd.f32 v2, v9  }
0x1fc: {  	[tilespmem:s30+$0xFFFFFFB0] =	vst v5;
	v3 =	vadd.f32 v3, v8  }
0x1fd: {  	[tilespmem:s30+$0xFFFFFFF0] =	vst v2;
	v2 =	vadd.f32 v4, v6  }
0x1fe: {  	[tilespmem:s30+$0x30] =	vst v3;
	v1 =	vadd.f32 v1, v7  }
0x1ff: {  	[tilespmem:s30+$0x70] =	vst v2  }
0x200: {  	s0 =	sadd.s32 $0x380, s29;
	[tilespmem:s30+$0xB0] =	vst v1  }
0x201: {  	[tilespmem:s14], [sflag:$0x3] =	stream.indirect.gather [hbm4b:s3+s10], $0x40, s0, s10, $0xb8;
	[tilespmem:$0xD900] =	vst v63  }
0x202: {  	_ =	swait.ge [sflag:s23], $0x2000  }
0x203: {  	[sflag:s23] =	ssyncset.done $0x0  }
0x204: {  	s30 =	simm.s32 $0xBA00;
	[sflag:s23] =	ssyncadd.s32 $0xFFFFE000  }
0x205: {  	s31 =	simm.s32 $0x7A00;
	v1 =	vld [tilespmem:s30+$0xC0]  }
0x206: {  	v2 =	vld [tilespmem:s31+$0xC0]  }
0x207: {  	v3 =	vld [tilespmem:s31+$0xFFFFFF00]  }
0x208: {  	v4 =	vld [tilespmem:s30+$0xFFFFFF40]  }
0x209: {  	v5 =	vld [tilespmem:s30+$0xFFFFFF80]  }
0x20a: {  	v7 =	vld [tilespmem:s31+$0xFFFFFF80]  }
0x20b: {  	v8 =	vld [tilespmem:s30+$0xFFFFFFC0]  }
0x20c: {  	v9 =	vld [tilespmem:s31+$0xFFFFFFC0]  }
0x20d: {  	v10 =	vld [tilespmem:s30+$0x0]  }
0x20e: {  	v11 =	vld [tilespmem:s31+$0x0]  }
0x20f: {  	v12 =	vld [tilespmem:s31+$0x40]  }
0x210: {  	v57 =	vld [tilespmem:s30+$0xFFFFFF90]  }
0x211: {  	v58 =	vld [tilespmem:s30+$0xFFFFFFD0]  }
0x212: {  	v14 =	vld [tilespmem:s30+$0x10]  }
0x213: {  	v60 =	vld [tilespmem:s30+$0xFFFFFFE0];
	v1 =	vadd.f32 v2, v1  }
0x214: {  	v2 =	vld [tilespmem:s31+$0xFFFFFF40]  }
0x215: {  	[tilespmem:s30+$0xC0] =	vst v1;
	v1 =	vld [tilespmem:s30+$0xD0]  }
0x216: {  	v6 =	vld [tilespmem:s31+$0xD0]  }
0x217: {  	v61 =	vld [tilespmem:s30+$0x20]  }
0x218: {  	v62 =	vld [tilespmem:s30+$0x60];
	v5 =	vadd.f32 v7, v5  }
0x219: {  	v63 =	vld [tilespmem:s30+$0xFFFFFF30];
	v2 =	vadd.f32 v2, v4  }
0x21a: {  	v7 =	vld [tilespmem:s31+$0x80];
	[tilespmem:s30+$0xFFFFFF80] =	vst v5  }
0x21b: {  	v5 =	vadd.f32 v11, v10;
	v11 =	vld [tilespmem:s30+$0xFFFFFF50];
	[tilespmem:s30+$0xFFFFFF40] =	vst v2;
	v1 =	vadd.f32 v6, v1  }
0x21c: {  	v2 =	vadd.f32 v9, v8;
	v9 =	vld [tilespmem:s31+$0xFFFFFF50]  }
0x21d: {  	[tilespmem:s30+$0xD0] =	vst v1;
	v1 =	vld [tilespmem:s30+$0xE0]  }
0x21e: {  	v13 =	vld [tilespmem:s31+$0xE0]  }
0x21f: {  	v4 =	vld [tilespmem:s30+$0x80]  }
0x220: {  	[tilespmem:s30+$0x0] =	vst v5;
	v8 =	vld [tilespmem:s30+$0xFFFFFF00]  }
0x221: {  	v10 =	vld [tilespmem:s31+$0x10]  }
0x222: {  	v6 =	vld [tilespmem:s30+$0x40];
	v9 =	vadd.f32 v9, v11  }
0x223: {  	[tilespmem:s30+$0xFFFFFFC0] =	vst v2;
	v2 =	vld [tilespmem:s31+$0xFFFFFF90];
	v1 =	vadd.f32 v13, v1  }
0x224: {  	v5 =	vld [tilespmem:s31+$0xFFFFFFD0];
	[tilespmem:s30+$0xFFFFFF50] =	vst v9  }
0x225: {  	v11 =	vld [tilespmem:s30+$0x90];
	[tilespmem:s30+$0xE0] =	vst v1;
	v1 =	vadd.f32 v3, v8  }
0x226: {  	v9 =	vld [tilespmem:s31+$0xFFFFFF60];
	v3 =	vadd.f32 v7, v4  }
0x227: {  	v6 =	vadd.f32 v12, v6;
	v8 =	vld [tilespmem:s30+$0xF0];
	[tilespmem:s30+$0xFFFFFF00] =	vst v1  }
0x228: {  	v2 =	vadd.f32 v2, v57;
	[tilespmem:s30+$0x80] =	vst v3;
	v3 =	vld [tilespmem:s30+$0xFFFFFF10]  }
0x229: {  	[tilespmem:s30+$0x40] =	vst v6;
	v4 =	vld [tilespmem:s31+$0xFFFFFF10]  }
0x22a: {  	[tilespmem:s30+$0xFFFFFF90] =	vst v2;
	v2 =	vadd.f32 v10, v14;
	v6 =	vld [tilespmem:s31+$0xF0]  }
0x22b: {  	v5 =	vadd.f32 v5, v58;
	v10 =	vld [tilespmem:s31+$0xFFFFFFA0]  }
0x22c: {  	[tilespmem:s30+$0x10] =	vst v2;
	v7 =	vld [tilespmem:s31+$0x90]  }
0x22d: {  	[tilespmem:s30+$0xFFFFFFD0] =	vst v5;
	v5 =	vld [tilespmem:s31+$0x20]  }
0x22e: {  	v1 =	vld [tilespmem:s31+$0x50];
	v3 =	vadd.f32 v4, v3  }
0x22f: {  	v6 =	vadd.f32 v6, v8;
	v8 =	vld [tilespmem:s30+$0x30]  }
0x230: {  	[tilespmem:s30+$0xFFFFFF10] =	vst v3;
	v3 =	vld [tilespmem:s30+$0xFFFFFF20]  }
0x231: {  	v2 =	vadd.f32 v7, v11;
	v59 =	vld [tilespmem:s31+$0xFFFFFF20]  }
0x232: {  	v4 =	vld [tilespmem:s30+$0x50]  }
0x233: {  	[tilespmem:s30+$0x90] =	vst v2;
	v2 =	vld [tilespmem:s30+$0xFFFFFF60]  }
0x234: {  	v11 =	vld [tilespmem:s30+$0xFFFFFFA0]  }
0x235: {  	[tilespmem:s30+$0xF0] =	vst v6;
	v6 =	vld [tilespmem:s30+$0x70]  }
0x236: {  	v7 =	vld [tilespmem:s31+$0xA0];
	v3 =	vadd.f32 v59, v3  }
0x237: {  	v1 =	vadd.f32 v1, v4;
	v4 =	vld [tilespmem:s31+$0xFFFFFFE0]  }
0x238: {  	v2 =	vadd.f32 v9, v2;
	[tilespmem:s30+$0xFFFFFF20] =	vst v3;
	v3 =	vld [tilespmem:s30+$0xA0]  }
0x239: {  	[tilespmem:s30+$0x50] =	vst v1;
	v9 =	vadd.f32 v10, v11;
	v10 =	vld [tilespmem:s30+$0xFFFFFFB0]  }
0x23a: {  	v1 =	vld [tilespmem:s31+$0x60];
	[tilespmem:s30+$0xFFFFFF60] =	vst v2  }
0x23b: {  	[tilespmem:s30+$0xFFFFFFA0] =	vst v9;
	v9 =	vld [tilespmem:s30+$0xFFFFFFF0]  }
0x23c: {  	v2 =	vadd.f32 v4, v60;
	v15 =	vld [tilespmem:s31+$0xFFFFFF70]  }
0x23d: {  	v11 =	vld [tilespmem:s31+$0xFFFFFF30];
	v7 =	vadd.f32 v7, v3  }
0x23e: {  	v4 =	vadd.f32 v5, v61;
	v5 =	vld [tilespmem:s31+$0xFFFFFFB0];
	[tilespmem:s30+$0xFFFFFFE0] =	vst v2  }
0x23f: {  	v1 =	vadd.f32 v1, v62;
	[tilespmem:s30+$0xA0] =	vst v7;
	v7 =	vld [tilespmem:s30+$0xFFFFFF70]  }
0x240: {  	[tilespmem:s30+$0x20] =	vst v4;
	v2 =	vld [tilespmem:s31+$0xFFFFFFF0]  }
0x241: {  	v3 =	vld [tilespmem:s31+$0x30];
	[tilespmem:s30+$0x60] =	vst v1  }
0x242: {  	v4 =	vld [tilespmem:s31+$0x70];
	v11 =	vadd.f32 v11, v63  }
0x243: {  	v1 =	vld [tilespmem:s31+$0xB0]  }
0x244: {  	s1 =	simm.s32 $0x0;
	s0 =	simm.s32 $0xBC00;
	[tilespmem:s30+$0xFFFFFF30] =	vst v11;
	v11 =	vadd.f32 v15, v7;
	v7 =	vld [tilespmem:s30+$0xB0]  }
.LBB2_11:
0x245: {  	v12 =	vld [tilespmem:s0+$0xC0];
	v5 =	vadd.f32 v5, v10;
	s31 =	sadd.s32 $0x200, s31  }
0x246: {  	s1 =	sadd.s32 $0x8, s1;
	v10 =	vld [tilespmem:s31+$0xC0];
	[tilespmem:s30+$0xFFFFFF70] =	vst v11;
	v2 =	vadd.f32 v2, v9  }
0x247: {  	p0 =	slt.u32 s1, $0x78;
	v9 =	vld [tilespmem:s31+$0xFFFFFF00];
	[tilespmem:s30+$0xFFFFFFB0] =	vst v5;
	v3 =	vadd.f32 v3, v8  }
0x248: {  	v5 =	vld [tilespmem:s0+$0xFFFFFF40];
	[tilespmem:s30+$0xFFFFFFF0] =	vst v2;
	v2 =	vadd.f32 v4, v6  }
0x249: {  	v4 =	vld [tilespmem:s31+$0xFFFFFF40];
	[tilespmem:s30+$0x30] =	vst v3;
	v1 =	vadd.f32 v1, v7  }
0x24a: {  	v3 =	vld [tilespmem:s0+$0xFFFFFF80];
	[tilespmem:s30+$0x70] =	vst v2  }
0x24b: {  	v2 =	vld [tilespmem:s31+$0xFFFFFF80];
	v6 =	vadd.f32 v10, v12;
	[tilespmem:s30+$0xB0] =	vst v1;
	s30 =	smov.u32 s0  }
0x24c: {  	v1 =	vld [tilespmem:s0+$0xFFFFFFC0]  }
0x24d: {  	[tilespmem:s0+$0xC0] =	vst v6;
	v6 =	vld [tilespmem:s0+$0xD0]  }
0x24e: {  	v4 =	vadd.f32 v4, v5;
	v5 =	vld [tilespmem:s31+$0xD0]  }
0x24f: {  	v7 =	vld [tilespmem:s31+$0xFFFFFFC0]  }
0x250: {  	[tilespmem:s0+$0xFFFFFF40] =	vst v4;
	v2 =	vadd.f32 v2, v3;
	v3 =	vld [tilespmem:s0+$0x0]  }
0x251: {  	v4 =	vld [tilespmem:s31+$0x0]  }
0x252: {  	[tilespmem:s0+$0xFFFFFF80] =	vst v2;
	v2 =	vld [tilespmem:s0+$0x40]  }
0x253: {  	v8 =	vld [tilespmem:s31+$0x40];
	v5 =	vadd.f32 v5, v6  }
0x254: {  	v1 =	vadd.f32 v7, v1;
	v6 =	vld [tilespmem:s0+$0x80]  }
0x255: {  	[tilespmem:s0+$0xD0] =	vst v5;
	v5 =	vld [tilespmem:s0+$0xE0]  }
0x256: {  	[tilespmem:s0+$0xFFFFFFC0] =	vst v1;
	v1 =	vadd.f32 v4, v3;
	v3 =	vld [tilespmem:s31+$0xE0]  }
0x257: {  	v4 =	vld [tilespmem:s31+$0x80]  }
0x258: {  	v7 =	vld [tilespmem:s0+$0xFFFFFF00];
	[tilespmem:s0+$0x0] =	vst v1;
	v1 =	vadd.f32 v8, v2  }
0x259: {  	v2 =	vld [tilespmem:s31+$0xFFFFFF50]  }
0x25a: {  	v8 =	vld [tilespmem:s31+$0xFFFFFF90];
	[tilespmem:s0+$0x40] =	vst v1  }
0x25b: {  	v1 =	vld [tilespmem:s31+$0xFFFFFFD0];
	v3 =	vadd.f32 v3, v5  }
0x25c: {  	v5 =	vld [tilespmem:s31+$0x10];
	v4 =	vadd.f32 v4, v6  }
0x25d: {  	v6 =	vadd.f32 v9, v7;
	[tilespmem:s0+$0xE0] =	vst v3;
	v3 =	vld [tilespmem:s0+$0xF0]  }
0x25e: {  	[tilespmem:s0+$0x80] =	vst v4;
	v4 =	vld [tilespmem:s31+$0xF0]  }
0x25f: {  	[tilespmem:s0+$0xFFFFFF00] =	vst v6;
	v6 =	vld [tilespmem:s31+$0x50]  }
0x260: {  	v7 =	vld [tilespmem:s31+$0xFFFFFF10]  }
0x261: {  	v9 =	vld [tilespmem:s31+$0x90]  }
0x262: {  	v10 =	vld [tilespmem:s0+$0xFFFFFF10]  }
0x263: {  	v11 =	vld [tilespmem:s0+$0xFFFFFF50];
	v3 =	vadd.f32 v4, v3  }
0x264: {  	v4 =	vld [tilespmem:s0+$0xFFFFFF90]  }
0x265: {  	v12 =	vld [tilespmem:s0+$0xFFFFFFD0];
	[tilespmem:s0+$0xF0] =	vst v3  }
0x266: {  	v3 =	vld [tilespmem:s0+$0x10]  }
0x267: {  	v7 =	vadd.f32 v7, v10;
	v10 =	vld [tilespmem:s0+$0x50]  }
0x268: {  	v2 =	vadd.f32 v2, v11;
	v11 =	vld [tilespmem:s0+$0x90]  }
0x269: {  	[tilespmem:s0+$0xFFFFFF10] =	vst v7;
	v7 =	vld [tilespmem:s0+$0xFFFFFF20];
	v4 =	vadd.f32 v8, v4  }
0x26a: {  	v8 =	vld [tilespmem:s31+$0xFFFFFF20];
	[tilespmem:s0+$0xFFFFFF50] =	vst v2;
	v1 =	vadd.f32 v1, v12  }
0x26b: {  	v2 =	vld [tilespmem:s31+$0xFFFFFF60];
	[tilespmem:s0+$0xFFFFFF90] =	vst v4;
	v3 =	vadd.f32 v5, v3  }
0x26c: {  	v4 =	vld [tilespmem:s31+$0xFFFFFFA0];
	[tilespmem:s0+$0xFFFFFFD0] =	vst v1;
	v1 =	vadd.f32 v6, v10  }
0x26d: {  	v5 =	vld [tilespmem:s31+$0xFFFFFFE0];
	[tilespmem:s0+$0x10] =	vst v3;
	v3 =	vadd.f32 v9, v11  }
0x26e: {  	v6 =	vld [tilespmem:s31+$0x20];
	[tilespmem:s0+$0x50] =	vst v1  }
0x26f: {  	v1 =	vadd.f32 v8, v7;
	v7 =	vld [tilespmem:s31+$0x60];
	[tilespmem:s0+$0x90] =	vst v3  }
0x270: {  	v3 =	vld [tilespmem:s31+$0xA0]  }
0x271: {  	[tilespmem:s0+$0xFFFFFF20] =	vst v1;
	v1 =	vld [tilespmem:s0+$0xFFFFFF60]  }
0x272: {  	v8 =	vld [tilespmem:s0+$0xFFFFFFA0]  }
0x273: {  	v9 =	vld [tilespmem:s0+$0xFFFFFFE0]  }
0x274: {  	v10 =	vld [tilespmem:s0+$0x20]  }
0x275: {  	v11 =	vld [tilespmem:s0+$0x60]  }
0x276: {  	v1 =	vadd.f32 v2, v1;
	v12 =	vld [tilespmem:s0+$0xA0]  }
0x277: {  	v13 =	vld [tilespmem:s31+$0xFFFFFF30];
	v2 =	vadd.f32 v4, v8  }
0x278: {  	v4 =	vld [tilespmem:s0+$0xFFFFFF30];
	[tilespmem:s0+$0xFFFFFF60] =	vst v1;
	v1 =	vadd.f32 v5, v9  }
0x279: {  	v14 =	vld [tilespmem:s31+$0xFFFFFF70];
	[tilespmem:s0+$0xFFFFFFA0] =	vst v2;
	v6 =	vadd.f32 v6, v10  }
0x27a: {  	v5 =	vld [tilespmem:s31+$0xFFFFFFB0];
	[tilespmem:s0+$0xFFFFFFE0] =	vst v1;
	v1 =	vadd.f32 v7, v11  }
0x27b: {  	v2 =	vld [tilespmem:s31+$0xFFFFFFF0];
	[tilespmem:s0+$0x20] =	vst v6;
	v6 =	vadd.f32 v3, v12  }
0x27c: {  	v3 =	vld [tilespmem:s31+$0x30];
	[tilespmem:s0+$0x60] =	vst v1  }
0x27d: {  	v7 =	vadd.f32 v13, v4;
	v4 =	vld [tilespmem:s31+$0x70];
	[tilespmem:s0+$0xA0] =	vst v6  }
0x27e: {  	v1 =	vld [tilespmem:s31+$0xB0]  }
0x27f: {  	[tilespmem:s0+$0xFFFFFF30] =	vst v7;
	v7 =	vld [tilespmem:s0+$0xFFFFFF70]  }
.Ltmp4:
0x280: {  	v10 =	vld [tilespmem:s0+$0xFFFFFFB0];
	(pc) =	sbr.rel @p0 .LBB2_11-.Ltmp4, $4  }
0x281: {  	v9 =	vld [tilespmem:s0+$0xFFFFFFF0]  }
0x282: {  	v8 =	vld [tilespmem:s0+$0x30]  }
0x283: {  	v6 =	vld [tilespmem:s0+$0x70]  }
0x284: {  	s0 =	sadd.s32 $0x200, s0;
	v11 =	vadd.f32 v14, v7;
	v7 =	vld [tilespmem:s30+$0xB0]  }
0x285: {  	v5 =	vadd.f32 v5, v10  }
0x286: {  	[tilespmem:s30+$0xFFFFFF70] =	vst v11;
	v2 =	vadd.f32 v2, v9  }
0x287: {  	[tilespmem:s30+$0xFFFFFFB0] =	vst v5;
	v3 =	vadd.f32 v3, v8  }
0x288: {  	[tilespmem:s30+$0xFFFFFFF0] =	vst v2;
	v2 =	vadd.f32 v4, v6  }
0x289: {  	[tilespmem:s30+$0x30] =	vst v3;
	v1 =	vadd.f32 v1, v7  }
0x28a: {  	[tilespmem:s30+$0x70] =	vst v2  }
0x28b: {  	s0 =	sadd.s32 $0x400, s29;
	[tilespmem:s30+$0xB0] =	vst v1  }
0x28c: {  	[tilespmem:s16], [sflag:$0x4] =	stream.indirect.gather [hbm4b:s3+s10], $0x40, s0, s10, $0xb8;
	[tilespmem:$0xD900] =	vst v63  }
0x28d: {  	_ =	swait.ge [sflag:s24], $0x2000  }
0x28e: {  	[sflag:s24] =	ssyncset.done $0x0  }
0x28f: {  	s30 =	simm.s32 $0xBA00;
	[sflag:s24] =	ssyncadd.s32 $0xFFFFE000  }
0x290: {  	s31 =	simm.s32 $0x9A00;
	v1 =	vld [tilespmem:s30+$0xC0]  }
0x291: {  	v2 =	vld [tilespmem:s31+$0xC0]  }
0x292: {  	v3 =	vld [tilespmem:s31+$0xFFFFFF00]  }
0x293: {  	v4 =	vld [tilespmem:s30+$0xFFFFFF40]  }
0x294: {  	v5 =	vld [tilespmem:s30+$0xFFFFFF80]  }
0x295: {  	v7 =	vld [tilespmem:s31+$0xFFFFFF80]  }
0x296: {  	v8 =	vld [tilespmem:s30+$0xFFFFFFC0]  }
0x297: {  	v9 =	vld [tilespmem:s31+$0xFFFFFFC0]  }
0x298: {  	v10 =	vld [tilespmem:s30+$0x0]  }
0x299: {  	v11 =	vld [tilespmem:s31+$0x0]  }
0x29a: {  	v12 =	vld [tilespmem:s31+$0x40]  }
0x29b: {  	v57 =	vld [tilespmem:s30+$0xFFFFFF90]  }
0x29c: {  	v58 =	vld [tilespmem:s30+$0xFFFFFFD0]  }
0x29d: {  	v14 =	vld [tilespmem:s30+$0x10]  }
0x29e: {  	v60 =	vld [tilespmem:s30+$0xFFFFFFE0];
	v1 =	vadd.f32 v2, v1  }
0x29f: {  	v2 =	vld [tilespmem:s31+$0xFFFFFF40]  }
0x2a0: {  	[tilespmem:s30+$0xC0] =	vst v1;
	v1 =	vld [tilespmem:s30+$0xD0]  }
0x2a1: {  	v6 =	vld [tilespmem:s31+$0xD0]  }
0x2a2: {  	v61 =	vld [tilespmem:s30+$0x20]  }
0x2a3: {  	v62 =	vld [tilespmem:s30+$0x60];
	v5 =	vadd.f32 v7, v5  }
0x2a4: {  	v63 =	vld [tilespmem:s30+$0xFFFFFF30];
	v2 =	vadd.f32 v2, v4  }
0x2a5: {  	v7 =	vld [tilespmem:s31+$0x80];
	[tilespmem:s30+$0xFFFFFF80] =	vst v5  }
0x2a6: {  	v5 =	vadd.f32 v11, v10;
	v11 =	vld [tilespmem:s30+$0xFFFFFF50];
	[tilespmem:s30+$0xFFFFFF40] =	vst v2;
	v1 =	vadd.f32 v6, v1  }
0x2a7: {  	v2 =	vadd.f32 v9, v8;
	v9 =	vld [tilespmem:s31+$0xFFFFFF50]  }
0x2a8: {  	[tilespmem:s30+$0xD0] =	vst v1;
	v1 =	vld [tilespmem:s30+$0xE0]  }
0x2a9: {  	v13 =	vld [tilespmem:s31+$0xE0]  }
0x2aa: {  	v4 =	vld [tilespmem:s30+$0x80]  }
0x2ab: {  	[tilespmem:s30+$0x0] =	vst v5;
	v8 =	vld [tilespmem:s30+$0xFFFFFF00]  }
0x2ac: {  	v10 =	vld [tilespmem:s31+$0x10]  }
0x2ad: {  	v6 =	vld [tilespmem:s30+$0x40];
	v9 =	vadd.f32 v9, v11  }
0x2ae: {  	[tilespmem:s30+$0xFFFFFFC0] =	vst v2;
	v2 =	vld [tilespmem:s31+$0xFFFFFF90];
	v1 =	vadd.f32 v13, v1  }
0x2af: {  	v5 =	vld [tilespmem:s31+$0xFFFFFFD0];
	[tilespmem:s30+$0xFFFFFF50] =	vst v9  }
0x2b0: {  	v11 =	vld [tilespmem:s30+$0x90];
	[tilespmem:s30+$0xE0] =	vst v1;
	v1 =	vadd.f32 v3, v8  }
0x2b1: {  	v9 =	vld [tilespmem:s31+$0xFFFFFF60];
	v3 =	vadd.f32 v7, v4  }
0x2b2: {  	v6 =	vadd.f32 v12, v6;
	v8 =	vld [tilespmem:s30+$0xF0];
	[tilespmem:s30+$0xFFFFFF00] =	vst v1  }
0x2b3: {  	v2 =	vadd.f32 v2, v57;
	[tilespmem:s30+$0x80] =	vst v3;
	v3 =	vld [tilespmem:s30+$0xFFFFFF10]  }
0x2b4: {  	[tilespmem:s30+$0x40] =	vst v6;
	v4 =	vld [tilespmem:s31+$0xFFFFFF10]  }
0x2b5: {  	[tilespmem:s30+$0xFFFFFF90] =	vst v2;
	v2 =	vadd.f32 v10, v14;
	v6 =	vld [tilespmem:s31+$0xF0]  }
0x2b6: {  	v5 =	vadd.f32 v5, v58;
	v10 =	vld [tilespmem:s31+$0xFFFFFFA0]  }
0x2b7: {  	[tilespmem:s30+$0x10] =	vst v2;
	v7 =	vld [tilespmem:s31+$0x90]  }
0x2b8: {  	[tilespmem:s30+$0xFFFFFFD0] =	vst v5;
	v5 =	vld [tilespmem:s31+$0x20]  }
0x2b9: {  	v1 =	vld [tilespmem:s31+$0x50];
	v3 =	vadd.f32 v4, v3  }
0x2ba: {  	v6 =	vadd.f32 v6, v8;
	v8 =	vld [tilespmem:s30+$0x30]  }
0x2bb: {  	[tilespmem:s30+$0xFFFFFF10] =	vst v3;
	v3 =	vld [tilespmem:s30+$0xFFFFFF20]  }
0x2bc: {  	v2 =	vadd.f32 v7, v11;
	v59 =	vld [tilespmem:s31+$0xFFFFFF20]  }
0x2bd: {  	v4 =	vld [tilespmem:s30+$0x50]  }
0x2be: {  	[tilespmem:s30+$0x90] =	vst v2;
	v2 =	vld [tilespmem:s30+$0xFFFFFF60]  }
0x2bf: {  	v11 =	vld [tilespmem:s30+$0xFFFFFFA0]  }
0x2c0: {  	[tilespmem:s30+$0xF0] =	vst v6;
	v6 =	vld [tilespmem:s30+$0x70]  }
0x2c1: {  	v7 =	vld [tilespmem:s31+$0xA0];
	v3 =	vadd.f32 v59, v3  }
0x2c2: {  	v1 =	vadd.f32 v1, v4;
	v4 =	vld [tilespmem:s31+$0xFFFFFFE0]  }
0x2c3: {  	v2 =	vadd.f32 v9, v2;
	[tilespmem:s30+$0xFFFFFF20] =	vst v3;
	v3 =	vld [tilespmem:s30+$0xA0]  }
0x2c4: {  	[tilespmem:s30+$0x50] =	vst v1;
	v9 =	vadd.f32 v10, v11;
	v10 =	vld [tilespmem:s30+$0xFFFFFFB0]  }
0x2c5: {  	v1 =	vld [tilespmem:s31+$0x60];
	[tilespmem:s30+$0xFFFFFF60] =	vst v2  }
0x2c6: {  	[tilespmem:s30+$0xFFFFFFA0] =	vst v9;
	v9 =	vld [tilespmem:s30+$0xFFFFFFF0]  }
0x2c7: {  	v2 =	vadd.f32 v4, v60;
	v15 =	vld [tilespmem:s31+$0xFFFFFF70]  }
0x2c8: {  	v11 =	vld [tilespmem:s31+$0xFFFFFF30];
	v7 =	vadd.f32 v7, v3  }
0x2c9: {  	v4 =	vadd.f32 v5, v61;
	v5 =	vld [tilespmem:s31+$0xFFFFFFB0];
	[tilespmem:s30+$0xFFFFFFE0] =	vst v2  }
0x2ca: {  	v1 =	vadd.f32 v1, v62;
	[tilespmem:s30+$0xA0] =	vst v7;
	v7 =	vld [tilespmem:s30+$0xFFFFFF70]  }
0x2cb: {  	[tilespmem:s30+$0x20] =	vst v4;
	v2 =	vld [tilespmem:s31+$0xFFFFFFF0]  }
0x2cc: {  	v3 =	vld [tilespmem:s31+$0x30];
	[tilespmem:s30+$0x60] =	vst v1  }
0x2cd: {  	v4 =	vld [tilespmem:s31+$0x70];
	v11 =	vadd.f32 v11, v63  }
0x2ce: {  	v1 =	vld [tilespmem:s31+$0xB0]  }
0x2cf: {  	s1 =	simm.s32 $0x0;
	s0 =	simm.s32 $0xBC00;
	[tilespmem:s30+$0xFFFFFF30] =	vst v11;
	v11 =	vadd.f32 v15, v7;
	v7 =	vld [tilespmem:s30+$0xB0]  }
.LBB2_13:
0x2d0: {  	v12 =	vld [tilespmem:s0+$0xC0];
	v5 =	vadd.f32 v5, v10;
	s31 =	sadd.s32 $0x200, s31  }
0x2d1: {  	s1 =	sadd.s32 $0x8, s1;
	v10 =	vld [tilespmem:s31+$0xC0];
	[tilespmem:s30+$0xFFFFFF70] =	vst v11;
	v2 =	vadd.f32 v2, v9  }
0x2d2: {  	p0 =	slt.u32 s1, $0x78;
	v9 =	vld [tilespmem:s31+$0xFFFFFF00];
	[tilespmem:s30+$0xFFFFFFB0] =	vst v5;
	v3 =	vadd.f32 v3, v8  }
0x2d3: {  	v5 =	vld [tilespmem:s0+$0xFFFFFF40];
	[tilespmem:s30+$0xFFFFFFF0] =	vst v2;
	v2 =	vadd.f32 v4, v6  }
0x2d4: {  	v4 =	vld [tilespmem:s31+$0xFFFFFF40];
	[tilespmem:s30+$0x30] =	vst v3;
	v1 =	vadd.f32 v1, v7  }
0x2d5: {  	v3 =	vld [tilespmem:s0+$0xFFFFFF80];
	[tilespmem:s30+$0x70] =	vst v2  }
0x2d6: {  	v2 =	vld [tilespmem:s31+$0xFFFFFF80];
	v6 =	vadd.f32 v10, v12;
	[tilespmem:s30+$0xB0] =	vst v1;
	s30 =	smov.u32 s0  }
0x2d7: {  	v1 =	vld [tilespmem:s0+$0xFFFFFFC0]  }
0x2d8: {  	[tilespmem:s0+$0xC0] =	vst v6;
	v6 =	vld [tilespmem:s0+$0xD0]  }
0x2d9: {  	v4 =	vadd.f32 v4, v5;
	v5 =	vld [tilespmem:s31+$0xD0]  }
0x2da: {  	v7 =	vld [tilespmem:s31+$0xFFFFFFC0]  }
0x2db: {  	[tilespmem:s0+$0xFFFFFF40] =	vst v4;
	v2 =	vadd.f32 v2, v3;
	v3 =	vld [tilespmem:s0+$0x0]  }
0x2dc: {  	v4 =	vld [tilespmem:s31+$0x0]  }
0x2dd: {  	[tilespmem:s0+$0xFFFFFF80] =	vst v2;
	v2 =	vld [tilespmem:s0+$0x40]  }
0x2de: {  	v8 =	vld [tilespmem:s31+$0x40];
	v5 =	vadd.f32 v5, v6  }
0x2df: {  	v1 =	vadd.f32 v7, v1;
	v6 =	vld [tilespmem:s0+$0x80]  }
0x2e0: {  	[tilespmem:s0+$0xD0] =	vst v5;
	v5 =	vld [tilespmem:s0+$0xE0]  }
0x2e1: {  	[tilespmem:s0+$0xFFFFFFC0] =	vst v1;
	v1 =	vadd.f32 v4, v3;
	v3 =	vld [tilespmem:s31+$0xE0]  }
0x2e2: {  	v4 =	vld [tilespmem:s31+$0x80]  }
0x2e3: {  	v7 =	vld [tilespmem:s0+$0xFFFFFF00];
	[tilespmem:s0+$0x0] =	vst v1;
	v1 =	vadd.f32 v8, v2  }
0x2e4: {  	v2 =	vld [tilespmem:s31+$0xFFFFFF50]  }
0x2e5: {  	v8 =	vld [tilespmem:s31+$0xFFFFFF90];
	[tilespmem:s0+$0x40] =	vst v1  }
0x2e6: {  	v1 =	vld [tilespmem:s31+$0xFFFFFFD0];
	v3 =	vadd.f32 v3, v5  }
0x2e7: {  	v5 =	vld [tilespmem:s31+$0x10];
	v4 =	vadd.f32 v4, v6  }
0x2e8: {  	v6 =	vadd.f32 v9, v7;
	[tilespmem:s0+$0xE0] =	vst v3;
	v3 =	vld [tilespmem:s0+$0xF0]  }
0x2e9: {  	[tilespmem:s0+$0x80] =	vst v4;
	v4 =	vld [tilespmem:s31+$0xF0]  }
0x2ea: {  	[tilespmem:s0+$0xFFFFFF00] =	vst v6;
	v6 =	vld [tilespmem:s31+$0x50]  }
0x2eb: {  	v7 =	vld [tilespmem:s31+$0xFFFFFF10]  }
0x2ec: {  	v9 =	vld [tilespmem:s31+$0x90]  }
0x2ed: {  	v10 =	vld [tilespmem:s0+$0xFFFFFF10]  }
0x2ee: {  	v11 =	vld [tilespmem:s0+$0xFFFFFF50];
	v3 =	vadd.f32 v4, v3  }
0x2ef: {  	v4 =	vld [tilespmem:s0+$0xFFFFFF90]  }
0x2f0: {  	v12 =	vld [tilespmem:s0+$0xFFFFFFD0];
	[tilespmem:s0+$0xF0] =	vst v3  }
0x2f1: {  	v3 =	vld [tilespmem:s0+$0x10]  }
0x2f2: {  	v7 =	vadd.f32 v7, v10;
	v10 =	vld [tilespmem:s0+$0x50]  }
0x2f3: {  	v2 =	vadd.f32 v2, v11;
	v11 =	vld [tilespmem:s0+$0x90]  }
0x2f4: {  	[tilespmem:s0+$0xFFFFFF10] =	vst v7;
	v7 =	vld [tilespmem:s0+$0xFFFFFF20];
	v4 =	vadd.f32 v8, v4  }
0x2f5: {  	v8 =	vld [tilespmem:s31+$0xFFFFFF20];
	[tilespmem:s0+$0xFFFFFF50] =	vst v2;
	v1 =	vadd.f32 v1, v12  }
0x2f6: {  	v2 =	vld [tilespmem:s31+$0xFFFFFF60];
	[tilespmem:s0+$0xFFFFFF90] =	vst v4;
	v3 =	vadd.f32 v5, v3  }
0x2f7: {  	v4 =	vld [tilespmem:s31+$0xFFFFFFA0];
	[tilespmem:s0+$0xFFFFFFD0] =	vst v1;
	v1 =	vadd.f32 v6, v10  }
0x2f8: {  	v5 =	vld [tilespmem:s31+$0xFFFFFFE0];
	[tilespmem:s0+$0x10] =	vst v3;
	v3 =	vadd.f32 v9, v11  }
0x2f9: {  	v6 =	vld [tilespmem:s31+$0x20];
	[tilespmem:s0+$0x50] =	vst v1  }
0x2fa: {  	v1 =	vadd.f32 v8, v7;
	v7 =	vld [tilespmem:s31+$0x60];
	[tilespmem:s0+$0x90] =	vst v3  }
0x2fb: {  	v3 =	vld [tilespmem:s31+$0xA0]  }
0x2fc: {  	[tilespmem:s0+$0xFFFFFF20] =	vst v1;
	v1 =	vld [tilespmem:s0+$0xFFFFFF60]  }
0x2fd: {  	v8 =	vld [tilespmem:s0+$0xFFFFFFA0]  }
0x2fe: {  	v9 =	vld [tilespmem:s0+$0xFFFFFFE0]  }
0x2ff: {  	v10 =	vld [tilespmem:s0+$0x20]  }
0x300: {  	v11 =	vld [tilespmem:s0+$0x60]  }
0x301: {  	v1 =	vadd.f32 v2, v1;
	v12 =	vld [tilespmem:s0+$0xA0]  }
0x302: {  	v13 =	vld [tilespmem:s31+$0xFFFFFF30];
	v2 =	vadd.f32 v4, v8  }
0x303: {  	v4 =	vld [tilespmem:s0+$0xFFFFFF30];
	[tilespmem:s0+$0xFFFFFF60] =	vst v1;
	v1 =	vadd.f32 v5, v9  }
0x304: {  	v14 =	vld [tilespmem:s31+$0xFFFFFF70];
	[tilespmem:s0+$0xFFFFFFA0] =	vst v2;
	v6 =	vadd.f32 v6, v10  }
0x305: {  	v5 =	vld [tilespmem:s31+$0xFFFFFFB0];
	[tilespmem:s0+$0xFFFFFFE0] =	vst v1;
	v1 =	vadd.f32 v7, v11  }
0x306: {  	v2 =	vld [tilespmem:s31+$0xFFFFFFF0];
	[tilespmem:s0+$0x20] =	vst v6;
	v6 =	vadd.f32 v3, v12  }
0x307: {  	v3 =	vld [tilespmem:s31+$0x30];
	[tilespmem:s0+$0x60] =	vst v1  }
0x308: {  	v7 =	vadd.f32 v13, v4;
	v4 =	vld [tilespmem:s31+$0x70];
	[tilespmem:s0+$0xA0] =	vst v6  }
0x309: {  	v1 =	vld [tilespmem:s31+$0xB0]  }
0x30a: {  	[tilespmem:s0+$0xFFFFFF30] =	vst v7;
	v7 =	vld [tilespmem:s0+$0xFFFFFF70]  }
.Ltmp5:
0x30b: {  	v10 =	vld [tilespmem:s0+$0xFFFFFFB0];
	(pc) =	sbr.rel @p0 .LBB2_13-.Ltmp5, $4  }
0x30c: {  	v9 =	vld [tilespmem:s0+$0xFFFFFFF0]  }
0x30d: {  	v8 =	vld [tilespmem:s0+$0x30]  }
0x30e: {  	v6 =	vld [tilespmem:s0+$0x70]  }
0x30f: {  	s0 =	sadd.s32 $0x200, s0;
	v11 =	vadd.f32 v14, v7;
	v7 =	vld [tilespmem:s30+$0xB0]  }
0x310: {  	v5 =	vadd.f32 v5, v10  }
0x311: {  	s28 =	sadd.s32 $0x1, s28;
	[tilespmem:s30+$0xFFFFFF70] =	vst v11;
	v2 =	vadd.f32 v2, v9  }
0x312: {  	p0 =	sne.s32 s28, $0x9;
	[tilespmem:s30+$0xFFFFFFB0] =	vst v5;
	v3 =	vadd.f32 v3, v8  }
.Ltmp6:
0x313: {  	[tilespmem:s30+$0xFFFFFFF0] =	vst v2;
	v2 =	vadd.f32 v4, v6;
	(pc) =	sbr.rel @p0 .LBB2_4-.Ltmp6, $4  }
0x314: {  	[tilespmem:s30+$0x30] =	vst v3;
	v1 =	vadd.f32 v1, v7  }
0x315: {  	[tilespmem:s30+$0x70] =	vst v2  }
0x316: {  	s0 =	sadd.s32 $0x480, s29;
	[tilespmem:s30+$0xB0] =	vst v1  }
0x317: {  	[tilespmem:s18], [sflag:$0x5] =	stream.indirect.gather [hbm4b:s3+s10], $0x40, s0, s10, $0xb8;
	[tilespmem:$0xD900] =	vst v63  }
0x318: {  	_ =	swait.ge [sflag:s20], $0x2000  }
0x319: {  	[sflag:s20] =	ssyncset.done $0x0  }
0x31a: {  	s28 =	simm.s32 $0xBA00;
	[sflag:s20] =	ssyncadd.s32 $0xFFFFE000  }
0x31b: {  	s29 =	simm.s32 $0x1A00;
	v1 =	vld [tilespmem:s28+$0xC0]  }
0x31c: {  	v2 =	vld [tilespmem:s29+$0xC0]  }
0x31d: {  	v3 =	vld [tilespmem:s29+$0xFFFFFF00]  }
0x31e: {  	v4 =	vld [tilespmem:s28+$0xFFFFFF40]  }
0x31f: {  	v5 =	vld [tilespmem:s28+$0xFFFFFF80]  }
0x320: {  	v7 =	vld [tilespmem:s29+$0xFFFFFF80]  }
0x321: {  	v8 =	vld [tilespmem:s28+$0xFFFFFFC0]  }
0x322: {  	v9 =	vld [tilespmem:s29+$0xFFFFFFC0]  }
0x323: {  	v10 =	vld [tilespmem:s28+$0x0]  }
0x324: {  	v11 =	vld [tilespmem:s29+$0x0]  }
0x325: {  	v12 =	vld [tilespmem:s29+$0x40]  }
0x326: {  	v57 =	vld [tilespmem:s28+$0xFFFFFF90]  }
0x327: {  	v58 =	vld [tilespmem:s28+$0xFFFFFFD0]  }
0x328: {  	v14 =	vld [tilespmem:s28+$0x10]  }
0x329: {  	v60 =	vld [tilespmem:s28+$0xFFFFFFE0];
	v1 =	vadd.f32 v2, v1  }
0x32a: {  	v2 =	vld [tilespmem:s29+$0xFFFFFF40]  }
0x32b: {  	[tilespmem:s28+$0xC0] =	vst v1;
	v1 =	vld [tilespmem:s28+$0xD0]  }
0x32c: {  	v6 =	vld [tilespmem:s29+$0xD0]  }
0x32d: {  	v61 =	vld [tilespmem:s28+$0x20]  }
0x32e: {  	v62 =	vld [tilespmem:s28+$0x60];
	v5 =	vadd.f32 v7, v5  }
0x32f: {  	v63 =	vld [tilespmem:s28+$0xFFFFFF30];
	v2 =	vadd.f32 v2, v4  }
0x330: {  	v7 =	vld [tilespmem:s29+$0x80];
	[tilespmem:s28+$0xFFFFFF80] =	vst v5  }
0x331: {  	v5 =	vadd.f32 v11, v10;
	v11 =	vld [tilespmem:s28+$0xFFFFFF50];
	[tilespmem:s28+$0xFFFFFF40] =	vst v2;
	v1 =	vadd.f32 v6, v1  }
0x332: {  	v2 =	vadd.f32 v9, v8;
	v9 =	vld [tilespmem:s29+$0xFFFFFF50]  }
0x333: {  	[tilespmem:s28+$0xD0] =	vst v1;
	v1 =	vld [tilespmem:s28+$0xE0]  }
0x334: {  	v13 =	vld [tilespmem:s29+$0xE0]  }
0x335: {  	v4 =	vld [tilespmem:s28+$0x80]  }
0x336: {  	[tilespmem:s28+$0x0] =	vst v5;
	v8 =	vld [tilespmem:s28+$0xFFFFFF00]  }
0x337: {  	v10 =	vld [tilespmem:s29+$0x10]  }
0x338: {  	v6 =	vld [tilespmem:s28+$0x40];
	v9 =	vadd.f32 v9, v11  }
0x339: {  	[tilespmem:s28+$0xFFFFFFC0] =	vst v2;
	v2 =	vld [tilespmem:s29+$0xFFFFFF90];
	v1 =	vadd.f32 v13, v1  }
0x33a: {  	v5 =	vld [tilespmem:s29+$0xFFFFFFD0];
	[tilespmem:s28+$0xFFFFFF50] =	vst v9  }
0x33b: {  	v11 =	vld [tilespmem:s28+$0x90];
	[tilespmem:s28+$0xE0] =	vst v1;
	v1 =	vadd.f32 v3, v8  }
0x33c: {  	v9 =	vld [tilespmem:s29+$0xFFFFFF60];
	v3 =	vadd.f32 v7, v4  }
0x33d: {  	v6 =	vadd.f32 v12, v6;
	v8 =	vld [tilespmem:s28+$0xF0];
	[tilespmem:s28+$0xFFFFFF00] =	vst v1  }
0x33e: {  	v2 =	vadd.f32 v2, v57;
	[tilespmem:s28+$0x80] =	vst v3;
	v3 =	vld [tilespmem:s28+$0xFFFFFF10]  }
0x33f: {  	[tilespmem:s28+$0x40] =	vst v6;
	v4 =	vld [tilespmem:s29+$0xFFFFFF10]  }
0x340: {  	[tilespmem:s28+$0xFFFFFF90] =	vst v2;
	v2 =	vadd.f32 v10, v14;
	v6 =	vld [tilespmem:s29+$0xF0]  }
0x341: {  	v5 =	vadd.f32 v5, v58;
	v10 =	vld [tilespmem:s29+$0xFFFFFFA0]  }
0x342: {  	[tilespmem:s28+$0x10] =	vst v2;
	v7 =	vld [tilespmem:s29+$0x90]  }
0x343: {  	[tilespmem:s28+$0xFFFFFFD0] =	vst v5;
	v5 =	vld [tilespmem:s29+$0x20]  }
0x344: {  	v1 =	vld [tilespmem:s29+$0x50];
	v3 =	vadd.f32 v4, v3  }
0x345: {  	v6 =	vadd.f32 v6, v8;
	v8 =	vld [tilespmem:s28+$0x30]  }
0x346: {  	[tilespmem:s28+$0xFFFFFF10] =	vst v3;
	v3 =	vld [tilespmem:s28+$0xFFFFFF20]  }
0x347: {  	v2 =	vadd.f32 v7, v11;
	v59 =	vld [tilespmem:s29+$0xFFFFFF20]  }
0x348: {  	v4 =	vld [tilespmem:s28+$0x50]  }
0x349: {  	[tilespmem:s28+$0x90] =	vst v2;
	v2 =	vld [tilespmem:s28+$0xFFFFFF60]  }
0x34a: {  	v11 =	vld [tilespmem:s28+$0xFFFFFFA0]  }
0x34b: {  	[tilespmem:s28+$0xF0] =	vst v6;
	v6 =	vld [tilespmem:s28+$0x70]  }
0x34c: {  	v7 =	vld [tilespmem:s29+$0xA0];
	v3 =	vadd.f32 v59, v3  }
0x34d: {  	v1 =	vadd.f32 v1, v4;
	v4 =	vld [tilespmem:s29+$0xFFFFFFE0]  }
0x34e: {  	v2 =	vadd.f32 v9, v2;
	[tilespmem:s28+$0xFFFFFF20] =	vst v3;
	v3 =	vld [tilespmem:s28+$0xA0]  }
0x34f: {  	[tilespmem:s28+$0x50] =	vst v1;
	v9 =	vadd.f32 v10, v11;
	v10 =	vld [tilespmem:s28+$0xFFFFFFB0]  }
0x350: {  	v1 =	vld [tilespmem:s29+$0x60];
	[tilespmem:s28+$0xFFFFFF60] =	vst v2  }
0x351: {  	[tilespmem:s28+$0xFFFFFFA0] =	vst v9;
	v9 =	vld [tilespmem:s28+$0xFFFFFFF0]  }
0x352: {  	v2 =	vadd.f32 v4, v60;
	v15 =	vld [tilespmem:s29+$0xFFFFFF70]  }
0x353: {  	v11 =	vld [tilespmem:s29+$0xFFFFFF30];
	v7 =	vadd.f32 v7, v3  }
0x354: {  	v4 =	vadd.f32 v5, v61;
	v5 =	vld [tilespmem:s29+$0xFFFFFFB0];
	[tilespmem:s28+$0xFFFFFFE0] =	vst v2  }
0x355: {  	v1 =	vadd.f32 v1, v62;
	[tilespmem:s28+$0xA0] =	vst v7;
	v7 =	vld [tilespmem:s28+$0xFFFFFF70]  }
0x356: {  	[tilespmem:s28+$0x20] =	vst v4;
	v2 =	vld [tilespmem:s29+$0xFFFFFFF0]  }
0x357: {  	v3 =	vld [tilespmem:s29+$0x30];
	[tilespmem:s28+$0x60] =	vst v1  }
0x358: {  	v4 =	vld [tilespmem:s29+$0x70];
	v11 =	vadd.f32 v11, v63  }
0x359: {  	v1 =	vld [tilespmem:s29+$0xB0]  }
0x35a: {  	s1 =	simm.s32 $0x0;
	s0 =	simm.s32 $0xBC00;
	[tilespmem:s28+$0xFFFFFF30] =	vst v11;
	v11 =	vadd.f32 v15, v7;
	v7 =	vld [tilespmem:s28+$0xB0]  }
.LBB2_16:
0x35b: {  	v12 =	vld [tilespmem:s0+$0xC0];
	v5 =	vadd.f32 v5, v10;
	s29 =	sadd.s32 $0x200, s29  }
0x35c: {  	s1 =	sadd.s32 $0x8, s1;
	v10 =	vld [tilespmem:s29+$0xC0];
	[tilespmem:s28+$0xFFFFFF70] =	vst v11;
	v2 =	vadd.f32 v2, v9  }
0x35d: {  	p0 =	slt.u32 s1, $0x78;
	v9 =	vld [tilespmem:s29+$0xFFFFFF00];
	[tilespmem:s28+$0xFFFFFFB0] =	vst v5;
	v3 =	vadd.f32 v3, v8  }
0x35e: {  	v5 =	vld [tilespmem:s0+$0xFFFFFF40];
	[tilespmem:s28+$0xFFFFFFF0] =	vst v2;
	v2 =	vadd.f32 v4, v6  }
0x35f: {  	v4 =	vld [tilespmem:s29+$0xFFFFFF40];
	[tilespmem:s28+$0x30] =	vst v3;
	v1 =	vadd.f32 v1, v7  }
0x360: {  	v3 =	vld [tilespmem:s0+$0xFFFFFF80];
	[tilespmem:s28+$0x70] =	vst v2  }
0x361: {  	v2 =	vld [tilespmem:s29+$0xFFFFFF80];
	v6 =	vadd.f32 v10, v12;
	[tilespmem:s28+$0xB0] =	vst v1;
	s28 =	smov.u32 s0  }
0x362: {  	v1 =	vld [tilespmem:s0+$0xFFFFFFC0]  }
0x363: {  	[tilespmem:s0+$0xC0] =	vst v6;
	v6 =	vld [tilespmem:s0+$0xD0]  }
0x364: {  	v4 =	vadd.f32 v4, v5;
	v5 =	vld [tilespmem:s29+$0xD0]  }
0x365: {  	v7 =	vld [tilespmem:s29+$0xFFFFFFC0]  }
0x366: {  	[tilespmem:s0+$0xFFFFFF40] =	vst v4;
	v2 =	vadd.f32 v2, v3;
	v3 =	vld [tilespmem:s0+$0x0]  }
0x367: {  	v4 =	vld [tilespmem:s29+$0x0]  }
0x368: {  	[tilespmem:s0+$0xFFFFFF80] =	vst v2;
	v2 =	vld [tilespmem:s0+$0x40]  }
0x369: {  	v8 =	vld [tilespmem:s29+$0x40];
	v5 =	vadd.f32 v5, v6  }
0x36a: {  	v1 =	vadd.f32 v7, v1;
	v6 =	vld [tilespmem:s0+$0x80]  }
0x36b: {  	[tilespmem:s0+$0xD0] =	vst v5;
	v5 =	vld [tilespmem:s0+$0xE0]  }
0x36c: {  	[tilespmem:s0+$0xFFFFFFC0] =	vst v1;
	v1 =	vadd.f32 v4, v3;
	v3 =	vld [tilespmem:s29+$0xE0]  }
0x36d: {  	v4 =	vld [tilespmem:s29+$0x80]  }
0x36e: {  	v7 =	vld [tilespmem:s0+$0xFFFFFF00];
	[tilespmem:s0+$0x0] =	vst v1;
	v1 =	vadd.f32 v8, v2  }
0x36f: {  	v2 =	vld [tilespmem:s29+$0xFFFFFF50]  }
0x370: {  	v8 =	vld [tilespmem:s29+$0xFFFFFF90];
	[tilespmem:s0+$0x40] =	vst v1  }
0x371: {  	v1 =	vld [tilespmem:s29+$0xFFFFFFD0];
	v3 =	vadd.f32 v3, v5  }
0x372: {  	v5 =	vld [tilespmem:s29+$0x10];
	v4 =	vadd.f32 v4, v6  }
0x373: {  	v6 =	vadd.f32 v9, v7;
	[tilespmem:s0+$0xE0] =	vst v3;
	v3 =	vld [tilespmem:s0+$0xF0]  }
0x374: {  	[tilespmem:s0+$0x80] =	vst v4;
	v4 =	vld [tilespmem:s29+$0xF0]  }
0x375: {  	[tilespmem:s0+$0xFFFFFF00] =	vst v6;
	v6 =	vld [tilespmem:s29+$0x50]  }
0x376: {  	v7 =	vld [tilespmem:s29+$0xFFFFFF10]  }
0x377: {  	v9 =	vld [tilespmem:s29+$0x90]  }
0x378: {  	v10 =	vld [tilespmem:s0+$0xFFFFFF10]  }
0x379: {  	v11 =	vld [tilespmem:s0+$0xFFFFFF50];
	v3 =	vadd.f32 v4, v3  }
0x37a: {  	v4 =	vld [tilespmem:s0+$0xFFFFFF90]  }
0x37b: {  	v12 =	vld [tilespmem:s0+$0xFFFFFFD0];
	[tilespmem:s0+$0xF0] =	vst v3  }
0x37c: {  	v3 =	vld [tilespmem:s0+$0x10]  }
0x37d: {  	v7 =	vadd.f32 v7, v10;
	v10 =	vld [tilespmem:s0+$0x50]  }
0x37e: {  	v2 =	vadd.f32 v2, v11;
	v11 =	vld [tilespmem:s0+$0x90]  }
0x37f: {  	[tilespmem:s0+$0xFFFFFF10] =	vst v7;
	v7 =	vld [tilespmem:s0+$0xFFFFFF20];
	v4 =	vadd.f32 v8, v4  }
0x380: {  	v8 =	vld [tilespmem:s29+$0xFFFFFF20];
	[tilespmem:s0+$0xFFFFFF50] =	vst v2;
	v1 =	vadd.f32 v1, v12  }
0x381: {  	v2 =	vld [tilespmem:s29+$0xFFFFFF60];
	[tilespmem:s0+$0xFFFFFF90] =	vst v4;
	v3 =	vadd.f32 v5, v3  }
0x382: {  	v4 =	vld [tilespmem:s29+$0xFFFFFFA0];
	[tilespmem:s0+$0xFFFFFFD0] =	vst v1;
	v1 =	vadd.f32 v6, v10  }
0x383: {  	v5 =	vld [tilespmem:s29+$0xFFFFFFE0];
	[tilespmem:s0+$0x10] =	vst v3;
	v3 =	vadd.f32 v9, v11  }
0x384: {  	v6 =	vld [tilespmem:s29+$0x20];
	[tilespmem:s0+$0x50] =	vst v1  }
0x385: {  	v1 =	vadd.f32 v8, v7;
	v7 =	vld [tilespmem:s29+$0x60];
	[tilespmem:s0+$0x90] =	vst v3  }
0x386: {  	v3 =	vld [tilespmem:s29+$0xA0]  }
0x387: {  	[tilespmem:s0+$0xFFFFFF20] =	vst v1;
	v1 =	vld [tilespmem:s0+$0xFFFFFF60]  }
0x388: {  	v8 =	vld [tilespmem:s0+$0xFFFFFFA0]  }
0x389: {  	v9 =	vld [tilespmem:s0+$0xFFFFFFE0]  }
0x38a: {  	v10 =	vld [tilespmem:s0+$0x20]  }
0x38b: {  	v11 =	vld [tilespmem:s0+$0x60]  }
0x38c: {  	v1 =	vadd.f32 v2, v1;
	v12 =	vld [tilespmem:s0+$0xA0]  }
0x38d: {  	v13 =	vld [tilespmem:s29+$0xFFFFFF30];
	v2 =	vadd.f32 v4, v8  }
0x38e: {  	v4 =	vld [tilespmem:s0+$0xFFFFFF30];
	[tilespmem:s0+$0xFFFFFF60] =	vst v1;
	v1 =	vadd.f32 v5, v9  }
0x38f: {  	v14 =	vld [tilespmem:s29+$0xFFFFFF70];
	[tilespmem:s0+$0xFFFFFFA0] =	vst v2;
	v6 =	vadd.f32 v6, v10  }
0x390: {  	v5 =	vld [tilespmem:s29+$0xFFFFFFB0];
	[tilespmem:s0+$0xFFFFFFE0] =	vst v1;
	v1 =	vadd.f32 v7, v11  }
0x391: {  	v2 =	vld [tilespmem:s29+$0xFFFFFFF0];
	[tilespmem:s0+$0x20] =	vst v6;
	v6 =	vadd.f32 v3, v12  }
0x392: {  	v3 =	vld [tilespmem:s29+$0x30];
	[tilespmem:s0+$0x60] =	vst v1  }
0x393: {  	v7 =	vadd.f32 v13, v4;
	v4 =	vld [tilespmem:s29+$0x70];
	[tilespmem:s0+$0xA0] =	vst v6  }
0x394: {  	v1 =	vld [tilespmem:s29+$0xB0]  }
0x395: {  	[tilespmem:s0+$0xFFFFFF30] =	vst v7;
	v7 =	vld [tilespmem:s0+$0xFFFFFF70]  }
.Ltmp7:
0x396: {  	v10 =	vld [tilespmem:s0+$0xFFFFFFB0];
	(pc) =	sbr.rel @p0 .LBB2_16-.Ltmp7, $4  }
0x397: {  	v9 =	vld [tilespmem:s0+$0xFFFFFFF0]  }
0x398: {  	v8 =	vld [tilespmem:s0+$0x30]  }
0x399: {  	v6 =	vld [tilespmem:s0+$0x70]  }
0x39a: {  	s0 =	sadd.s32 $0x200, s0;
	v11 =	vadd.f32 v14, v7;
	v7 =	vld [tilespmem:s28+$0xB0]  }
0x39b: {  	v5 =	vadd.f32 v5, v10  }
0x39c: {  	[tilespmem:s28+$0xFFFFFF70] =	vst v11;
	v2 =	vadd.f32 v2, v9  }
0x39d: {  	[tilespmem:s28+$0xFFFFFFB0] =	vst v5;
	v3 =	vadd.f32 v3, v8  }
0x39e: {  	[tilespmem:s28+$0xFFFFFFF0] =	vst v2;
	v2 =	vadd.f32 v4, v6  }
0x39f: {  	[tilespmem:s28+$0x30] =	vst v3;
	v1 =	vadd.f32 v1, v7  }
0x3a0: {  	[tilespmem:s28+$0x70] =	vst v2  }
0x3a1: {  	[tilespmem:s28+$0xB0] =	vst v1  }
0x3a2: {  	_ =	swait.ge [sflag:s21], $0x2000  }
0x3a3: {  	[sflag:s21] =	ssyncset.done $0x0  }
0x3a4: {  	s28 =	simm.s32 $0xBA00;
	[sflag:s21] =	ssyncadd.s32 $0xFFFFE000  }
0x3a5: {  	s29 =	simm.s32 $0x3A00;
	v1 =	vld [tilespmem:s28+$0xC0]  }
0x3a6: {  	v2 =	vld [tilespmem:s29+$0xC0]  }
0x3a7: {  	v3 =	vld [tilespmem:s29+$0xFFFFFF00]  }
0x3a8: {  	v4 =	vld [tilespmem:s28+$0xFFFFFF40]  }
0x3a9: {  	v5 =	vld [tilespmem:s28+$0xFFFFFF80]  }
0x3aa: {  	v7 =	vld [tilespmem:s29+$0xFFFFFF80]  }
0x3ab: {  	v8 =	vld [tilespmem:s28+$0xFFFFFFC0]  }
0x3ac: {  	v9 =	vld [tilespmem:s29+$0xFFFFFFC0]  }
0x3ad: {  	v10 =	vld [tilespmem:s28+$0x0]  }
0x3ae: {  	v11 =	vld [tilespmem:s29+$0x0]  }
0x3af: {  	v12 =	vld [tilespmem:s29+$0x40]  }
0x3b0: {  	v57 =	vld [tilespmem:s28+$0xFFFFFF90]  }
0x3b1: {  	v58 =	vld [tilespmem:s28+$0xFFFFFFD0]  }
0x3b2: {  	v14 =	vld [tilespmem:s28+$0x10]  }
0x3b3: {  	v60 =	vld [tilespmem:s28+$0xFFFFFFE0];
	v1 =	vadd.f32 v2, v1  }
0x3b4: {  	v2 =	vld [tilespmem:s29+$0xFFFFFF40]  }
0x3b5: {  	[tilespmem:s28+$0xC0] =	vst v1;
	v1 =	vld [tilespmem:s28+$0xD0]  }
0x3b6: {  	v6 =	vld [tilespmem:s29+$0xD0]  }
0x3b7: {  	v61 =	vld [tilespmem:s28+$0x20]  }
0x3b8: {  	v62 =	vld [tilespmem:s28+$0x60];
	v5 =	vadd.f32 v7, v5  }
0x3b9: {  	v63 =	vld [tilespmem:s28+$0xFFFFFF30];
	v2 =	vadd.f32 v2, v4  }
0x3ba: {  	v7 =	vld [tilespmem:s29+$0x80];
	[tilespmem:s28+$0xFFFFFF80] =	vst v5  }
0x3bb: {  	v5 =	vadd.f32 v11, v10;
	v11 =	vld [tilespmem:s28+$0xFFFFFF50];
	[tilespmem:s28+$0xFFFFFF40] =	vst v2;
	v1 =	vadd.f32 v6, v1  }
0x3bc: {  	v2 =	vadd.f32 v9, v8;
	v9 =	vld [tilespmem:s29+$0xFFFFFF50]  }
0x3bd: {  	[tilespmem:s28+$0xD0] =	vst v1;
	v1 =	vld [tilespmem:s28+$0xE0]  }
0x3be: {  	v13 =	vld [tilespmem:s29+$0xE0]  }
0x3bf: {  	v4 =	vld [tilespmem:s28+$0x80]  }
0x3c0: {  	[tilespmem:s28+$0x0] =	vst v5;
	v8 =	vld [tilespmem:s28+$0xFFFFFF00]  }
0x3c1: {  	v10 =	vld [tilespmem:s29+$0x10]  }
0x3c2: {  	v6 =	vld [tilespmem:s28+$0x40];
	v9 =	vadd.f32 v9, v11  }
0x3c3: {  	[tilespmem:s28+$0xFFFFFFC0] =	vst v2;
	v2 =	vld [tilespmem:s29+$0xFFFFFF90];
	v1 =	vadd.f32 v13, v1  }
0x3c4: {  	v5 =	vld [tilespmem:s29+$0xFFFFFFD0];
	[tilespmem:s28+$0xFFFFFF50] =	vst v9  }
0x3c5: {  	v11 =	vld [tilespmem:s28+$0x90];
	[tilespmem:s28+$0xE0] =	vst v1;
	v1 =	vadd.f32 v3, v8  }
0x3c6: {  	v9 =	vld [tilespmem:s29+$0xFFFFFF60];
	v3 =	vadd.f32 v7, v4  }
0x3c7: {  	v6 =	vadd.f32 v12, v6;
	v8 =	vld [tilespmem:s28+$0xF0];
	[tilespmem:s28+$0xFFFFFF00] =	vst v1  }
0x3c8: {  	v2 =	vadd.f32 v2, v57;
	[tilespmem:s28+$0x80] =	vst v3;
	v3 =	vld [tilespmem:s28+$0xFFFFFF10]  }
0x3c9: {  	[tilespmem:s28+$0x40] =	vst v6;
	v4 =	vld [tilespmem:s29+$0xFFFFFF10]  }
0x3ca: {  	[tilespmem:s28+$0xFFFFFF90] =	vst v2;
	v2 =	vadd.f32 v10, v14;
	v6 =	vld [tilespmem:s29+$0xF0]  }
0x3cb: {  	v5 =	vadd.f32 v5, v58;
	v10 =	vld [tilespmem:s29+$0xFFFFFFA0]  }
0x3cc: {  	[tilespmem:s28+$0x10] =	vst v2;
	v7 =	vld [tilespmem:s29+$0x90]  }
0x3cd: {  	[tilespmem:s28+$0xFFFFFFD0] =	vst v5;
	v5 =	vld [tilespmem:s29+$0x20]  }
0x3ce: {  	v1 =	vld [tilespmem:s29+$0x50];
	v3 =	vadd.f32 v4, v3  }
0x3cf: {  	v6 =	vadd.f32 v6, v8;
	v8 =	vld [tilespmem:s28+$0x30]  }
0x3d0: {  	[tilespmem:s28+$0xFFFFFF10] =	vst v3;
	v3 =	vld [tilespmem:s28+$0xFFFFFF20]  }
0x3d1: {  	v2 =	vadd.f32 v7, v11;
	v59 =	vld [tilespmem:s29+$0xFFFFFF20]  }
0x3d2: {  	v4 =	vld [tilespmem:s28+$0x50]  }
0x3d3: {  	[tilespmem:s28+$0x90] =	vst v2;
	v2 =	vld [tilespmem:s28+$0xFFFFFF60]  }
0x3d4: {  	v11 =	vld [tilespmem:s28+$0xFFFFFFA0]  }
0x3d5: {  	[tilespmem:s28+$0xF0] =	vst v6;
	v6 =	vld [tilespmem:s28+$0x70]  }
0x3d6: {  	v7 =	vld [tilespmem:s29+$0xA0];
	v3 =	vadd.f32 v59, v3  }
0x3d7: {  	v1 =	vadd.f32 v1, v4;
	v4 =	vld [tilespmem:s29+$0xFFFFFFE0]  }
0x3d8: {  	v2 =	vadd.f32 v9, v2;
	[tilespmem:s28+$0xFFFFFF20] =	vst v3;
	v3 =	vld [tilespmem:s28+$0xA0]  }
0x3d9: {  	[tilespmem:s28+$0x50] =	vst v1;
	v9 =	vadd.f32 v10, v11;
	v10 =	vld [tilespmem:s28+$0xFFFFFFB0]  }
0x3da: {  	v1 =	vld [tilespmem:s29+$0x60];
	[tilespmem:s28+$0xFFFFFF60] =	vst v2  }
0x3db: {  	[tilespmem:s28+$0xFFFFFFA0] =	vst v9;
	v9 =	vld [tilespmem:s28+$0xFFFFFFF0]  }
0x3dc: {  	v2 =	vadd.f32 v4, v60;
	v15 =	vld [tilespmem:s29+$0xFFFFFF70]  }
0x3dd: {  	v11 =	vld [tilespmem:s29+$0xFFFFFF30];
	v7 =	vadd.f32 v7, v3  }
0x3de: {  	v4 =	vadd.f32 v5, v61;
	v5 =	vld [tilespmem:s29+$0xFFFFFFB0];
	[tilespmem:s28+$0xFFFFFFE0] =	vst v2  }
0x3df: {  	v1 =	vadd.f32 v1, v62;
	[tilespmem:s28+$0xA0] =	vst v7;
	v7 =	vld [tilespmem:s28+$0xFFFFFF70]  }
0x3e0: {  	[tilespmem:s28+$0x20] =	vst v4;
	v2 =	vld [tilespmem:s29+$0xFFFFFFF0]  }
0x3e1: {  	v3 =	vld [tilespmem:s29+$0x30];
	[tilespmem:s28+$0x60] =	vst v1  }
0x3e2: {  	v4 =	vld [tilespmem:s29+$0x70];
	v11 =	vadd.f32 v11, v63  }
0x3e3: {  	v1 =	vld [tilespmem:s29+$0xB0]  }
0x3e4: {  	s1 =	simm.s32 $0x0;
	s0 =	simm.s32 $0xBC00;
	[tilespmem:s28+$0xFFFFFF30] =	vst v11;
	v11 =	vadd.f32 v15, v7;
	v7 =	vld [tilespmem:s28+$0xB0]  }
.LBB2_18:
0x3e5: {  	v12 =	vld [tilespmem:s0+$0xC0];
	v5 =	vadd.f32 v5, v10;
	s29 =	sadd.s32 $0x200, s29  }
0x3e6: {  	s1 =	sadd.s32 $0x8, s1;
	v10 =	vld [tilespmem:s29+$0xC0];
	[tilespmem:s28+$0xFFFFFF70] =	vst v11;
	v2 =	vadd.f32 v2, v9  }
0x3e7: {  	p0 =	slt.u32 s1, $0x78;
	v9 =	vld [tilespmem:s29+$0xFFFFFF00];
	[tilespmem:s28+$0xFFFFFFB0] =	vst v5;
	v3 =	vadd.f32 v3, v8  }
0x3e8: {  	v5 =	vld [tilespmem:s0+$0xFFFFFF40];
	[tilespmem:s28+$0xFFFFFFF0] =	vst v2;
	v2 =	vadd.f32 v4, v6  }
0x3e9: {  	v4 =	vld [tilespmem:s29+$0xFFFFFF40];
	[tilespmem:s28+$0x30] =	vst v3;
	v1 =	vadd.f32 v1, v7  }
0x3ea: {  	v3 =	vld [tilespmem:s0+$0xFFFFFF80];
	[tilespmem:s28+$0x70] =	vst v2  }
0x3eb: {  	v2 =	vld [tilespmem:s29+$0xFFFFFF80];
	v6 =	vadd.f32 v10, v12;
	[tilespmem:s28+$0xB0] =	vst v1;
	s28 =	smov.u32 s0  }
0x3ec: {  	v1 =	vld [tilespmem:s0+$0xFFFFFFC0]  }
0x3ed: {  	[tilespmem:s0+$0xC0] =	vst v6;
	v6 =	vld [tilespmem:s0+$0xD0]  }
0x3ee: {  	v4 =	vadd.f32 v4, v5;
	v5 =	vld [tilespmem:s29+$0xD0]  }
0x3ef: {  	v7 =	vld [tilespmem:s29+$0xFFFFFFC0]  }
0x3f0: {  	[tilespmem:s0+$0xFFFFFF40] =	vst v4;
	v2 =	vadd.f32 v2, v3;
	v3 =	vld [tilespmem:s0+$0x0]  }
0x3f1: {  	v4 =	vld [tilespmem:s29+$0x0]  }
0x3f2: {  	[tilespmem:s0+$0xFFFFFF80] =	vst v2;
	v2 =	vld [tilespmem:s0+$0x40]  }
0x3f3: {  	v8 =	vld [tilespmem:s29+$0x40];
	v5 =	vadd.f32 v5, v6  }
0x3f4: {  	v1 =	vadd.f32 v7, v1;
	v6 =	vld [tilespmem:s0+$0x80]  }
0x3f5: {  	[tilespmem:s0+$0xD0] =	vst v5;
	v5 =	vld [tilespmem:s0+$0xE0]  }
0x3f6: {  	[tilespmem:s0+$0xFFFFFFC0] =	vst v1;
	v1 =	vadd.f32 v4, v3;
	v3 =	vld [tilespmem:s29+$0xE0]  }
0x3f7: {  	v4 =	vld [tilespmem:s29+$0x80]  }
0x3f8: {  	v7 =	vld [tilespmem:s0+$0xFFFFFF00];
	[tilespmem:s0+$0x0] =	vst v1;
	v1 =	vadd.f32 v8, v2  }
0x3f9: {  	v2 =	vld [tilespmem:s29+$0xFFFFFF50]  }
0x3fa: {  	v8 =	vld [tilespmem:s29+$0xFFFFFF90];
	[tilespmem:s0+$0x40] =	vst v1  }
0x3fb: {  	v1 =	vld [tilespmem:s29+$0xFFFFFFD0];
	v3 =	vadd.f32 v3, v5  }
0x3fc: {  	v5 =	vld [tilespmem:s29+$0x10];
	v4 =	vadd.f32 v4, v6  }
0x3fd: {  	v6 =	vadd.f32 v9, v7;
	[tilespmem:s0+$0xE0] =	vst v3;
	v3 =	vld [tilespmem:s0+$0xF0]  }
0x3fe: {  	[tilespmem:s0+$0x80] =	vst v4;
	v4 =	vld [tilespmem:s29+$0xF0]  }
0x3ff: {  	[tilespmem:s0+$0xFFFFFF00] =	vst v6;
	v6 =	vld [tilespmem:s29+$0x50]  }
0x400: {  	v7 =	vld [tilespmem:s29+$0xFFFFFF10]  }
0x401: {  	v9 =	vld [tilespmem:s29+$0x90]  }
0x402: {  	v10 =	vld [tilespmem:s0+$0xFFFFFF10]  }
0x403: {  	v11 =	vld [tilespmem:s0+$0xFFFFFF50];
	v3 =	vadd.f32 v4, v3  }
0x404: {  	v4 =	vld [tilespmem:s0+$0xFFFFFF90]  }
0x405: {  	v12 =	vld [tilespmem:s0+$0xFFFFFFD0];
	[tilespmem:s0+$0xF0] =	vst v3  }
0x406: {  	v3 =	vld [tilespmem:s0+$0x10]  }
0x407: {  	v7 =	vadd.f32 v7, v10;
	v10 =	vld [tilespmem:s0+$0x50]  }
0x408: {  	v2 =	vadd.f32 v2, v11;
	v11 =	vld [tilespmem:s0+$0x90]  }
0x409: {  	[tilespmem:s0+$0xFFFFFF10] =	vst v7;
	v7 =	vld [tilespmem:s0+$0xFFFFFF20];
	v4 =	vadd.f32 v8, v4  }
0x40a: {  	v8 =	vld [tilespmem:s29+$0xFFFFFF20];
	[tilespmem:s0+$0xFFFFFF50] =	vst v2;
	v1 =	vadd.f32 v1, v12  }
0x40b: {  	v2 =	vld [tilespmem:s29+$0xFFFFFF60];
	[tilespmem:s0+$0xFFFFFF90] =	vst v4;
	v3 =	vadd.f32 v5, v3  }
0x40c: {  	v4 =	vld [tilespmem:s29+$0xFFFFFFA0];
	[tilespmem:s0+$0xFFFFFFD0] =	vst v1;
	v1 =	vadd.f32 v6, v10  }
0x40d: {  	v5 =	vld [tilespmem:s29+$0xFFFFFFE0];
	[tilespmem:s0+$0x10] =	vst v3;
	v3 =	vadd.f32 v9, v11  }
0x40e: {  	v6 =	vld [tilespmem:s29+$0x20];
	[tilespmem:s0+$0x50] =	vst v1  }
0x40f: {  	v1 =	vadd.f32 v8, v7;
	v7 =	vld [tilespmem:s29+$0x60];
	[tilespmem:s0+$0x90] =	vst v3  }
0x410: {  	v3 =	vld [tilespmem:s29+$0xA0]  }
0x411: {  	[tilespmem:s0+$0xFFFFFF20] =	vst v1;
	v1 =	vld [tilespmem:s0+$0xFFFFFF60]  }
0x412: {  	v8 =	vld [tilespmem:s0+$0xFFFFFFA0]  }
0x413: {  	v9 =	vld [tilespmem:s0+$0xFFFFFFE0]  }
0x414: {  	v10 =	vld [tilespmem:s0+$0x20]  }
0x415: {  	v11 =	vld [tilespmem:s0+$0x60]  }
0x416: {  	v1 =	vadd.f32 v2, v1;
	v12 =	vld [tilespmem:s0+$0xA0]  }
0x417: {  	v13 =	vld [tilespmem:s29+$0xFFFFFF30];
	v2 =	vadd.f32 v4, v8  }
0x418: {  	v4 =	vld [tilespmem:s0+$0xFFFFFF30];
	[tilespmem:s0+$0xFFFFFF60] =	vst v1;
	v1 =	vadd.f32 v5, v9  }
0x419: {  	v14 =	vld [tilespmem:s29+$0xFFFFFF70];
	[tilespmem:s0+$0xFFFFFFA0] =	vst v2;
	v6 =	vadd.f32 v6, v10  }
0x41a: {  	v5 =	vld [tilespmem:s29+$0xFFFFFFB0];
	[tilespmem:s0+$0xFFFFFFE0] =	vst v1;
	v1 =	vadd.f32 v7, v11  }
0x41b: {  	v2 =	vld [tilespmem:s29+$0xFFFFFFF0];
	[tilespmem:s0+$0x20] =	vst v6;
	v6 =	vadd.f32 v3, v12  }
0x41c: {  	v3 =	vld [tilespmem:s29+$0x30];
	[tilespmem:s0+$0x60] =	vst v1  }
0x41d: {  	v7 =	vadd.f32 v13, v4;
	v4 =	vld [tilespmem:s29+$0x70];
	[tilespmem:s0+$0xA0] =	vst v6  }
0x41e: {  	v1 =	vld [tilespmem:s29+$0xB0]  }
0x41f: {  	[tilespmem:s0+$0xFFFFFF30] =	vst v7;
	v7 =	vld [tilespmem:s0+$0xFFFFFF70]  }
.Ltmp8:
0x420: {  	v10 =	vld [tilespmem:s0+$0xFFFFFFB0];
	(pc) =	sbr.rel @p0 .LBB2_18-.Ltmp8, $4  }
0x421: {  	v9 =	vld [tilespmem:s0+$0xFFFFFFF0]  }
0x422: {  	v8 =	vld [tilespmem:s0+$0x30]  }
0x423: {  	v6 =	vld [tilespmem:s0+$0x70]  }
0x424: {  	s0 =	sadd.s32 $0x200, s0;
	v11 =	vadd.f32 v14, v7;
	v7 =	vld [tilespmem:s28+$0xB0]  }
0x425: {  	v5 =	vadd.f32 v5, v10  }
0x426: {  	[tilespmem:s28+$0xFFFFFF70] =	vst v11;
	v2 =	vadd.f32 v2, v9  }
0x427: {  	[tilespmem:s28+$0xFFFFFFB0] =	vst v5;
	v3 =	vadd.f32 v3, v8  }
0x428: {  	[tilespmem:s28+$0xFFFFFFF0] =	vst v2;
	v2 =	vadd.f32 v4, v6  }
0x429: {  	[tilespmem:s28+$0x30] =	vst v3;
	v1 =	vadd.f32 v1, v7  }
0x42a: {  	[tilespmem:s28+$0x70] =	vst v2  }
0x42b: {  	[tilespmem:s28+$0xB0] =	vst v1  }
0x42c: {  	_ =	swait.ge [sflag:s22], $0x2000  }
0x42d: {  	[sflag:s22] =	ssyncset.done $0x0  }
0x42e: {  	s28 =	simm.s32 $0xBA00;
	[sflag:s22] =	ssyncadd.s32 $0xFFFFE000  }
0x42f: {  	s29 =	simm.s32 $0x5A00;
	v1 =	vld [tilespmem:s28+$0xC0]  }
0x430: {  	v2 =	vld [tilespmem:s29+$0xC0]  }
0x431: {  	v3 =	vld [tilespmem:s29+$0xFFFFFF00]  }
0x432: {  	v4 =	vld [tilespmem:s28+$0xFFFFFF40]  }
0x433: {  	v5 =	vld [tilespmem:s28+$0xFFFFFF80]  }
0x434: {  	v7 =	vld [tilespmem:s29+$0xFFFFFF80]  }
0x435: {  	v8 =	vld [tilespmem:s28+$0xFFFFFFC0]  }
0x436: {  	v9 =	vld [tilespmem:s29+$0xFFFFFFC0]  }
0x437: {  	v10 =	vld [tilespmem:s28+$0x0]  }
0x438: {  	v11 =	vld [tilespmem:s29+$0x0]  }
0x439: {  	v12 =	vld [tilespmem:s29+$0x40]  }
0x43a: {  	v57 =	vld [tilespmem:s28+$0xFFFFFF90]  }
0x43b: {  	v58 =	vld [tilespmem:s28+$0xFFFFFFD0]  }
0x43c: {  	v14 =	vld [tilespmem:s28+$0x10]  }
0x43d: {  	v60 =	vld [tilespmem:s28+$0xFFFFFFE0];
	v1 =	vadd.f32 v2, v1  }
0x43e: {  	v2 =	vld [tilespmem:s29+$0xFFFFFF40]  }
0x43f: {  	[tilespmem:s28+$0xC0] =	vst v1;
	v1 =	vld [tilespmem:s28+$0xD0]  }
0x440: {  	v6 =	vld [tilespmem:s29+$0xD0]  }
0x441: {  	v61 =	vld [tilespmem:s28+$0x20]  }
0x442: {  	v62 =	vld [tilespmem:s28+$0x60];
	v5 =	vadd.f32 v7, v5  }
0x443: {  	v63 =	vld [tilespmem:s28+$0xFFFFFF30];
	v2 =	vadd.f32 v2, v4  }
0x444: {  	v7 =	vld [tilespmem:s29+$0x80];
	[tilespmem:s28+$0xFFFFFF80] =	vst v5  }
0x445: {  	v5 =	vadd.f32 v11, v10;
	v11 =	vld [tilespmem:s28+$0xFFFFFF50];
	[tilespmem:s28+$0xFFFFFF40] =	vst v2;
	v1 =	vadd.f32 v6, v1  }
0x446: {  	v2 =	vadd.f32 v9, v8;
	v9 =	vld [tilespmem:s29+$0xFFFFFF50]  }
0x447: {  	[tilespmem:s28+$0xD0] =	vst v1;
	v1 =	vld [tilespmem:s28+$0xE0]  }
0x448: {  	v13 =	vld [tilespmem:s29+$0xE0]  }
0x449: {  	v4 =	vld [tilespmem:s28+$0x80]  }
0x44a: {  	[tilespmem:s28+$0x0] =	vst v5;
	v8 =	vld [tilespmem:s28+$0xFFFFFF00]  }
0x44b: {  	v10 =	vld [tilespmem:s29+$0x10]  }
0x44c: {  	v6 =	vld [tilespmem:s28+$0x40];
	v9 =	vadd.f32 v9, v11  }
0x44d: {  	[tilespmem:s28+$0xFFFFFFC0] =	vst v2;
	v2 =	vld [tilespmem:s29+$0xFFFFFF90];
	v1 =	vadd.f32 v13, v1  }
0x44e: {  	v5 =	vld [tilespmem:s29+$0xFFFFFFD0];
	[tilespmem:s28+$0xFFFFFF50] =	vst v9  }
0x44f: {  	v11 =	vld [tilespmem:s28+$0x90];
	[tilespmem:s28+$0xE0] =	vst v1;
	v1 =	vadd.f32 v3, v8  }
0x450: {  	v9 =	vld [tilespmem:s29+$0xFFFFFF60];
	v3 =	vadd.f32 v7, v4  }
0x451: {  	v6 =	vadd.f32 v12, v6;
	v8 =	vld [tilespmem:s28+$0xF0];
	[tilespmem:s28+$0xFFFFFF00] =	vst v1  }
0x452: {  	v2 =	vadd.f32 v2, v57;
	[tilespmem:s28+$0x80] =	vst v3;
	v3 =	vld [tilespmem:s28+$0xFFFFFF10]  }
0x453: {  	[tilespmem:s28+$0x40] =	vst v6;
	v4 =	vld [tilespmem:s29+$0xFFFFFF10]  }
0x454: {  	[tilespmem:s28+$0xFFFFFF90] =	vst v2;
	v2 =	vadd.f32 v10, v14;
	v6 =	vld [tilespmem:s29+$0xF0]  }
0x455: {  	v5 =	vadd.f32 v5, v58;
	v10 =	vld [tilespmem:s29+$0xFFFFFFA0]  }
0x456: {  	[tilespmem:s28+$0x10] =	vst v2;
	v7 =	vld [tilespmem:s29+$0x90]  }
0x457: {  	[tilespmem:s28+$0xFFFFFFD0] =	vst v5;
	v5 =	vld [tilespmem:s29+$0x20]  }
0x458: {  	v1 =	vld [tilespmem:s29+$0x50];
	v3 =	vadd.f32 v4, v3  }
0x459: {  	v6 =	vadd.f32 v6, v8;
	v8 =	vld [tilespmem:s28+$0x30]  }
0x45a: {  	[tilespmem:s28+$0xFFFFFF10] =	vst v3;
	v3 =	vld [tilespmem:s28+$0xFFFFFF20]  }
0x45b: {  	v2 =	vadd.f32 v7, v11;
	v59 =	vld [tilespmem:s29+$0xFFFFFF20]  }
0x45c: {  	v4 =	vld [tilespmem:s28+$0x50]  }
0x45d: {  	[tilespmem:s28+$0x90] =	vst v2;
	v2 =	vld [tilespmem:s28+$0xFFFFFF60]  }
0x45e: {  	v11 =	vld [tilespmem:s28+$0xFFFFFFA0]  }
0x45f: {  	[tilespmem:s28+$0xF0] =	vst v6;
	v6 =	vld [tilespmem:s28+$0x70]  }
0x460: {  	v7 =	vld [tilespmem:s29+$0xA0];
	v3 =	vadd.f32 v59, v3  }
0x461: {  	v1 =	vadd.f32 v1, v4;
	v4 =	vld [tilespmem:s29+$0xFFFFFFE0]  }
0x462: {  	v2 =	vadd.f32 v9, v2;
	[tilespmem:s28+$0xFFFFFF20] =	vst v3;
	v3 =	vld [tilespmem:s28+$0xA0]  }
0x463: {  	[tilespmem:s28+$0x50] =	vst v1;
	v9 =	vadd.f32 v10, v11;
	v10 =	vld [tilespmem:s28+$0xFFFFFFB0]  }
0x464: {  	v1 =	vld [tilespmem:s29+$0x60];
	[tilespmem:s28+$0xFFFFFF60] =	vst v2  }
0x465: {  	[tilespmem:s28+$0xFFFFFFA0] =	vst v9;
	v9 =	vld [tilespmem:s28+$0xFFFFFFF0]  }
0x466: {  	v2 =	vadd.f32 v4, v60;
	v15 =	vld [tilespmem:s29+$0xFFFFFF70]  }
0x467: {  	v11 =	vld [tilespmem:s29+$0xFFFFFF30];
	v7 =	vadd.f32 v7, v3  }
0x468: {  	v4 =	vadd.f32 v5, v61;
	v5 =	vld [tilespmem:s29+$0xFFFFFFB0];
	[tilespmem:s28+$0xFFFFFFE0] =	vst v2  }
0x469: {  	v1 =	vadd.f32 v1, v62;
	[tilespmem:s28+$0xA0] =	vst v7;
	v7 =	vld [tilespmem:s28+$0xFFFFFF70]  }
0x46a: {  	[tilespmem:s28+$0x20] =	vst v4;
	v2 =	vld [tilespmem:s29+$0xFFFFFFF0]  }
0x46b: {  	v3 =	vld [tilespmem:s29+$0x30];
	[tilespmem:s28+$0x60] =	vst v1  }
0x46c: {  	v4 =	vld [tilespmem:s29+$0x70];
	v11 =	vadd.f32 v11, v63  }
0x46d: {  	v1 =	vld [tilespmem:s29+$0xB0]  }
0x46e: {  	s1 =	simm.s32 $0x0;
	s0 =	simm.s32 $0xBC00;
	[tilespmem:s28+$0xFFFFFF30] =	vst v11;
	v11 =	vadd.f32 v15, v7;
	v7 =	vld [tilespmem:s28+$0xB0]  }
.LBB2_20:
0x46f: {  	v12 =	vld [tilespmem:s0+$0xC0];
	v5 =	vadd.f32 v5, v10;
	s29 =	sadd.s32 $0x200, s29  }
0x470: {  	s1 =	sadd.s32 $0x8, s1;
	v10 =	vld [tilespmem:s29+$0xC0];
	[tilespmem:s28+$0xFFFFFF70] =	vst v11;
	v2 =	vadd.f32 v2, v9  }
0x471: {  	p0 =	slt.u32 s1, $0x78;
	v9 =	vld [tilespmem:s29+$0xFFFFFF00];
	[tilespmem:s28+$0xFFFFFFB0] =	vst v5;
	v3 =	vadd.f32 v3, v8  }
0x472: {  	v5 =	vld [tilespmem:s0+$0xFFFFFF40];
	[tilespmem:s28+$0xFFFFFFF0] =	vst v2;
	v2 =	vadd.f32 v4, v6  }
0x473: {  	v4 =	vld [tilespmem:s29+$0xFFFFFF40];
	[tilespmem:s28+$0x30] =	vst v3;
	v1 =	vadd.f32 v1, v7  }
0x474: {  	v3 =	vld [tilespmem:s0+$0xFFFFFF80];
	[tilespmem:s28+$0x70] =	vst v2  }
0x475: {  	v2 =	vld [tilespmem:s29+$0xFFFFFF80];
	v6 =	vadd.f32 v10, v12;
	[tilespmem:s28+$0xB0] =	vst v1;
	s28 =	smov.u32 s0  }
0x476: {  	v1 =	vld [tilespmem:s0+$0xFFFFFFC0]  }
0x477: {  	[tilespmem:s0+$0xC0] =	vst v6;
	v6 =	vld [tilespmem:s0+$0xD0]  }
0x478: {  	v4 =	vadd.f32 v4, v5;
	v5 =	vld [tilespmem:s29+$0xD0]  }
0x479: {  	v7 =	vld [tilespmem:s29+$0xFFFFFFC0]  }
0x47a: {  	[tilespmem:s0+$0xFFFFFF40] =	vst v4;
	v2 =	vadd.f32 v2, v3;
	v3 =	vld [tilespmem:s0+$0x0]  }
0x47b: {  	v4 =	vld [tilespmem:s29+$0x0]  }
0x47c: {  	[tilespmem:s0+$0xFFFFFF80] =	vst v2;
	v2 =	vld [tilespmem:s0+$0x40]  }
0x47d: {  	v8 =	vld [tilespmem:s29+$0x40];
	v5 =	vadd.f32 v5, v6  }
0x47e: {  	v1 =	vadd.f32 v7, v1;
	v6 =	vld [tilespmem:s0+$0x80]  }
0x47f: {  	[tilespmem:s0+$0xD0] =	vst v5;
	v5 =	vld [tilespmem:s0+$0xE0]  }
0x480: {  	[tilespmem:s0+$0xFFFFFFC0] =	vst v1;
	v1 =	vadd.f32 v4, v3;
	v3 =	vld [tilespmem:s29+$0xE0]  }
0x481: {  	v4 =	vld [tilespmem:s29+$0x80]  }
0x482: {  	v7 =	vld [tilespmem:s0+$0xFFFFFF00];
	[tilespmem:s0+$0x0] =	vst v1;
	v1 =	vadd.f32 v8, v2  }
0x483: {  	v2 =	vld [tilespmem:s29+$0xFFFFFF50]  }
0x484: {  	v8 =	vld [tilespmem:s29+$0xFFFFFF90];
	[tilespmem:s0+$0x40] =	vst v1  }
0x485: {  	v1 =	vld [tilespmem:s29+$0xFFFFFFD0];
	v3 =	vadd.f32 v3, v5  }
0x486: {  	v5 =	vld [tilespmem:s29+$0x10];
	v4 =	vadd.f32 v4, v6  }
0x487: {  	v6 =	vadd.f32 v9, v7;
	[tilespmem:s0+$0xE0] =	vst v3;
	v3 =	vld [tilespmem:s0+$0xF0]  }
0x488: {  	[tilespmem:s0+$0x80] =	vst v4;
	v4 =	vld [tilespmem:s29+$0xF0]  }
0x489: {  	[tilespmem:s0+$0xFFFFFF00] =	vst v6;
	v6 =	vld [tilespmem:s29+$0x50]  }
0x48a: {  	v7 =	vld [tilespmem:s29+$0xFFFFFF10]  }
0x48b: {  	v9 =	vld [tilespmem:s29+$0x90]  }
0x48c: {  	v10 =	vld [tilespmem:s0+$0xFFFFFF10]  }
0x48d: {  	v11 =	vld [tilespmem:s0+$0xFFFFFF50];
	v3 =	vadd.f32 v4, v3  }
0x48e: {  	v4 =	vld [tilespmem:s0+$0xFFFFFF90]  }
0x48f: {  	v12 =	vld [tilespmem:s0+$0xFFFFFFD0];
	[tilespmem:s0+$0xF0] =	vst v3  }
0x490: {  	v3 =	vld [tilespmem:s0+$0x10]  }
0x491: {  	v7 =	vadd.f32 v7, v10;
	v10 =	vld [tilespmem:s0+$0x50]  }
0x492: {  	v2 =	vadd.f32 v2, v11;
	v11 =	vld [tilespmem:s0+$0x90]  }
0x493: {  	[tilespmem:s0+$0xFFFFFF10] =	vst v7;
	v7 =	vld [tilespmem:s0+$0xFFFFFF20];
	v4 =	vadd.f32 v8, v4  }
0x494: {  	v8 =	vld [tilespmem:s29+$0xFFFFFF20];
	[tilespmem:s0+$0xFFFFFF50] =	vst v2;
	v1 =	vadd.f32 v1, v12  }
0x495: {  	v2 =	vld [tilespmem:s29+$0xFFFFFF60];
	[tilespmem:s0+$0xFFFFFF90] =	vst v4;
	v3 =	vadd.f32 v5, v3  }
0x496: {  	v4 =	vld [tilespmem:s29+$0xFFFFFFA0];
	[tilespmem:s0+$0xFFFFFFD0] =	vst v1;
	v1 =	vadd.f32 v6, v10  }
0x497: {  	v5 =	vld [tilespmem:s29+$0xFFFFFFE0];
	[tilespmem:s0+$0x10] =	vst v3;
	v3 =	vadd.f32 v9, v11  }
0x498: {  	v6 =	vld [tilespmem:s29+$0x20];
	[tilespmem:s0+$0x50] =	vst v1  }
0x499: {  	v1 =	vadd.f32 v8, v7;
	v7 =	vld [tilespmem:s29+$0x60];
	[tilespmem:s0+$0x90] =	vst v3  }
0x49a: {  	v3 =	vld [tilespmem:s29+$0xA0]  }
0x49b: {  	[tilespmem:s0+$0xFFFFFF20] =	vst v1;
	v1 =	vld [tilespmem:s0+$0xFFFFFF60]  }
0x49c: {  	v8 =	vld [tilespmem:s0+$0xFFFFFFA0]  }
0x49d: {  	v9 =	vld [tilespmem:s0+$0xFFFFFFE0]  }
0x49e: {  	v10 =	vld [tilespmem:s0+$0x20]  }
0x49f: {  	v11 =	vld [tilespmem:s0+$0x60]  }
0x4a0: {  	v1 =	vadd.f32 v2, v1;
	v12 =	vld [tilespmem:s0+$0xA0]  }
0x4a1: {  	v13 =	vld [tilespmem:s29+$0xFFFFFF30];
	v2 =	vadd.f32 v4, v8  }
0x4a2: {  	v4 =	vld [tilespmem:s0+$0xFFFFFF30];
	[tilespmem:s0+$0xFFFFFF60] =	vst v1;
	v1 =	vadd.f32 v5, v9  }
0x4a3: {  	v14 =	vld [tilespmem:s29+$0xFFFFFF70];
	[tilespmem:s0+$0xFFFFFFA0] =	vst v2;
	v6 =	vadd.f32 v6, v10  }
0x4a4: {  	v5 =	vld [tilespmem:s29+$0xFFFFFFB0];
	[tilespmem:s0+$0xFFFFFFE0] =	vst v1;
	v1 =	vadd.f32 v7, v11  }
0x4a5: {  	v2 =	vld [tilespmem:s29+$0xFFFFFFF0];
	[tilespmem:s0+$0x20] =	vst v6;
	v6 =	vadd.f32 v3, v12  }
0x4a6: {  	v3 =	vld [tilespmem:s29+$0x30];
	[tilespmem:s0+$0x60] =	vst v1  }
0x4a7: {  	v7 =	vadd.f32 v13, v4;
	v4 =	vld [tilespmem:s29+$0x70];
	[tilespmem:s0+$0xA0] =	vst v6  }
0x4a8: {  	v1 =	vld [tilespmem:s29+$0xB0]  }
0x4a9: {  	[tilespmem:s0+$0xFFFFFF30] =	vst v7;
	v7 =	vld [tilespmem:s0+$0xFFFFFF70]  }
.Ltmp9:
0x4aa: {  	v10 =	vld [tilespmem:s0+$0xFFFFFFB0];
	(pc) =	sbr.rel @p0 .LBB2_20-.Ltmp9, $4  }
0x4ab: {  	v9 =	vld [tilespmem:s0+$0xFFFFFFF0]  }
0x4ac: {  	v8 =	vld [tilespmem:s0+$0x30]  }
0x4ad: {  	v6 =	vld [tilespmem:s0+$0x70]  }
0x4ae: {  	s0 =	sadd.s32 $0x200, s0;
	v11 =	vadd.f32 v14, v7;
	v7 =	vld [tilespmem:s28+$0xB0]  }
0x4af: {  	v5 =	vadd.f32 v5, v10  }
0x4b0: {  	[tilespmem:s28+$0xFFFFFF70] =	vst v11;
	v2 =	vadd.f32 v2, v9  }
0x4b1: {  	[tilespmem:s28+$0xFFFFFFB0] =	vst v5;
	v3 =	vadd.f32 v3, v8  }
0x4b2: {  	[tilespmem:s28+$0xFFFFFFF0] =	vst v2;
	v2 =	vadd.f32 v4, v6  }
0x4b3: {  	[tilespmem:s28+$0x30] =	vst v3;
	v1 =	vadd.f32 v1, v7  }
0x4b4: {  	[tilespmem:s28+$0x70] =	vst v2  }
0x4b5: {  	[tilespmem:s28+$0xB0] =	vst v1  }
0x4b6: {  	_ =	swait.ge [sflag:s23], $0x2000  }
0x4b7: {  	[sflag:s23] =	ssyncset.done $0x0  }
0x4b8: {  	s28 =	simm.s32 $0xBA00;
	[sflag:s23] =	ssyncadd.s32 $0xFFFFE000  }
0x4b9: {  	s29 =	simm.s32 $0x7A00;
	v1 =	vld [tilespmem:s28+$0xC0]  }
0x4ba: {  	v2 =	vld [tilespmem:s29+$0xC0]  }
0x4bb: {  	v3 =	vld [tilespmem:s29+$0xFFFFFF00]  }
0x4bc: {  	v4 =	vld [tilespmem:s28+$0xFFFFFF40]  }
0x4bd: {  	v5 =	vld [tilespmem:s28+$0xFFFFFF80]  }
0x4be: {  	v7 =	vld [tilespmem:s29+$0xFFFFFF80]  }
0x4bf: {  	v8 =	vld [tilespmem:s28+$0xFFFFFFC0]  }
0x4c0: {  	v9 =	vld [tilespmem:s29+$0xFFFFFFC0]  }
0x4c1: {  	v10 =	vld [tilespmem:s28+$0x0]  }
0x4c2: {  	v11 =	vld [tilespmem:s29+$0x0]  }
0x4c3: {  	v12 =	vld [tilespmem:s29+$0x40]  }
0x4c4: {  	v57 =	vld [tilespmem:s28+$0xFFFFFF90]  }
0x4c5: {  	v58 =	vld [tilespmem:s28+$0xFFFFFFD0]  }
0x4c6: {  	v14 =	vld [tilespmem:s28+$0x10]  }
0x4c7: {  	v60 =	vld [tilespmem:s28+$0xFFFFFFE0];
	v1 =	vadd.f32 v2, v1  }
0x4c8: {  	v2 =	vld [tilespmem:s29+$0xFFFFFF40]  }
0x4c9: {  	[tilespmem:s28+$0xC0] =	vst v1;
	v1 =	vld [tilespmem:s28+$0xD0]  }
0x4ca: {  	v6 =	vld [tilespmem:s29+$0xD0]  }
0x4cb: {  	v61 =	vld [tilespmem:s28+$0x20]  }
0x4cc: {  	v62 =	vld [tilespmem:s28+$0x60];
	v5 =	vadd.f32 v7, v5  }
0x4cd: {  	v63 =	vld [tilespmem:s28+$0xFFFFFF30];
	v2 =	vadd.f32 v2, v4  }
0x4ce: {  	v7 =	vld [tilespmem:s29+$0x80];
	[tilespmem:s28+$0xFFFFFF80] =	vst v5  }
0x4cf: {  	v5 =	vadd.f32 v11, v10;
	v11 =	vld [tilespmem:s28+$0xFFFFFF50];
	[tilespmem:s28+$0xFFFFFF40] =	vst v2;
	v1 =	vadd.f32 v6, v1  }
0x4d0: {  	v2 =	vadd.f32 v9, v8;
	v9 =	vld [tilespmem:s29+$0xFFFFFF50]  }
0x4d1: {  	[tilespmem:s28+$0xD0] =	vst v1;
	v1 =	vld [tilespmem:s28+$0xE0]  }
0x4d2: {  	v13 =	vld [tilespmem:s29+$0xE0]  }
0x4d3: {  	v4 =	vld [tilespmem:s28+$0x80]  }
0x4d4: {  	[tilespmem:s28+$0x0] =	vst v5;
	v8 =	vld [tilespmem:s28+$0xFFFFFF00]  }
0x4d5: {  	v10 =	vld [tilespmem:s29+$0x10]  }
0x4d6: {  	v6 =	vld [tilespmem:s28+$0x40];
	v9 =	vadd.f32 v9, v11  }
0x4d7: {  	[tilespmem:s28+$0xFFFFFFC0] =	vst v2;
	v2 =	vld [tilespmem:s29+$0xFFFFFF90];
	v1 =	vadd.f32 v13, v1  }
0x4d8: {  	v5 =	vld [tilespmem:s29+$0xFFFFFFD0];
	[tilespmem:s28+$0xFFFFFF50] =	vst v9  }
0x4d9: {  	v11 =	vld [tilespmem:s28+$0x90];
	[tilespmem:s28+$0xE0] =	vst v1;
	v1 =	vadd.f32 v3, v8  }
0x4da: {  	v9 =	vld [tilespmem:s29+$0xFFFFFF60];
	v3 =	vadd.f32 v7, v4  }
0x4db: {  	v6 =	vadd.f32 v12, v6;
	v8 =	vld [tilespmem:s28+$0xF0];
	[tilespmem:s28+$0xFFFFFF00] =	vst v1  }
0x4dc: {  	v2 =	vadd.f32 v2, v57;
	[tilespmem:s28+$0x80] =	vst v3;
	v3 =	vld [tilespmem:s28+$0xFFFFFF10]  }
0x4dd: {  	[tilespmem:s28+$0x40] =	vst v6;
	v4 =	vld [tilespmem:s29+$0xFFFFFF10]  }
0x4de: {  	[tilespmem:s28+$0xFFFFFF90] =	vst v2;
	v2 =	vadd.f32 v10, v14;
	v6 =	vld [tilespmem:s29+$0xF0]  }
0x4df: {  	v5 =	vadd.f32 v5, v58;
	v10 =	vld [tilespmem:s29+$0xFFFFFFA0]  }
0x4e0: {  	[tilespmem:s28+$0x10] =	vst v2;
	v7 =	vld [tilespmem:s29+$0x90]  }
0x4e1: {  	[tilespmem:s28+$0xFFFFFFD0] =	vst v5;
	v5 =	vld [tilespmem:s29+$0x20]  }
0x4e2: {  	v1 =	vld [tilespmem:s29+$0x50];
	v3 =	vadd.f32 v4, v3  }
0x4e3: {  	v6 =	vadd.f32 v6, v8;
	v8 =	vld [tilespmem:s28+$0x30]  }
0x4e4: {  	[tilespmem:s28+$0xFFFFFF10] =	vst v3;
	v3 =	vld [tilespmem:s28+$0xFFFFFF20]  }
0x4e5: {  	v2 =	vadd.f32 v7, v11;
	v59 =	vld [tilespmem:s29+$0xFFFFFF20]  }
0x4e6: {  	v4 =	vld [tilespmem:s28+$0x50]  }
0x4e7: {  	[tilespmem:s28+$0x90] =	vst v2;
	v2 =	vld [tilespmem:s28+$0xFFFFFF60]  }
0x4e8: {  	v11 =	vld [tilespmem:s28+$0xFFFFFFA0]  }
0x4e9: {  	[tilespmem:s28+$0xF0] =	vst v6;
	v6 =	vld [tilespmem:s28+$0x70]  }
0x4ea: {  	v7 =	vld [tilespmem:s29+$0xA0];
	v3 =	vadd.f32 v59, v3  }
0x4eb: {  	v1 =	vadd.f32 v1, v4;
	v4 =	vld [tilespmem:s29+$0xFFFFFFE0]  }
0x4ec: {  	v2 =	vadd.f32 v9, v2;
	[tilespmem:s28+$0xFFFFFF20] =	vst v3;
	v3 =	vld [tilespmem:s28+$0xA0]  }
0x4ed: {  	[tilespmem:s28+$0x50] =	vst v1;
	v9 =	vadd.f32 v10, v11;
	v10 =	vld [tilespmem:s28+$0xFFFFFFB0]  }
0x4ee: {  	v1 =	vld [tilespmem:s29+$0x60];
	[tilespmem:s28+$0xFFFFFF60] =	vst v2  }
0x4ef: {  	[tilespmem:s28+$0xFFFFFFA0] =	vst v9;
	v9 =	vld [tilespmem:s28+$0xFFFFFFF0]  }
0x4f0: {  	v2 =	vadd.f32 v4, v60;
	v15 =	vld [tilespmem:s29+$0xFFFFFF70]  }
0x4f1: {  	v11 =	vld [tilespmem:s29+$0xFFFFFF30];
	v7 =	vadd.f32 v7, v3  }
0x4f2: {  	v4 =	vadd.f32 v5, v61;
	v5 =	vld [tilespmem:s29+$0xFFFFFFB0];
	[tilespmem:s28+$0xFFFFFFE0] =	vst v2  }
0x4f3: {  	v1 =	vadd.f32 v1, v62;
	[tilespmem:s28+$0xA0] =	vst v7;
	v7 =	vld [tilespmem:s28+$0xFFFFFF70]  }
0x4f4: {  	[tilespmem:s28+$0x20] =	vst v4;
	v2 =	vld [tilespmem:s29+$0xFFFFFFF0]  }
0x4f5: {  	v3 =	vld [tilespmem:s29+$0x30];
	[tilespmem:s28+$0x60] =	vst v1  }
0x4f6: {  	v4 =	vld [tilespmem:s29+$0x70];
	v11 =	vadd.f32 v11, v63  }
0x4f7: {  	v1 =	vld [tilespmem:s29+$0xB0]  }
0x4f8: {  	s1 =	simm.s32 $0x0;
	s0 =	simm.s32 $0xBC00;
	[tilespmem:s28+$0xFFFFFF30] =	vst v11;
	v11 =	vadd.f32 v15, v7;
	v7 =	vld [tilespmem:s28+$0xB0]  }
.LBB2_22:
0x4f9: {  	v12 =	vld [tilespmem:s0+$0xC0];
	v5 =	vadd.f32 v5, v10;
	s29 =	sadd.s32 $0x200, s29  }
0x4fa: {  	s1 =	sadd.s32 $0x8, s1;
	v10 =	vld [tilespmem:s29+$0xC0];
	[tilespmem:s28+$0xFFFFFF70] =	vst v11;
	v2 =	vadd.f32 v2, v9  }
0x4fb: {  	p0 =	slt.u32 s1, $0x78;
	v9 =	vld [tilespmem:s29+$0xFFFFFF00];
	[tilespmem:s28+$0xFFFFFFB0] =	vst v5;
	v3 =	vadd.f32 v3, v8  }
0x4fc: {  	v5 =	vld [tilespmem:s0+$0xFFFFFF40];
	[tilespmem:s28+$0xFFFFFFF0] =	vst v2;
	v2 =	vadd.f32 v4, v6  }
0x4fd: {  	v4 =	vld [tilespmem:s29+$0xFFFFFF40];
	[tilespmem:s28+$0x30] =	vst v3;
	v1 =	vadd.f32 v1, v7  }
0x4fe: {  	v3 =	vld [tilespmem:s0+$0xFFFFFF80];
	[tilespmem:s28+$0x70] =	vst v2  }
0x4ff: {  	v2 =	vld [tilespmem:s29+$0xFFFFFF80];
	v6 =	vadd.f32 v10, v12;
	[tilespmem:s28+$0xB0] =	vst v1;
	s28 =	smov.u32 s0  }
0x500: {  	v1 =	vld [tilespmem:s0+$0xFFFFFFC0]  }
0x501: {  	[tilespmem:s0+$0xC0] =	vst v6;
	v6 =	vld [tilespmem:s0+$0xD0]  }
0x502: {  	v4 =	vadd.f32 v4, v5;
	v5 =	vld [tilespmem:s29+$0xD0]  }
0x503: {  	v7 =	vld [tilespmem:s29+$0xFFFFFFC0]  }
0x504: {  	[tilespmem:s0+$0xFFFFFF40] =	vst v4;
	v2 =	vadd.f32 v2, v3;
	v3 =	vld [tilespmem:s0+$0x0]  }
0x505: {  	v4 =	vld [tilespmem:s29+$0x0]  }
0x506: {  	[tilespmem:s0+$0xFFFFFF80] =	vst v2;
	v2 =	vld [tilespmem:s0+$0x40]  }
0x507: {  	v8 =	vld [tilespmem:s29+$0x40];
	v5 =	vadd.f32 v5, v6  }
0x508: {  	v1 =	vadd.f32 v7, v1;
	v6 =	vld [tilespmem:s0+$0x80]  }
0x509: {  	[tilespmem:s0+$0xD0] =	vst v5;
	v5 =	vld [tilespmem:s0+$0xE0]  }
0x50a: {  	[tilespmem:s0+$0xFFFFFFC0] =	vst v1;
	v1 =	vadd.f32 v4, v3;
	v3 =	vld [tilespmem:s29+$0xE0]  }
0x50b: {  	v4 =	vld [tilespmem:s29+$0x80]  }
0x50c: {  	v7 =	vld [tilespmem:s0+$0xFFFFFF00];
	[tilespmem:s0+$0x0] =	vst v1;
	v1 =	vadd.f32 v8, v2  }
0x50d: {  	v2 =	vld [tilespmem:s29+$0xFFFFFF50]  }
0x50e: {  	v8 =	vld [tilespmem:s29+$0xFFFFFF90];
	[tilespmem:s0+$0x40] =	vst v1  }
0x50f: {  	v1 =	vld [tilespmem:s29+$0xFFFFFFD0];
	v3 =	vadd.f32 v3, v5  }
0x510: {  	v5 =	vld [tilespmem:s29+$0x10];
	v4 =	vadd.f32 v4, v6  }
0x511: {  	v6 =	vadd.f32 v9, v7;
	[tilespmem:s0+$0xE0] =	vst v3;
	v3 =	vld [tilespmem:s0+$0xF0]  }
0x512: {  	[tilespmem:s0+$0x80] =	vst v4;
	v4 =	vld [tilespmem:s29+$0xF0]  }
0x513: {  	[tilespmem:s0+$0xFFFFFF00] =	vst v6;
	v6 =	vld [tilespmem:s29+$0x50]  }
0x514: {  	v7 =	vld [tilespmem:s29+$0xFFFFFF10]  }
0x515: {  	v9 =	vld [tilespmem:s29+$0x90]  }
0x516: {  	v10 =	vld [tilespmem:s0+$0xFFFFFF10]  }
0x517: {  	v11 =	vld [tilespmem:s0+$0xFFFFFF50];
	v3 =	vadd.f32 v4, v3  }
0x518: {  	v4 =	vld [tilespmem:s0+$0xFFFFFF90]  }
0x519: {  	v12 =	vld [tilespmem:s0+$0xFFFFFFD0];
	[tilespmem:s0+$0xF0] =	vst v3  }
0x51a: {  	v3 =	vld [tilespmem:s0+$0x10]  }
0x51b: {  	v7 =	vadd.f32 v7, v10;
	v10 =	vld [tilespmem:s0+$0x50]  }
0x51c: {  	v2 =	vadd.f32 v2, v11;
	v11 =	vld [tilespmem:s0+$0x90]  }
0x51d: {  	[tilespmem:s0+$0xFFFFFF10] =	vst v7;
	v7 =	vld [tilespmem:s0+$0xFFFFFF20];
	v4 =	vadd.f32 v8, v4  }
0x51e: {  	v8 =	vld [tilespmem:s29+$0xFFFFFF20];
	[tilespmem:s0+$0xFFFFFF50] =	vst v2;
	v1 =	vadd.f32 v1, v12  }
0x51f: {  	v2 =	vld [tilespmem:s29+$0xFFFFFF60];
	[tilespmem:s0+$0xFFFFFF90] =	vst v4;
	v3 =	vadd.f32 v5, v3  }
0x520: {  	v4 =	vld [tilespmem:s29+$0xFFFFFFA0];
	[tilespmem:s0+$0xFFFFFFD0] =	vst v1;
	v1 =	vadd.f32 v6, v10  }
0x521: {  	v5 =	vld [tilespmem:s29+$0xFFFFFFE0];
	[tilespmem:s0+$0x10] =	vst v3;
	v3 =	vadd.f32 v9, v11  }
0x522: {  	v6 =	vld [tilespmem:s29+$0x20];
	[tilespmem:s0+$0x50] =	vst v1  }
0x523: {  	v1 =	vadd.f32 v8, v7;
	v7 =	vld [tilespmem:s29+$0x60];
	[tilespmem:s0+$0x90] =	vst v3  }
0x524: {  	v3 =	vld [tilespmem:s29+$0xA0]  }
0x525: {  	[tilespmem:s0+$0xFFFFFF20] =	vst v1;
	v1 =	vld [tilespmem:s0+$0xFFFFFF60]  }
0x526: {  	v8 =	vld [tilespmem:s0+$0xFFFFFFA0]  }
0x527: {  	v9 =	vld [tilespmem:s0+$0xFFFFFFE0]  }
0x528: {  	v10 =	vld [tilespmem:s0+$0x20]  }
0x529: {  	v11 =	vld [tilespmem:s0+$0x60]  }
0x52a: {  	v1 =	vadd.f32 v2, v1;
	v12 =	vld [tilespmem:s0+$0xA0]  }
0x52b: {  	v13 =	vld [tilespmem:s29+$0xFFFFFF30];
	v2 =	vadd.f32 v4, v8  }
0x52c: {  	v4 =	vld [tilespmem:s0+$0xFFFFFF30];
	[tilespmem:s0+$0xFFFFFF60] =	vst v1;
	v1 =	vadd.f32 v5, v9  }
0x52d: {  	v14 =	vld [tilespmem:s29+$0xFFFFFF70];
	[tilespmem:s0+$0xFFFFFFA0] =	vst v2;
	v6 =	vadd.f32 v6, v10  }
0x52e: {  	v5 =	vld [tilespmem:s29+$0xFFFFFFB0];
	[tilespmem:s0+$0xFFFFFFE0] =	vst v1;
	v1 =	vadd.f32 v7, v11  }
0x52f: {  	v2 =	vld [tilespmem:s29+$0xFFFFFFF0];
	[tilespmem:s0+$0x20] =	vst v6;
	v6 =	vadd.f32 v3, v12  }
0x530: {  	v3 =	vld [tilespmem:s29+$0x30];
	[tilespmem:s0+$0x60] =	vst v1  }
0x531: {  	v7 =	vadd.f32 v13, v4;
	v4 =	vld [tilespmem:s29+$0x70];
	[tilespmem:s0+$0xA0] =	vst v6  }
0x532: {  	v1 =	vld [tilespmem:s29+$0xB0]  }
0x533: {  	[tilespmem:s0+$0xFFFFFF30] =	vst v7;
	v7 =	vld [tilespmem:s0+$0xFFFFFF70]  }
.Ltmp10:
0x534: {  	v10 =	vld [tilespmem:s0+$0xFFFFFFB0];
	(pc) =	sbr.rel @p0 .LBB2_22-.Ltmp10, $4  }
0x535: {  	v9 =	vld [tilespmem:s0+$0xFFFFFFF0]  }
0x536: {  	v8 =	vld [tilespmem:s0+$0x30]  }
0x537: {  	v6 =	vld [tilespmem:s0+$0x70]  }
0x538: {  	s0 =	sadd.s32 $0x200, s0;
	v11 =	vadd.f32 v14, v7;
	v7 =	vld [tilespmem:s28+$0xB0]  }
0x539: {  	v5 =	vadd.f32 v5, v10  }
0x53a: {  	[tilespmem:s28+$0xFFFFFF70] =	vst v11;
	v2 =	vadd.f32 v2, v9  }
0x53b: {  	[tilespmem:s28+$0xFFFFFFB0] =	vst v5;
	v3 =	vadd.f32 v3, v8  }
0x53c: {  	[tilespmem:s28+$0xFFFFFFF0] =	vst v2;
	v2 =	vadd.f32 v4, v6  }
0x53d: {  	[tilespmem:s28+$0x30] =	vst v3;
	v1 =	vadd.f32 v1, v7  }
0x53e: {  	[tilespmem:s28+$0x70] =	vst v2  }
0x53f: {  	[tilespmem:s28+$0xB0] =	vst v1  }
0x540: {  	_ =	swait.ge [sflag:s24], $0x2000  }
0x541: {  	[sflag:s24] =	ssyncset.done $0x0  }
0x542: {  	s28 =	simm.s32 $0xBA00;
	[sflag:s24] =	ssyncadd.s32 $0xFFFFE000  }
0x543: {  	s29 =	simm.s32 $0x9A00;
	v1 =	vld [tilespmem:s28+$0xC0]  }
0x544: {  	v2 =	vld [tilespmem:s29+$0xC0]  }
0x545: {  	v3 =	vld [tilespmem:s29+$0xFFFFFF00]  }
0x546: {  	v4 =	vld [tilespmem:s28+$0xFFFFFF40]  }
0x547: {  	v5 =	vld [tilespmem:s28+$0xFFFFFF80]  }
0x548: {  	v7 =	vld [tilespmem:s29+$0xFFFFFF80]  }
0x549: {  	v8 =	vld [tilespmem:s28+$0xFFFFFFC0]  }
0x54a: {  	v9 =	vld [tilespmem:s29+$0xFFFFFFC0]  }
0x54b: {  	v10 =	vld [tilespmem:s28+$0x0]  }
0x54c: {  	v11 =	vld [tilespmem:s29+$0x0]  }
0x54d: {  	v12 =	vld [tilespmem:s29+$0x40]  }
0x54e: {  	v57 =	vld [tilespmem:s28+$0xFFFFFF90]  }
0x54f: {  	v58 =	vld [tilespmem:s28+$0xFFFFFFD0]  }
0x550: {  	v14 =	vld [tilespmem:s28+$0x10]  }
0x551: {  	v60 =	vld [tilespmem:s28+$0xFFFFFFE0];
	v1 =	vadd.f32 v2, v1  }
0x552: {  	v2 =	vld [tilespmem:s29+$0xFFFFFF40]  }
0x553: {  	[tilespmem:s28+$0xC0] =	vst v1;
	v1 =	vld [tilespmem:s28+$0xD0]  }
0x554: {  	v6 =	vld [tilespmem:s29+$0xD0]  }
0x555: {  	v61 =	vld [tilespmem:s28+$0x20]  }
0x556: {  	v62 =	vld [tilespmem:s28+$0x60];
	v5 =	vadd.f32 v7, v5  }
0x557: {  	v63 =	vld [tilespmem:s28+$0xFFFFFF30];
	v2 =	vadd.f32 v2, v4  }
0x558: {  	v7 =	vld [tilespmem:s29+$0x80];
	[tilespmem:s28+$0xFFFFFF80] =	vst v5  }
0x559: {  	v5 =	vadd.f32 v11, v10;
	v11 =	vld [tilespmem:s28+$0xFFFFFF50];
	[tilespmem:s28+$0xFFFFFF40] =	vst v2;
	v1 =	vadd.f32 v6, v1  }
0x55a: {  	v2 =	vadd.f32 v9, v8;
	v9 =	vld [tilespmem:s29+$0xFFFFFF50]  }
0x55b: {  	[tilespmem:s28+$0xD0] =	vst v1;
	v1 =	vld [tilespmem:s28+$0xE0]  }
0x55c: {  	v13 =	vld [tilespmem:s29+$0xE0]  }
0x55d: {  	v4 =	vld [tilespmem:s28+$0x80]  }
0x55e: {  	[tilespmem:s28+$0x0] =	vst v5;
	v8 =	vld [tilespmem:s28+$0xFFFFFF00]  }
0x55f: {  	v10 =	vld [tilespmem:s29+$0x10]  }
0x560: {  	v6 =	vld [tilespmem:s28+$0x40];
	v9 =	vadd.f32 v9, v11  }
0x561: {  	[tilespmem:s28+$0xFFFFFFC0] =	vst v2;
	v2 =	vld [tilespmem:s29+$0xFFFFFF90];
	v1 =	vadd.f32 v13, v1  }
0x562: {  	v5 =	vld [tilespmem:s29+$0xFFFFFFD0];
	[tilespmem:s28+$0xFFFFFF50] =	vst v9  }
0x563: {  	v11 =	vld [tilespmem:s28+$0x90];
	[tilespmem:s28+$0xE0] =	vst v1;
	v1 =	vadd.f32 v3, v8  }
0x564: {  	v9 =	vld [tilespmem:s29+$0xFFFFFF60];
	v3 =	vadd.f32 v7, v4  }
0x565: {  	v6 =	vadd.f32 v12, v6;
	v8 =	vld [tilespmem:s28+$0xF0];
	[tilespmem:s28+$0xFFFFFF00] =	vst v1  }
0x566: {  	v2 =	vadd.f32 v2, v57;
	[tilespmem:s28+$0x80] =	vst v3;
	v3 =	vld [tilespmem:s28+$0xFFFFFF10]  }
0x567: {  	[tilespmem:s28+$0x40] =	vst v6;
	v4 =	vld [tilespmem:s29+$0xFFFFFF10]  }
0x568: {  	[tilespmem:s28+$0xFFFFFF90] =	vst v2;
	v2 =	vadd.f32 v10, v14;
	v6 =	vld [tilespmem:s29+$0xF0]  }
0x569: {  	v5 =	vadd.f32 v5, v58;
	v10 =	vld [tilespmem:s29+$0xFFFFFFA0]  }
0x56a: {  	[tilespmem:s28+$0x10] =	vst v2;
	v7 =	vld [tilespmem:s29+$0x90]  }
0x56b: {  	[tilespmem:s28+$0xFFFFFFD0] =	vst v5;
	v5 =	vld [tilespmem:s29+$0x20]  }
0x56c: {  	v1 =	vld [tilespmem:s29+$0x50];
	v3 =	vadd.f32 v4, v3  }
0x56d: {  	v6 =	vadd.f32 v6, v8;
	v8 =	vld [tilespmem:s28+$0x30]  }
0x56e: {  	[tilespmem:s28+$0xFFFFFF10] =	vst v3;
	v3 =	vld [tilespmem:s28+$0xFFFFFF20]  }
0x56f: {  	v2 =	vadd.f32 v7, v11;
	v59 =	vld [tilespmem:s29+$0xFFFFFF20]  }
0x570: {  	v4 =	vld [tilespmem:s28+$0x50]  }
0x571: {  	[tilespmem:s28+$0x90] =	vst v2;
	v2 =	vld [tilespmem:s28+$0xFFFFFF60]  }
0x572: {  	v11 =	vld [tilespmem:s28+$0xFFFFFFA0]  }
0x573: {  	[tilespmem:s28+$0xF0] =	vst v6;
	v6 =	vld [tilespmem:s28+$0x70]  }
0x574: {  	v7 =	vld [tilespmem:s29+$0xA0];
	v3 =	vadd.f32 v59, v3  }
0x575: {  	v1 =	vadd.f32 v1, v4;
	v4 =	vld [tilespmem:s29+$0xFFFFFFE0]  }
0x576: {  	v2 =	vadd.f32 v9, v2;
	[tilespmem:s28+$0xFFFFFF20] =	vst v3;
	v3 =	vld [tilespmem:s28+$0xA0]  }
0x577: {  	[tilespmem:s28+$0x50] =	vst v1;
	v9 =	vadd.f32 v10, v11;
	v10 =	vld [tilespmem:s28+$0xFFFFFFB0]  }
0x578: {  	v1 =	vld [tilespmem:s29+$0x60];
	[tilespmem:s28+$0xFFFFFF60] =	vst v2  }
0x579: {  	[tilespmem:s28+$0xFFFFFFA0] =	vst v9;
	v9 =	vld [tilespmem:s28+$0xFFFFFFF0]  }
0x57a: {  	v2 =	vadd.f32 v4, v60;
	v15 =	vld [tilespmem:s29+$0xFFFFFF70]  }
0x57b: {  	v11 =	vld [tilespmem:s29+$0xFFFFFF30];
	v7 =	vadd.f32 v7, v3  }
0x57c: {  	v4 =	vadd.f32 v5, v61;
	v5 =	vld [tilespmem:s29+$0xFFFFFFB0];
	[tilespmem:s28+$0xFFFFFFE0] =	vst v2  }
0x57d: {  	v1 =	vadd.f32 v1, v62;
	[tilespmem:s28+$0xA0] =	vst v7;
	v7 =	vld [tilespmem:s28+$0xFFFFFF70]  }
0x57e: {  	[tilespmem:s28+$0x20] =	vst v4;
	v2 =	vld [tilespmem:s29+$0xFFFFFFF0]  }
0x57f: {  	v3 =	vld [tilespmem:s29+$0x30];
	[tilespmem:s28+$0x60] =	vst v1  }
0x580: {  	v4 =	vld [tilespmem:s29+$0x70];
	v11 =	vadd.f32 v11, v63  }
0x581: {  	v1 =	vld [tilespmem:s29+$0xB0]  }
0x582: {  	s31 =	simm.s32 $0x0;
	s1 =	simm.s32 $0xBC00;
	s30 =	simm.s32 $0xBA00;
	[tilespmem:s28+$0xFFFFFF30] =	vst v11;
	v11 =	vadd.f32 v15, v7;
	v7 =	vld [tilespmem:s28+$0xB0]  }
.LBB2_24:
0x583: {  	v12 =	vld [tilespmem:s1+$0xC0];
	v5 =	vadd.f32 v5, v10;
	s29 =	sadd.s32 $0x200, s29  }
0x584: {  	s31 =	sadd.s32 $0x8, s31;
	v10 =	vld [tilespmem:s29+$0xC0];
	[tilespmem:s30+$0xFFFFFF70] =	vst v11;
	v2 =	vadd.f32 v2, v9  }
0x585: {  	p0 =	slt.u32 s31, $0x78;
	v9 =	vld [tilespmem:s29+$0xFFFFFF00];
	[tilespmem:s30+$0xFFFFFFB0] =	vst v5;
	v3 =	vadd.f32 v3, v8  }
0x586: {  	v5 =	vld [tilespmem:s1+$0xFFFFFF40];
	[tilespmem:s30+$0xFFFFFFF0] =	vst v2;
	v2 =	vadd.f32 v4, v6  }
0x587: {  	v4 =	vld [tilespmem:s29+$0xFFFFFF40];
	[tilespmem:s30+$0x30] =	vst v3;
	v1 =	vadd.f32 v1, v7  }
0x588: {  	v3 =	vld [tilespmem:s1+$0xFFFFFF80];
	[tilespmem:s30+$0x70] =	vst v2  }
0x589: {  	v2 =	vld [tilespmem:s29+$0xFFFFFF80];
	v6 =	vadd.f32 v10, v12;
	[tilespmem:s30+$0xB0] =	vst v1;
	s30 =	smov.u32 s1  }
0x58a: {  	v1 =	vld [tilespmem:s1+$0xFFFFFFC0]  }
0x58b: {  	[tilespmem:s1+$0xC0] =	vst v6;
	v6 =	vld [tilespmem:s1+$0xD0]  }
0x58c: {  	v4 =	vadd.f32 v4, v5;
	v5 =	vld [tilespmem:s29+$0xD0]  }
0x58d: {  	v7 =	vld [tilespmem:s29+$0xFFFFFFC0]  }
0x58e: {  	[tilespmem:s1+$0xFFFFFF40] =	vst v4;
	v2 =	vadd.f32 v2, v3;
	v3 =	vld [tilespmem:s1+$0x0]  }
0x58f: {  	v4 =	vld [tilespmem:s29+$0x0]  }
0x590: {  	[tilespmem:s1+$0xFFFFFF80] =	vst v2;
	v2 =	vld [tilespmem:s1+$0x40]  }
0x591: {  	v8 =	vld [tilespmem:s29+$0x40];
	v5 =	vadd.f32 v5, v6  }
0x592: {  	v1 =	vadd.f32 v7, v1;
	v6 =	vld [tilespmem:s1+$0x80]  }
0x593: {  	[tilespmem:s1+$0xD0] =	vst v5;
	v5 =	vld [tilespmem:s1+$0xE0]  }
0x594: {  	[tilespmem:s1+$0xFFFFFFC0] =	vst v1;
	v1 =	vadd.f32 v4, v3;
	v3 =	vld [tilespmem:s29+$0xE0]  }
0x595: {  	v4 =	vld [tilespmem:s29+$0x80]  }
0x596: {  	v7 =	vld [tilespmem:s1+$0xFFFFFF00];
	[tilespmem:s1+$0x0] =	vst v1;
	v1 =	vadd.f32 v8, v2  }
0x597: {  	v2 =	vld [tilespmem:s29+$0xFFFFFF50]  }
0x598: {  	v8 =	vld [tilespmem:s29+$0xFFFFFF90];
	[tilespmem:s1+$0x40] =	vst v1  }
0x599: {  	v1 =	vld [tilespmem:s29+$0xFFFFFFD0];
	v3 =	vadd.f32 v3, v5  }
0x59a: {  	v5 =	vld [tilespmem:s29+$0x10];
	v4 =	vadd.f32 v4, v6  }
0x59b: {  	v6 =	vadd.f32 v9, v7;
	[tilespmem:s1+$0xE0] =	vst v3;
	v3 =	vld [tilespmem:s1+$0xF0]  }
0x59c: {  	[tilespmem:s1+$0x80] =	vst v4;
	v4 =	vld [tilespmem:s29+$0xF0]  }
0x59d: {  	[tilespmem:s1+$0xFFFFFF00] =	vst v6;
	v6 =	vld [tilespmem:s29+$0x50]  }
0x59e: {  	v7 =	vld [tilespmem:s29+$0xFFFFFF10]  }
0x59f: {  	v9 =	vld [tilespmem:s29+$0x90]  }
0x5a0: {  	v10 =	vld [tilespmem:s1+$0xFFFFFF10]  }
0x5a1: {  	v11 =	vld [tilespmem:s1+$0xFFFFFF50];
	v3 =	vadd.f32 v4, v3  }
0x5a2: {  	v4 =	vld [tilespmem:s1+$0xFFFFFF90]  }
0x5a3: {  	v12 =	vld [tilespmem:s1+$0xFFFFFFD0];
	[tilespmem:s1+$0xF0] =	vst v3  }
0x5a4: {  	v3 =	vld [tilespmem:s1+$0x10]  }
0x5a5: {  	v7 =	vadd.f32 v7, v10;
	v10 =	vld [tilespmem:s1+$0x50]  }
0x5a6: {  	v2 =	vadd.f32 v2, v11;
	v11 =	vld [tilespmem:s1+$0x90]  }
0x5a7: {  	[tilespmem:s1+$0xFFFFFF10] =	vst v7;
	v7 =	vld [tilespmem:s1+$0xFFFFFF20];
	v4 =	vadd.f32 v8, v4  }
0x5a8: {  	v8 =	vld [tilespmem:s29+$0xFFFFFF20];
	[tilespmem:s1+$0xFFFFFF50] =	vst v2;
	v1 =	vadd.f32 v1, v12  }
0x5a9: {  	v2 =	vld [tilespmem:s29+$0xFFFFFF60];
	[tilespmem:s1+$0xFFFFFF90] =	vst v4;
	v3 =	vadd.f32 v5, v3  }
0x5aa: {  	v4 =	vld [tilespmem:s29+$0xFFFFFFA0];
	[tilespmem:s1+$0xFFFFFFD0] =	vst v1;
	v1 =	vadd.f32 v6, v10  }
0x5ab: {  	v5 =	vld [tilespmem:s29+$0xFFFFFFE0];
	[tilespmem:s1+$0x10] =	vst v3;
	v3 =	vadd.f32 v9, v11  }
0x5ac: {  	v6 =	vld [tilespmem:s29+$0x20];
	[tilespmem:s1+$0x50] =	vst v1  }
0x5ad: {  	v1 =	vadd.f32 v8, v7;
	v7 =	vld [tilespmem:s29+$0x60];
	[tilespmem:s1+$0x90] =	vst v3  }
0x5ae: {  	v3 =	vld [tilespmem:s29+$0xA0]  }
0x5af: {  	[tilespmem:s1+$0xFFFFFF20] =	vst v1;
	v1 =	vld [tilespmem:s1+$0xFFFFFF60]  }
0x5b0: {  	v8 =	vld [tilespmem:s1+$0xFFFFFFA0]  }
0x5b1: {  	v9 =	vld [tilespmem:s1+$0xFFFFFFE0]  }
0x5b2: {  	v10 =	vld [tilespmem:s1+$0x20]  }
0x5b3: {  	v11 =	vld [tilespmem:s1+$0x60]  }
0x5b4: {  	v1 =	vadd.f32 v2, v1;
	v12 =	vld [tilespmem:s1+$0xA0]  }
0x5b5: {  	v13 =	vld [tilespmem:s29+$0xFFFFFF30];
	v2 =	vadd.f32 v4, v8  }
0x5b6: {  	v4 =	vld [tilespmem:s1+$0xFFFFFF30];
	[tilespmem:s1+$0xFFFFFF60] =	vst v1;
	v1 =	vadd.f32 v5, v9  }
0x5b7: {  	v14 =	vld [tilespmem:s29+$0xFFFFFF70];
	[tilespmem:s1+$0xFFFFFFA0] =	vst v2;
	v6 =	vadd.f32 v6, v10  }
0x5b8: {  	v5 =	vld [tilespmem:s29+$0xFFFFFFB0];
	[tilespmem:s1+$0xFFFFFFE0] =	vst v1;
	v1 =	vadd.f32 v7, v11  }
0x5b9: {  	v2 =	vld [tilespmem:s29+$0xFFFFFFF0];
	[tilespmem:s1+$0x20] =	vst v6;
	v6 =	vadd.f32 v3, v12  }
0x5ba: {  	v3 =	vld [tilespmem:s29+$0x30];
	[tilespmem:s1+$0x60] =	vst v1  }
0x5bb: {  	v7 =	vadd.f32 v13, v4;
	v4 =	vld [tilespmem:s29+$0x70];
	[tilespmem:s1+$0xA0] =	vst v6  }
0x5bc: {  	v1 =	vld [tilespmem:s29+$0xB0]  }
0x5bd: {  	[tilespmem:s1+$0xFFFFFF30] =	vst v7;
	v7 =	vld [tilespmem:s1+$0xFFFFFF70]  }
.Ltmp11:
0x5be: {  	v10 =	vld [tilespmem:s1+$0xFFFFFFB0];
	(pc) =	sbr.rel @p0 .LBB2_24-.Ltmp11, $4  }
0x5bf: {  	v9 =	vld [tilespmem:s1+$0xFFFFFFF0]  }
0x5c0: {  	v8 =	vld [tilespmem:s1+$0x30]  }
0x5c1: {  	v6 =	vld [tilespmem:s1+$0x70]  }
0x5c2: {  	s1 =	sadd.s32 $0x200, s1;
	v11 =	vadd.f32 v14, v7;
	v7 =	vld [tilespmem:s30+$0xB0]  }
0x5c3: {  	v5 =	vadd.f32 v5, v10  }
0x5c4: {  	[tilespmem:s30+$0xFFFFFF70] =	vst v11;
	v2 =	vadd.f32 v2, v9  }
0x5c5: {  	[tilespmem:s30+$0xFFFFFFB0] =	vst v5;
	v3 =	vadd.f32 v3, v8  }
0x5c6: {  	[tilespmem:s30+$0xFFFFFFF0] =	vst v2;
	v2 =	vadd.f32 v4, v6  }
0x5c7: {  	[tilespmem:s30+$0x30] =	vst v3;
	v1 =	vadd.f32 v1, v7  }
0x5c8: {  	[tilespmem:s30+$0x70] =	vst v2  }
0x5c9: {  	[tilespmem:s30+$0xB0] =	vst v1  }
0x5ca: {  	v1 =	vld [tilespmem:s28+$0xF0]  }
0x5cb: {  	v2 =	vld [tilespmem:s28+$0xFFFFFF10]  }
0x5cc: {  	v3 =	vld [tilespmem:s28+$0xFFFFFF20]  }
0x5cd: {  	v4 =	vld [tilespmem:s28+$0xFFFFFF30]  }
0x5ce: {  	v5 =	vld [tilespmem:s28+$0xFFFFFF40]  }
0x5cf: {  	v6 =	vld [tilespmem:s28+$0xFFFFFF50];
	v1 =	vmul.f32 $1.999999960e-02, v1  }
0x5d0: {  	v7 =	vld [tilespmem:s28+$0xFFFFFF60];
	v2 =	vmul.f32 $1.999999960e-02, v2  }
0x5d1: {  	v8 =	vld [tilespmem:s28+$0xFFFFFF70];
	v3 =	vmul.f32 $1.999999960e-02, v3;
	[tilespmem:s28+$0xF0] =	vst v1  }
0x5d2: {  	[tilespmem:s28+$0xFFFFFF10] =	vst v2;
	v1 =	vmul.f32 $1.999999960e-02, v4;
	v2 =	vld [tilespmem:s28+$0xFFFFFF80]  }
0x5d3: {  	[tilespmem:s28+$0xFFFFFF20] =	vst v3;
	v3 =	vmul.f32 $1.999999960e-02, v5;
	v4 =	vld [tilespmem:s28+$0xFFFFFF90]  }
0x5d4: {  	v5 =	vld [tilespmem:s28+$0xFFFFFFA0];
	[tilespmem:s28+$0xFFFFFF30] =	vst v1;
	v1 =	vmul.f32 $1.999999960e-02, v6  }
0x5d5: {  	[tilespmem:s28+$0xFFFFFF40] =	vst v3;
	v3 =	vmul.f32 $1.999999960e-02, v7;
	v6 =	vld [tilespmem:s28+$0xFFFFFFB0]  }
0x5d6: {  	v7 =	vld [tilespmem:s28+$0xFFFFFFC0];
	[tilespmem:s28+$0xFFFFFF50] =	vst v1;
	v1 =	vmul.f32 $1.999999960e-02, v8  }
0x5d7: {  	[tilespmem:s28+$0xFFFFFF60] =	vst v3;
	v3 =	vld [tilespmem:s28+$0xFFFFFFD0];
	v2 =	vmul.f32 $1.999999960e-02, v2  }
0x5d8: {  	[tilespmem:s28+$0xFFFFFF70] =	vst v1;
	v1 =	vmul.f32 $1.999999960e-02, v4;
	v4 =	vld [tilespmem:s28+$0xFFFFFFE0]  }
0x5d9: {  	[tilespmem:s28+$0xFFFFFF80] =	vst v2;
	v2 =	vmul.f32 $1.999999960e-02, v5;
	v5 =	vld [tilespmem:s28+$0xFFFFFFF0]  }
0x5da: {  	[tilespmem:s28+$0xFFFFFF90] =	vst v1;
	v1 =	vmul.f32 $1.999999960e-02, v6;
	v6 =	vld [tilespmem:s28+$0x0]  }
0x5db: {  	[tilespmem:s28+$0xFFFFFFA0] =	vst v2;
	v2 =	vmul.f32 $1.999999960e-02, v7;
	v7 =	vld [tilespmem:s28+$0x10]  }
0x5dc: {  	[tilespmem:s28+$0xFFFFFFB0] =	vst v1;
	v1 =	vmul.f32 $1.999999960e-02, v3;
	v3 =	vld [tilespmem:s28+$0x20]  }
0x5dd: {  	[tilespmem:s28+$0xFFFFFFC0] =	vst v2;
	v2 =	vmul.f32 $1.999999960e-02, v4;
	v4 =	vld [tilespmem:s28+$0x30]  }
0x5de: {  	[tilespmem:s28+$0xFFFFFFD0] =	vst v1;
	v1 =	vmul.f32 $1.999999960e-02, v5;
	v5 =	vld [tilespmem:s28+$0x40]  }
0x5df: {  	[tilespmem:s28+$0xFFFFFFE0] =	vst v2;
	v2 =	vmul.f32 $1.999999960e-02, v6;
	v6 =	vld [tilespmem:s28+$0x50]  }
0x5e0: {  	[tilespmem:s28+$0xFFFFFFF0] =	vst v1;
	v1 =	vmul.f32 $1.999999960e-02, v7;
	v7 =	vld [tilespmem:s28+$0x60]  }
0x5e1: {  	[tilespmem:s28+$0x0] =	vst v2;
	v2 =	vmul.f32 $1.999999960e-02, v3;
	v3 =	vld [tilespmem:s28+$0x70]  }
0x5e2: {  	[tilespmem:s28+$0x10] =	vst v1;
	v1 =	vmul.f32 $1.999999960e-02, v4;
	v4 =	vld [tilespmem:s28+$0x80]  }
0x5e3: {  	[tilespmem:s28+$0x20] =	vst v2;
	v2 =	vmul.f32 $1.999999960e-02, v5;
	v5 =	vld [tilespmem:s28+$0x90]  }
0x5e4: {  	v8 =	vld [tilespmem:s28+$0xA0];
	[tilespmem:s28+$0x30] =	vst v1;
	v6 =	vmul.f32 $1.999999960e-02, v6  }
0x5e5: {  	v1 =	vld [tilespmem:s28+$0xB0];
	[tilespmem:s28+$0x40] =	vst v2;
	v7 =	vmul.f32 $1.999999960e-02, v7  }
0x5e6: {  	v2 =	vld [tilespmem:s28+$0xC0];
	[tilespmem:s28+$0x50] =	vst v6;
	v6 =	vmul.f32 $1.999999960e-02, v3  }
0x5e7: {  	v3 =	vld [tilespmem:s28+$0xD0];
	[tilespmem:s28+$0x60] =	vst v7;
	v7 =	vmul.f32 $1.999999960e-02, v4  }
0x5e8: {  	v4 =	vld [tilespmem:s28+$0xE0];
	[tilespmem:s28+$0x70] =	vst v6;
	v6 =	vmul.f32 $1.999999960e-02, v5  }
0x5e9: {  	s0 =	simm.s32 $0x0;
	s1 =	simm.s32 $0xBC00;
	v5 =	vld [tilespmem:s28+$0xFFFFFF00];
	[tilespmem:s28+$0x80] =	vst v7;
	v7 =	vmul.f32 $1.999999960e-02, v8  }
.LBB2_26:
0x5ea: {  	v8 =	vld [tilespmem:s1+$0xF0];
	s0 =	sadd.s32 $0x8, s0;
	[tilespmem:s28+$0x90] =	vst v6;
	v1 =	vmul.f32 $1.999999960e-02, v1  }
0x5eb: {  	v6 =	vld [tilespmem:s1+$0xFFFFFF10];
	p0 =	slt.u32 s0, $0x78;
	[tilespmem:s28+$0xA0] =	vst v7;
	v2 =	vmul.f32 $1.999999960e-02, v2  }
0x5ec: {  	v7 =	vld [tilespmem:s1+$0xFFFFFF20];
	[tilespmem:s28+$0xB0] =	vst v1;
	v1 =	vmul.f32 $1.999999960e-02, v3  }
0x5ed: {  	v3 =	vld [tilespmem:s1+$0xFFFFFF30];
	[tilespmem:s28+$0xC0] =	vst v2;
	v2 =	vmul.f32 $1.999999960e-02, v4  }
0x5ee: {  	v4 =	vld [tilespmem:s1+$0xFFFFFF40];
	v5 =	vmul.f32 $1.999999960e-02, v5;
	[tilespmem:s28+$0xD0] =	vst v1  }
0x5ef: {  	v1 =	vld [tilespmem:s1+$0xFFFFFF50];
	v8 =	vmul.f32 $1.999999960e-02, v8;
	[tilespmem:s28+$0xE0] =	vst v2  }
0x5f0: {  	v2 =	vmul.f32 $1.999999960e-02, v6;
	v6 =	vld [tilespmem:s1+$0xFFFFFF60];
	[tilespmem:s28+$0xFFFFFF00] =	vst v5;
	s28 =	smov.u32 s1  }
0x5f1: {  	v5 =	vmul.f32 $1.999999960e-02, v7;
	v7 =	vld [tilespmem:s1+$0xFFFFFF70];
	[tilespmem:s1+$0xF0] =	vst v8  }
0x5f2: {  	[tilespmem:s1+$0xFFFFFF10] =	vst v2;
	v2 =	vmul.f32 $1.999999960e-02, v3;
	v3 =	vld [tilespmem:s1+$0xFFFFFF80]  }
0x5f3: {  	[tilespmem:s1+$0xFFFFFF20] =	vst v5;
	v4 =	vmul.f32 $1.999999960e-02, v4;
	v5 =	vld [tilespmem:s1+$0xFFFFFF90]  }
0x5f4: {  	[tilespmem:s1+$0xFFFFFF30] =	vst v2;
	v1 =	vmul.f32 $1.999999960e-02, v1;
	v2 =	vld [tilespmem:s1+$0xFFFFFFA0]  }
0x5f5: {  	[tilespmem:s1+$0xFFFFFF40] =	vst v4;
	v4 =	vmul.f32 $1.999999960e-02, v6;
	v6 =	vld [tilespmem:s1+$0xFFFFFFB0]  }
0x5f6: {  	[tilespmem:s1+$0xFFFFFF50] =	vst v1;
	v1 =	vmul.f32 $1.999999960e-02, v7;
	v7 =	vld [tilespmem:s1+$0xFFFFFFC0]  }
0x5f7: {  	[tilespmem:s1+$0xFFFFFF60] =	vst v4;
	v3 =	vmul.f32 $1.999999960e-02, v3;
	v4 =	vld [tilespmem:s1+$0xFFFFFFD0]  }
0x5f8: {  	[tilespmem:s1+$0xFFFFFF70] =	vst v1;
	v1 =	vmul.f32 $1.999999960e-02, v5;
	v5 =	vld [tilespmem:s1+$0xFFFFFFE0]  }
0x5f9: {  	[tilespmem:s1+$0xFFFFFF80] =	vst v3;
	v2 =	vmul.f32 $1.999999960e-02, v2;
	v3 =	vld [tilespmem:s1+$0xFFFFFFF0]  }
0x5fa: {  	[tilespmem:s1+$0xFFFFFF90] =	vst v1;
	v1 =	vmul.f32 $1.999999960e-02, v6;
	v6 =	vld [tilespmem:s1+$0x0]  }
0x5fb: {  	[tilespmem:s1+$0xFFFFFFA0] =	vst v2;
	v2 =	vmul.f32 $1.999999960e-02, v7;
	v7 =	vld [tilespmem:s1+$0x10]  }
0x5fc: {  	[tilespmem:s1+$0xFFFFFFB0] =	vst v1;
	v1 =	vmul.f32 $1.999999960e-02, v4;
	v4 =	vld [tilespmem:s1+$0x20]  }
0x5fd: {  	[tilespmem:s1+$0xFFFFFFC0] =	vst v2;
	v2 =	vmul.f32 $1.999999960e-02, v5;
	v5 =	vld [tilespmem:s1+$0x30]  }
0x5fe: {  	[tilespmem:s1+$0xFFFFFFD0] =	vst v1;
	v1 =	vmul.f32 $1.999999960e-02, v3;
	v3 =	vld [tilespmem:s1+$0x40]  }
0x5ff: {  	[tilespmem:s1+$0xFFFFFFE0] =	vst v2;
	v2 =	vmul.f32 $1.999999960e-02, v6;
	v6 =	vld [tilespmem:s1+$0x50]  }
0x600: {  	[tilespmem:s1+$0xFFFFFFF0] =	vst v1;
	v1 =	vmul.f32 $1.999999960e-02, v7;
	v7 =	vld [tilespmem:s1+$0x60]  }
0x601: {  	[tilespmem:s1+$0x0] =	vst v2;
	v2 =	vmul.f32 $1.999999960e-02, v4;
	v4 =	vld [tilespmem:s1+$0x70]  }
0x602: {  	[tilespmem:s1+$0x10] =	vst v1;
	v1 =	vmul.f32 $1.999999960e-02, v5;
	v5 =	vld [tilespmem:s1+$0x80]  }
0x603: {  	[tilespmem:s1+$0x20] =	vst v2;
	v2 =	vmul.f32 $1.999999960e-02, v3;
	v8 =	vld [tilespmem:s1+$0x90]  }
0x604: {  	[tilespmem:s1+$0x30] =	vst v1;
	v3 =	vmul.f32 $1.999999960e-02, v6;
	v9 =	vld [tilespmem:s1+$0xA0]  }
.Ltmp12:
0x605: {  	[tilespmem:s1+$0x40] =	vst v2;
	v6 =	vmul.f32 $1.999999960e-02, v7;
	v1 =	vld [tilespmem:s1+$0xB0];
	(pc) =	sbr.rel @p0 .LBB2_26-.Ltmp12, $4  }
0x606: {  	[tilespmem:s1+$0x50] =	vst v3;
	v4 =	vmul.f32 $1.999999960e-02, v4;
	v2 =	vld [tilespmem:s1+$0xC0]  }
0x607: {  	[tilespmem:s1+$0x60] =	vst v6;
	v7 =	vmul.f32 $1.999999960e-02, v5;
	v3 =	vld [tilespmem:s1+$0xD0]  }
0x608: {  	[tilespmem:s1+$0x70] =	vst v4;
	v6 =	vmul.f32 $1.999999960e-02, v8;
	v4 =	vld [tilespmem:s1+$0xE0]  }
0x609: {  	s1 =	sadd.s32 $0x200, s1;
	v5 =	vld [tilespmem:s28+$0xFFFFFF00];
	[tilespmem:s28+$0x80] =	vst v7;
	v7 =	vmul.f32 $1.999999960e-02, v9  }
0x60a: {  	[tilespmem:s28+$0x90] =	vst v6;
	v1 =	vmul.f32 $1.999999960e-02, v1  }
0x60b: {  	[tilespmem:s28+$0xA0] =	vst v7;
	v2 =	vmul.f32 $1.999999960e-02, v2  }
0x60c: {  	[tilespmem:s28+$0xB0] =	vst v1;
	v1 =	vmul.f32 $1.999999960e-02, v3  }
0x60d: {  	[tilespmem:s28+$0xC0] =	vst v2;
	v2 =	vmul.f32 $1.999999960e-02, v4  }
0x60e: {  	s26 =	sadd.s32 $0x1, s26;
	v3 =	vmul.f32 $1.999999960e-02, v5;
	[tilespmem:s28+$0xD0] =	vst v1  }
0x60f: {  	p0 =	sne.s32 s26, s7;
	[tilespmem:s28+$0xE0] =	vst v2  }
.Ltmp13:
0x610: {  	[tilespmem:s28+$0xFFFFFF00] =	vst v3;
	(pc) =	sbr.rel @p0 .LBB2_1-.Ltmp13, $4  }
0x611: {  	[hbm4b:s6+s2] =	stream.linear.scatter [tilespmem:s25], [sflag:$0x7], $0x2000, $0x38;
	[tilespmem:$0xD900] =	vst v63  }
0x612: {  	_ =	swait.ge [sflag:s8], $0x2000  }
0x613: {  	[sflag:s8] =	ssyncset.done $0x0  }
0x614: {  	[sflag:s8] =	ssyncadd.s32 $0xFFFFE000  }
0x615: {  	_ =	sfence.sel $0x180000  }
0x616: {  	[bflag:$0x0] =	sbarrier.arrive $0xFFFF  }
0x617: {  	_ =	strace $0x90000047  }
0x618: {  	s0 =	stileid.u32;
	[bflag:$0x2] =	sbarrier.arrive $0xFFFF  }
0x619: {  	p0 =	sne.s32 s0, $0x0;
	s0 =	rddreg [dreg:$0x2]  }
0x61a: {  	s0 =	sadd.s32 @!p0 $0x100000, s0  }
0x61b: {  	[sflag:s0] =	ssyncadd.tile.s32 @!p0 $0x1;
	_ =	shalt  }
.Lfunc_end2:
_tile_overlayer_lowered:
.L_overlay_start_2:
0x61c: {  	(tag) =	ssettag $0x2  }
0x61d: {  	s0 =	rddreg [dreg:$0x0];
	s2 =	stileid.u32  }
0x61e: {  	s1 =	rddreg [dreg:$0x1];
	p0 =	sne.s32 s2, $0x0  }
0x61f: {  	s3 =	rddreg [dreg:$0x2];
	[bflag:$0x3] =	sbarrier.arrive $0xFFFF;
	s2 =	simm.s32 @!p0 $0x1C07  }
0x620: {  	[timem:s3], [sflag:s2] =	dma.local @!p0 [hbm:s0], s1  }
0x621: {  	s0 =	simm.s32 @!p0 $0x7  }
0x622: {  	_ =	swait.ge @!p0 [sflag:s0], s1  }
0x623: {  	s1 =	ssub.s32 @!p0 $0x0, s1;
	[sflag:s0] =	ssyncset.done @!p0 $0x0  }
0x624: {  	[sflag:s0] =	ssyncadd.s32 @!p0 s1  }
0x625: {  	[bflag:$0x3] =	sbarrier.arrive $0xFFFF  }
0x626: {  	_ =	shalt  }

</sc_bundles>
